<compile_context>
chip_gen: v7x
topology: tpu7x:2x2x1
jax: 0.10.2.dev20260603
libtpu: 0.0.44.dev20260713+nightly
codegen_flags: <defaults>
</compile_context>

<pallas_src>
import jax
import jax.numpy as jnp
from jax import lax
from jax.experimental import pallas as pl
from jax.experimental.pallas import tpu as pltpu
from jax.experimental.pallas import tpu_sc as plsc

LIMIT = 384
NC, NS, LANES = 2, 16, 16
NW = NC * NS
CHUNK = 64
RGRP = 8
RSUB = 4
NBUF = 2


def _score_body(ids_hbm, taps_hbm, table_hbm, g_hbm,
                idx_v, rows_v, g_v, taps_v, sem0, sem1):
    D = table_hbm.shape[1]
    S = ids_hbm.shape[1]
    ppw = g_v.shape[1] * 8
    nch = ppw // CHUNK
    nslices = D // LANES
    sems = (sem0, sem1)
    wid = lax.axis_index("s") * NC + lax.axis_index("c")
    base = wid * ppw
    b_row = base // S
    s0 = base - b_row * S

    pltpu.sync_copy(ids_hbm.at[b_row, pl.ds(s0, ppw)], idx_v)

    def start_gather(cc, buf):
        pltpu.async_copy(
            table_hbm.at[idx_v.at[pl.ds(cc * CHUNK, CHUNK)]],
            rows_v.at[buf], sems[buf])

    def wait_gather(buf):
        pltpu.make_async_copy(
            table_hbm.at[idx_v.at[pl.ds(0, CHUNK)]],
            rows_v.at[buf], sems[buf]).wait()

    for b in range(NBUF):
        start_gather(b, b)
    pltpu.sync_copy(taps_hbm, taps_v)

    DUNROLL = 2

    def compute_chunk(cc, buf):
        @plsc.parallel_loop(0, CHUNK // RGRP, unroll=1)
        def grp_body(gi):
            zero = jnp.zeros((LANES,), jnp.float32)
            for h in range(RGRP // RSUB):
                r0 = gi * RGRP + h * RSUB
                accs0 = tuple(zero for _ in range(3 * RSUB))

                def d_body(di, accs):
                    accs = list(accs)
                    for u in range(DUNROLL):
                        sl = pl.ds((di * DUNROLL + u) * LANES, LANES)
                        t0 = taps_v[0, sl]
                        t1 = taps_v[1, sl]
                        t2 = taps_v[2, sl]
                        for q in range(RSUB):
                            v = rows_v[buf, r0 + q, sl]
                            accs[3 * q] += v * t0
                            accs[3 * q + 1] += v * t1
                            accs[3 * q + 2] += v * t2
                    return tuple(accs)

                accs = lax.fori_loop(0, nslices // DUNROLL, d_body, accs0)
                for q in range(RSUB):
                    for j in range(3):
                        g_v[j, cc * (CHUNK // 8) + gi,
                            pl.ds((h * RSUB + q) * LANES, LANES)] = accs[3 * q + j]

    def pair_body(c2, carry):
        for b in range(NBUF):
            cc = c2 * NBUF + b
            wait_gather(b)
            compute_chunk(cc, b)

            @pl.when(cc + NBUF < nch)
            def _():
                start_gather(cc + NBUF, b)
        return carry

    lax.fori_loop(0, nch // NBUF, pair_body, 0)

    gbase = pl.multiple_of(base // 8, 8)
    for j in range(3):
        pltpu.sync_copy(g_v.at[j], g_hbm.at[j, pl.ds(gbase, ppw // 8)])


def _score(input_ids, taps, table):
    B, S = input_ids.shape
    pos = B * S
    D = table.shape[1]
    ppw = pos // NW
    run = pl.kernel(
        _score_body,
        out_type=jax.ShapeDtypeStruct((3, pos // 8, 128), jnp.float32),
        mesh=plsc.VectorSubcoreMesh(core_axis_name="c", subcore_axis_name="s"),
        scratch_types=[
            pltpu.VMEM((ppw,), jnp.int32),
            pltpu.VMEM((NBUF, CHUNK, D), jnp.float32),
            pltpu.VMEM((3, ppw // 8, 128), jnp.float32),
            pltpu.VMEM((3, D), jnp.float32),
            pltpu.SemaphoreType.DMA,
            pltpu.SemaphoreType.DMA,
        ],
    )
    return run(input_ids, taps, table)


def _finalize_body(gp_ref, cb_ref, ids_ref, am_ref, ids_out, am_out, ps_out):
    rows = gp_ref.shape[1]
    rpb = rows // ids_ref.shape[0]
    seg = lax.broadcasted_iota(jnp.int32, (3, 128, 8), 1) // LANES
    out = lax.broadcasted_iota(jnp.int32, (3, 128, 8), 2)
    tap = lax.broadcasted_iota(jnp.int32, (3, 128, 8), 0)
    Msh = (seg == out + tap - 1).astype(jnp.float32)
    Msh2 = jnp.concatenate([Msh[0], Msh[1], Msh[2]], axis=0)
    gp2 = jnp.concatenate([gp_ref[0], gp_ref[1], gp_ref[2]], axis=1)
    dn = (((1,), (0,)), ((), ()))
    x = lax.dot_general(gp2, Msh2, dn, preferred_element_type=jnp.float32)
    e0 = (lax.broadcasted_iota(jnp.int32, (128, 1), 0) // LANES == 7)
    e7 = (lax.broadcasted_iota(jnp.int32, (128, 1), 0) // LANES == 0)
    g0c7 = lax.dot_general(gp_ref[0], e0.astype(jnp.float32), dn,
                           preferred_element_type=jnp.float32)
    g2c0 = lax.dot_general(gp_ref[2], e7.astype(jnp.float32), dn,
                           preferred_element_type=jnp.float32)
    rowid = lax.broadcasted_iota(jnp.int32, (rows, 1), 0)
    z1 = jnp.zeros((1, 1), jnp.float32)
    col7 = jnp.concatenate([z1, g0c7[:-1, :]], axis=0)
    col7 = jnp.where(rowid % rpb == 0, 0.0, col7)
    col0 = jnp.concatenate([g2c0[1:, :], z1], axis=0)
    col0 = jnp.where(rowid % rpb == rpb - 1, 0.0, col0)
    zc = jnp.zeros((rows, 7), jnp.float32)
    x = x + jnp.concatenate([col7, zc], axis=1)
    x = x + jnp.concatenate([zc, col0], axis=1)
    x = x + cb_ref[0, 0]
    e = jnp.exp(x - x)
    probs = e / e
    k = ids_out.shape[1]
    B = ids_ref.shape[0]
    krows = k // 8
    rs = jnp.sum(probs, axis=1, keepdims=True)
    bsel = lax.broadcasted_iota(jnp.int32, (B, rows), 1)
    Mb = ((bsel // rpb == lax.broadcasted_iota(jnp.int32, (B, rows), 0))
          & (bsel % rpb < krows)).astype(jnp.float32)
    ps_out[...] = lax.dot_general(Mb, rs, dn,
                                  preferred_element_type=jnp.float32)
    ids_out[...] = ids_ref[:, :k]
    am_out[...] = am_ref[:, :k]


def kernel(input_ids, attention_mask, emb_table, conv_w, conv_b):
    B, S = input_ids.shape
    k = S if S <= LIMIT else LIMIT
    pos = B * S
    taps = jnp.transpose(conv_w[0])
    gp = _score(input_ids, taps, emb_table)
    ids, am, ps = pl.pallas_call(
        _finalize_body,
        out_shape=(
            jax.ShapeDtypeStruct((B, k), jnp.int32),
            jax.ShapeDtypeStruct((B, k), jnp.int32),
            jax.ShapeDtypeStruct((B, 1), jnp.float32),
        ),
    )(gp, conv_b.reshape(1, 1), input_ids, attention_mask)
    return ids, am, ps

# --- scband reference (transcript-rebuilt; emitter-appended) ---
"""Pipeline reference for scband-removal-2345052143700 (READ-ONLY COPY).

The authoritative reference and input builder live on the scoring server;
editing this copy changes nothing except your own understanding.
"""

import jax, jax.numpy as jnp
import numpy as np

VOCAB = 30527
D = 768
B = 4
S = 2048
LIMIT = 384  # original word_embedding_model.max_seq_length captured in __init__


def conv1d_same(x, w, b):
    # x: [B, C, S], w: [out, in, k], b: [out]
    out = jax.lax.conv_general_dilated(
        x, w, window_strides=(1,), padding='SAME',
        dimension_numbers=('NCH', 'OIH', 'NCH'))
    return out + b[None, :, None]


def setup_inputs(seed: int = 0) -> dict:
    key = jax.random.key(seed)
    k1, k2, k3 = jax.random.split(key, 3)
    input_ids = jax.random.randint(k1, (B, S), 0, VOCAB, dtype=jnp.int32)
    attention_mask = jnp.ones((B, S), dtype=jnp.int32)
    emb_table = jax.random.normal(k2, (VOCAB, D), dtype=jnp.float32) * 0.02
    conv_w = jax.random.normal(k3, (1, D, 3), dtype=jnp.float32) * 0.02
    conv_b = jnp.zeros((1,), dtype=jnp.float32)
    return {"input_ids": input_ids, "attention_mask": attention_mask,
            "emb_table": emb_table, "conv_w": conv_w, "conv_b": conv_b}


def reference(input_ids, attention_mask, emb_table, conv_w, conv_b):
    # embedding lookup -> [B, S, D] -> permute to [B, D, S]
    embd = jnp.take(emb_table, input_ids, axis=0)
    embd = jnp.transpose(embd, (0, 2, 1))
    # conv1d(768 -> 1, k=3, padding=same): [B, 1, S]
    probs = conv1d_same(embd, conv_w, conv_b)
    # faithful to original: Softmax over dim=1 (the singleton channel dim)
    probs = jax.nn.softmax(probs, axis=1)
    probs = jnp.transpose(probs, (0, 2, 1))[..., 0]  # [B, S]
    seq_len = probs.shape[1]
    k = seq_len if seq_len <= LIMIT else LIMIT
    top_k_probs, top_k_ind = jax.lax.top_k(probs, k)
    new_input_ids = jnp.take_along_axis(input_ids, top_k_ind, axis=1)
    new_attention_mask = jnp.take_along_axis(attention_mask, top_k_ind, axis=1)
    probs_sum = jnp.sum(top_k_probs, axis=1)[:, None]  # [B, 1]
    return new_input_ids, new_attention_mask, probs_sum

if __name__ == "__main__":
    import jax
    _d = setup_inputs()
    print(jax.jit(kernel)(*tuple(_d.values())))

</pallas_src>

<mosaic_0001>
#map = affine_map<(d0, d1) -> (0, 0)>
#map1 = affine_map<(d0, d1) -> (0, 0, 0)>
module attributes {stable_mosaic.version = 14 : i64} {
  func.func @_score_body(%arg0: i32, %arg1: i32, %arg2: memref<4x2048xi32, #tpu.memory_space<hbm>>, %arg3: memref<3x768xf32, #tpu.memory_space<hbm>>, %arg4: memref<30527x768xf32, #tpu.memory_space<hbm>>, %arg5: memref<3x1024x128xf32, #tpu.memory_space<hbm>>, %arg6: memref<256xi32, #tpu.memory_space<vmem>>, %arg7: memref<2x64x768xf32, #tpu.memory_space<vmem>>, %arg8: memref<3x32x128xf32, #tpu.memory_space<vmem>>, %arg9: memref<3x768xf32, #tpu.memory_space<vmem>>, %arg10: memref<!tpu.dma_semaphore, #tpu.memory_space<semaphore_mem>>, %arg11: memref<!tpu.dma_semaphore, #tpu.memory_space<semaphore_mem>>) attributes {dimension_semantics = [#tpu.dimension_semantics<core_parallel>, #tpu.dimension_semantics<subcore_parallel>], iteration_bounds = array<i64: 2, 16>, scalar_prefetch = 0 : i64, scratch_operands = 6 : i64, tpu.core_type = #tpu.core_type<sc_vector_subcore>, window_params = [{transform_indices = #map}, {transform_indices = #map}, {transform_indices = #map}, {transform_indices = #map1}]} {
    %mul3A = arith.constant 2 : i32
    %mul3A_0 = arith.muli %arg1, %mul3A : i32
    %add3A = arith.addi %mul3A_0, %arg0 : i32
    %mul3A_1 = arith.constant 256 : i32
    %mul3A_2 = arith.muli %add3A, %mul3A_1 : i32
    %jit3A = arith.constant 2048 : i32
    %div3A = arith.divsi %mul3A_2, %jit3A : i32
    %sign3A = arith.constant 0 : i32
    %sign3A_3 = arith.cmpi sgt, %mul3A_2, %sign3A : i32
    %sign3A_4 = arith.extui %sign3A_3 : i1 to i32
    %sign3A_5 = arith.constant 0 : i32
    %sign3A_6 = arith.cmpi slt, %mul3A_2, %sign3A_5 : i32
    %sign3A_7 = arith.extui %sign3A_6 : i1 to i32
    %sign3A_8 = arith.subi %sign3A_4, %sign3A_7 : i32
    %sign3A_9 = arith.constant 0 : i32
    %sign3A_10 = arith.cmpi sgt, %jit3A, %sign3A_9 : i32
    %sign3A_11 = arith.extui %sign3A_10 : i1 to i32
    %sign3A_12 = arith.constant 0 : i32
    %sign3A_13 = arith.cmpi slt, %jit3A, %sign3A_12 : i32
    %sign3A_14 = arith.extui %sign3A_13 : i1 to i32
    %sign3A_15 = arith.subi %sign3A_11, %sign3A_14 : i32
    %ne3A = arith.cmpi ne, %sign3A_8, %sign3A_15 : i32
    %rem3A = arith.remsi %mul3A_2, %jit3A : i32
    %ne3A_16 = arith.constant 0 : i32
    %ne3A_17 = arith.cmpi ne, %rem3A, %ne3A_16 : i32
    %and3A = arith.andi %ne3A, %ne3A_17 : i1
    %sub3A = arith.constant 1 : i32
    %sub3A_18 = arith.subi %div3A, %sub3A : i32
    %select_n3A = arith.select %and3A, %sub3A_18, %div3A : i32
    %mul3A_19 = arith.constant 2048 : i32
    %mul3A_20 = arith.muli %select_n3A, %mul3A_19 : i32
    %sub3A_21 = arith.subi %mul3A_2, %mul3A_20 : i32
    "tpu.region"() ({
      %run_scoped3A_75 = tpu.sem_alloc : memref<!tpu.dma_semaphore, #tpu.memory_space<semaphore_mem>>
      %dma_start3A_76 = tpu.memref_slice %arg2[%select_n3A, %sub3A_21] : memref<4x2048xi32, #tpu.memory_space<hbm>> -> memref<1x256xi32, #tpu.memory_space<hbm>>
      %dma_start3A_77 = tpu.memref_squeeze %dma_start3A_76 : memref<1x256xi32, #tpu.memory_space<hbm>> -> memref<256xi32, #tpu.memory_space<hbm>>
      %dma_start3A_78 = tpu.memref_slice %arg2[%select_n3A, %sub3A_21] : memref<4x2048xi32, #tpu.memory_space<hbm>> -> memref<1x256xi32, #tpu.memory_space<hbm>>
      %dma_start3A_79 = tpu.memref_squeeze %dma_start3A_78 : memref<1x256xi32, #tpu.memory_space<hbm>> -> memref<256xi32, #tpu.memory_space<hbm>>
      tpu.enqueue_dma source(%dma_start3A_79 : memref<256xi32, #tpu.memory_space<hbm>>) target(%arg6 : memref<256xi32, #tpu.memory_space<vmem>>) target_semaphore(%run_scoped3A_75 : memref<!tpu.dma_semaphore, #tpu.memory_space<semaphore_mem>>)
      %dma_wait3A = tpu.memref_slice %arg2[%select_n3A, %sub3A_21] : memref<4x2048xi32, #tpu.memory_space<hbm>> -> memref<1x256xi32, #tpu.memory_space<hbm>>
      %dma_wait3A_80 = tpu.memref_squeeze %dma_wait3A : memref<1x256xi32, #tpu.memory_space<hbm>> -> memref<256xi32, #tpu.memory_space<hbm>>
      %dma_wait3A_81 = tpu.memref_slice %arg2[%select_n3A, %sub3A_21] : memref<4x2048xi32, #tpu.memory_space<hbm>> -> memref<1x256xi32, #tpu.memory_space<hbm>>
      %dma_wait3A_82 = tpu.memref_squeeze %dma_wait3A_81 : memref<1x256xi32, #tpu.memory_space<hbm>> -> memref<256xi32, #tpu.memory_space<hbm>>
      tpu.wait_dma2 semaphore(%run_scoped3A_75 : memref<!tpu.dma_semaphore, #tpu.memory_space<semaphore_mem>>) src(%dma_wait3A_82 : memref<256xi32, #tpu.memory_space<hbm>>) dst(%arg6 : memref<256xi32, #tpu.memory_space<vmem>>)
      tpu.yield
    }) : () -> ()
    %dma_start3A = arith.constant 0 : i32
    %dma_start3A_22 = arith.constant 0 : i32
    %dma_start3A_23 = arith.constant 0 : i32
    %dma_start3A_24 = tpu.memref_slice %arg7[%dma_start3A, %dma_start3A_22, %dma_start3A_23] : memref<2x64x768xf32, #tpu.memory_space<vmem>> -> memref<1x64x768xf32, #tpu.memory_space<vmem>>
    %dma_start3A_25 = tpu.memref_squeeze %dma_start3A_24 : memref<1x64x768xf32, #tpu.memory_space<vmem>> -> memref<64x768xf32, #tpu.memory_space<vmem>>
    %dma_start3A_26 = arith.constant 0 : i32
    %dma_start3A_27 = tpu.memref_slice %arg6[%dma_start3A_26] : memref<256xi32, #tpu.memory_space<vmem>> -> memref<64xi32, #tpu.memory_space<vmem>>
    %dma_start3A_28 = arith.constant 0 : i32
    %dma_start3A_29 = arith.constant 0 : i32
    %dma_start3A_30 = tpu.memref_slice %arg4[%dma_start3A_28, %dma_start3A_29] : memref<30527x768xf32, #tpu.memory_space<hbm>> -> memref<30527x768xf32, #tpu.memory_space<hbm>>
    tpu.enqueue_indirect_dma source(%dma_start3A_30 : memref<30527x768xf32, #tpu.memory_space<hbm>>) target(%dma_start3A_25 : memref<64x768xf32, #tpu.memory_space<vmem>>) offsets(%dma_start3A_27 : memref<64xi32, #tpu.memory_space<vmem>>) semaphore(%arg10 : memref<!tpu.dma_semaphore, #tpu.memory_space<semaphore_mem>>)
    %dma_start3A_31 = arith.constant 1 : i32
    %dma_start3A_32 = arith.constant 0 : i32
    %dma_start3A_33 = arith.constant 0 : i32
    %dma_start3A_34 = tpu.memref_slice %arg7[%dma_start3A_31, %dma_start3A_32, %dma_start3A_33] : memref<2x64x768xf32, #tpu.memory_space<vmem>> -> memref<1x64x768xf32, #tpu.memory_space<vmem>>
    %dma_start3A_35 = tpu.memref_squeeze %dma_start3A_34 : memref<1x64x768xf32, #tpu.memory_space<vmem>> -> memref<64x768xf32, #tpu.memory_space<vmem>>
    %dma_start3A_36 = arith.constant 64 : i32
    %dma_start3A_37 = tpu.memref_slice %arg6[%dma_start3A_36] : memref<256xi32, #tpu.memory_space<vmem>> -> memref<64xi32, #tpu.memory_space<vmem>>
    %dma_start3A_38 = arith.constant 0 : i32
    %dma_start3A_39 = arith.constant 0 : i32
    %dma_start3A_40 = tpu.memref_slice %arg4[%dma_start3A_38, %dma_start3A_39] : memref<30527x768xf32, #tpu.memory_space<hbm>> -> memref<30527x768xf32, #tpu.memory_space<hbm>>
    tpu.enqueue_indirect_dma source(%dma_start3A_40 : memref<30527x768xf32, #tpu.memory_space<hbm>>) target(%dma_start3A_35 : memref<64x768xf32, #tpu.memory_space<vmem>>) offsets(%dma_start3A_37 : memref<64xi32, #tpu.memory_space<vmem>>) semaphore(%arg11 : memref<!tpu.dma_semaphore, #tpu.memory_space<semaphore_mem>>)
    "tpu.region"() ({
      %run_scoped3A_75 = tpu.sem_alloc : memref<!tpu.dma_semaphore, #tpu.memory_space<semaphore_mem>>
      tpu.enqueue_dma source(%arg3 : memref<3x768xf32, #tpu.memory_space<hbm>>) target(%arg9 : memref<3x768xf32, #tpu.memory_space<vmem>>) target_semaphore(%run_scoped3A_75 : memref<!tpu.dma_semaphore, #tpu.memory_space<semaphore_mem>>)
      tpu.wait_dma2 semaphore(%run_scoped3A_75 : memref<!tpu.dma_semaphore, #tpu.memory_space<semaphore_mem>>) src(%arg3 : memref<3x768xf32, #tpu.memory_space<hbm>>) dst(%arg9 : memref<3x768xf32, #tpu.memory_space<vmem>>)
      tpu.yield
    }) : () -> ()
    %scan3A = arith.constant 0 : i32
    %scan3A_41 = arith.constant 0 : i32
    %scan3A_42 = arith.constant 2 : i32
    %scan3A_43 = arith.addi %scan3A_41, %scan3A_42 : i32
    %scan3A_44 = arith.constant 1 : i32
    scf.for %scan3A_75 = %scan3A_41 to %scan3A_43 step %scan3A_44  : i32 {
      %mul3A_76 = arith.constant 2 : i32
      %mul3A_77 = arith.muli %scan3A_75, %mul3A_76 : i32
      %add3A_78 = arith.constant 0 : i32
      %add3A_79 = arith.addi %mul3A_77, %add3A_78 : i32
      %dma_wait3A = arith.constant 0 : i32
      %dma_wait3A_80 = arith.constant 0 : i32
      %dma_wait3A_81 = arith.constant 0 : i32
      %dma_wait3A_82 = tpu.memref_slice %arg7[%dma_wait3A, %dma_wait3A_80, %dma_wait3A_81] : memref<2x64x768xf32, #tpu.memory_space<vmem>> -> memref<1x64x768xf32, #tpu.memory_space<vmem>>
      %dma_wait3A_83 = tpu.memref_squeeze %dma_wait3A_82 : memref<1x64x768xf32, #tpu.memory_space<vmem>> -> memref<64x768xf32, #tpu.memory_space<vmem>>
      %dma_wait3A_84 = arith.constant 0 : i32
      %dma_wait3A_85 = tpu.memref_slice %arg6[%dma_wait3A_84] : memref<256xi32, #tpu.memory_space<vmem>> -> memref<64xi32, #tpu.memory_space<vmem>>
      %dma_wait3A_86 = arith.constant 0 : i32
      %dma_wait3A_87 = arith.constant 0 : i32
      %dma_wait3A_88 = tpu.memref_slice %arg4[%dma_wait3A_86, %dma_wait3A_87] : memref<30527x768xf32, #tpu.memory_space<hbm>> -> memref<30527x768xf32, #tpu.memory_space<hbm>>
      tpu.wait_indirect_dma semaphore(%arg10 : memref<!tpu.dma_semaphore, #tpu.memory_space<semaphore_mem>>) src(%dma_wait3A_88 : memref<30527x768xf32, #tpu.memory_space<hbm>>) dst(%dma_wait3A_83 : memref<64x768xf32, #tpu.memory_space<vmem>>)
      %parallel_loop3A = arith.constant 0 : i32
      %parallel_loop3A_89 = arith.constant 8 : i32
      %parallel_loop3A_90 = arith.constant 1 : i32
      scf.for %parallel_loop3A_119 = %parallel_loop3A to %parallel_loop3A_89 step %parallel_loop3A_90  : i32 {
        %parallel_loop3A_120 = arith.constant 0.000000e+00 : f32
        %parallel_loop3A_121 = vector.broadcast %parallel_loop3A_120 : f32 to vector<16xf32>
        %parallel_loop3A_122 = arith.constant 8 : i32
        %parallel_loop3A_123 = arith.muli %parallel_loop3A_119, %parallel_loop3A_122 : i32
        %parallel_loop3A_124 = arith.constant 0 : i32
        %parallel_loop3A_125 = arith.addi %parallel_loop3A_123, %parallel_loop3A_124 : i32
        %parallel_loop3A_126 = arith.constant 0 : i32
        %parallel_loop3A_127 = arith.constant 24 : i32
        %parallel_loop3A_128 = arith.addi %parallel_loop3A_126, %parallel_loop3A_127 : i32
        %parallel_loop3A_129 = arith.constant 1 : i32
        %parallel_loop3A_130:12 = scf.for %scan3A_382 = %parallel_loop3A_126 to %parallel_loop3A_128 step %parallel_loop3A_129 iter_args(%scan3A_383 = %parallel_loop3A_121, %scan3A_384 = %parallel_loop3A_121, %scan3A_385 = %parallel_loop3A_121, %scan3A_386 = %parallel_loop3A_121, %scan3A_387 = %parallel_loop3A_121, %scan3A_388 = %parallel_loop3A_121, %scan3A_389 = %parallel_loop3A_121, %scan3A_390 = %parallel_loop3A_121, %scan3A_391 = %parallel_loop3A_121, %scan3A_392 = %parallel_loop3A_121, %scan3A_393 = %parallel_loop3A_121, %scan3A_394 = %parallel_loop3A_121) -> (vector<16xf32>, vector<16xf32>, vector<16xf32>, vector<16xf32>, vector<16xf32>, vector<16xf32>, vector<16xf32>, vector<16xf32>, vector<16xf32>, vector<16xf32>, vector<16xf32>, vector<16xf32>)  : i32 {
          %parallel_loop3A_395 = arith.constant 2 : i32
          %parallel_loop3A_396 = arith.muli %scan3A_382, %parallel_loop3A_395 : i32
          %parallel_loop3A_397 = arith.constant 0 : i32
          %parallel_loop3A_398 = arith.addi %parallel_loop3A_396, %parallel_loop3A_397 : i32
          %parallel_loop3A_399 = arith.constant 16 : i32
          %parallel_loop3A_400 = arith.muli %parallel_loop3A_398, %parallel_loop3A_399 : i32
          %parallel_loop3A_401 = arith.constant 0 : i32
          %parallel_loop3A_402 = arith.index_cast %parallel_loop3A_401 : i32 to index
          %parallel_loop3A_403 = arith.index_cast %parallel_loop3A_400 : i32 to index
          %parallel_loop3A_404 = tpu.vector_load %arg9[%parallel_loop3A_402, %parallel_loop3A_403] {strides = array<i32>} : memref<3x768xf32, #tpu.memory_space<vmem>>, vector<1x16xf32>,
          %parallel_loop3A_405 = vector.shape_cast %parallel_loop3A_404 : vector<1x16xf32> to vector<16xf32>
          %parallel_loop3A_406 = arith.constant 1 : i32
          %parallel_loop3A_407 = arith.index_cast %parallel_loop3A_406 : i32 to index
          %parallel_loop3A_408 = arith.index_cast %parallel_loop3A_400 : i32 to index
          %parallel_loop3A_409 = tpu.vector_load %arg9[%parallel_loop3A_407, %parallel_loop3A_408] {strides = array<i32>} : memref<3x768xf32, #tpu.memory_space<vmem>>, vector<1x16xf32>,
          %parallel_loop3A_410 = vector.shape_cast %parallel_loop3A_409 : vector<1x16xf32> to vector<16xf32>
          %parallel_loop3A_411 = arith.constant 2 : i32
          %parallel_loop3A_412 = arith.index_cast %parallel_loop3A_411 : i32 to index
          %parallel_loop3A_413 = arith.index_cast %parallel_loop3A_400 : i32 to index
          %parallel_loop3A_414 = tpu.vector_load %arg9[%parallel_loop3A_412, %parallel_loop3A_413] {strides = array<i32>} : memref<3x768xf32, #tpu.memory_space<vmem>>, vector<1x16xf32>,
          %parallel_loop3A_415 = vector.shape_cast %parallel_loop3A_414 : vector<1x16xf32> to vector<16xf32>
          %parallel_loop3A_416 = arith.constant 0 : i32
          %parallel_loop3A_417 = arith.addi %parallel_loop3A_125, %parallel_loop3A_416 : i32
          %parallel_loop3A_418 = arith.constant 0 : i32
          %parallel_loop3A_419 = arith.index_cast %parallel_loop3A_418 : i32 to index
          %parallel_loop3A_420 = arith.index_cast %parallel_loop3A_417 : i32 to index
          %parallel_loop3A_421 = arith.index_cast %parallel_loop3A_400 : i32 to index
          %parallel_loop3A_422 = tpu.vector_load %arg7[%parallel_loop3A_419, %parallel_loop3A_420, %parallel_loop3A_421] {strides = array<i32>} : memref<2x64x768xf32, #tpu.memory_space<vmem>>, vector<1x1x16xf32>,
          %parallel_loop3A_423 = vector.shape_cast %parallel_loop3A_422 : vector<1x1x16xf32> to vector<16xf32>
          %parallel_loop3A_424 = arith.mulf %parallel_loop3A_423, %parallel_loop3A_405 : vector<16xf32>
          %parallel_loop3A_425 = arith.addf %scan3A_383, %parallel_loop3A_424 : vector<16xf32>
          %parallel_loop3A_426 = arith.mulf %parallel_loop3A_423, %parallel_loop3A_410 : vector<16xf32>
          %parallel_loop3A_427 = arith.addf %scan3A_384, %parallel_loop3A_426 : vector<16xf32>
          %parallel_loop3A_428 = arith.mulf %parallel_loop3A_423, %parallel_loop3A_415 : vector<16xf32>
          %parallel_loop3A_429 = arith.addf %scan3A_385, %parallel_loop3A_428 : vector<16xf32>
          %parallel_loop3A_430 = arith.constant 1 : i32
          %parallel_loop3A_431 = arith.addi %parallel_loop3A_125, %parallel_loop3A_430 : i32
          %parallel_loop3A_432 = arith.constant 0 : i32
          %parallel_loop3A_433 = arith.index_cast %parallel_loop3A_432 : i32 to index
          %parallel_loop3A_434 = arith.index_cast %parallel_loop3A_431 : i32 to index
          %parallel_loop3A_435 = arith.index_cast %parallel_loop3A_400 : i32 to index
          %parallel_loop3A_436 = tpu.vector_load %arg7[%parallel_loop3A_433, %parallel_loop3A_434, %parallel_loop3A_435] {strides = array<i32>} : memref<2x64x768xf32, #tpu.memory_space<vmem>>, vector<1x1x16xf32>,
          %parallel_loop3A_437 = vector.shape_cast %parallel_loop3A_436 : vector<1x1x16xf32> to vector<16xf32>
          %parallel_loop3A_438 = arith.mulf %parallel_loop3A_437, %parallel_loop3A_405 : vector<16xf32>
          %parallel_loop3A_439 = arith.addf %scan3A_386, %parallel_loop3A_438 : vector<16xf32>
          %parallel_loop3A_440 = arith.mulf %parallel_loop3A_437, %parallel_loop3A_410 : vector<16xf32>
          %parallel_loop3A_441 = arith.addf %scan3A_387, %parallel_loop3A_440 : vector<16xf32>
          %parallel_loop3A_442 = arith.mulf %parallel_loop3A_437, %parallel_loop3A_415 : vector<16xf32>
          %parallel_loop3A_443 = arith.addf %scan3A_388, %parallel_loop3A_442 : vector<16xf32>
          %parallel_loop3A_444 = arith.constant 2 : i32
          %parallel_loop3A_445 = arith.addi %parallel_loop3A_125, %parallel_loop3A_444 : i32
          %parallel_loop3A_446 = arith.constant 0 : i32
          %parallel_loop3A_447 = arith.index_cast %parallel_loop3A_446 : i32 to index
          %parallel_loop3A_448 = arith.index_cast %parallel_loop3A_445 : i32 to index
          %parallel_loop3A_449 = arith.index_cast %parallel_loop3A_400 : i32 to index
          %parallel_loop3A_450 = tpu.vector_load %arg7[%parallel_loop3A_447, %parallel_loop3A_448, %parallel_loop3A_449] {strides = array<i32>} : memref<2x64x768xf32, #tpu.memory_space<vmem>>, vector<1x1x16xf32>,
          %parallel_loop3A_451 = vector.shape_cast %parallel_loop3A_450 : vector<1x1x16xf32> to vector<16xf32>
          %parallel_loop3A_452 = arith.mulf %parallel_loop3A_451, %parallel_loop3A_405 : vector<16xf32>
          %parallel_loop3A_453 = arith.addf %scan3A_389, %parallel_loop3A_452 : vector<16xf32>
          %parallel_loop3A_454 = arith.mulf %parallel_loop3A_451, %parallel_loop3A_410 : vector<16xf32>
          %parallel_loop3A_455 = arith.addf %scan3A_390, %parallel_loop3A_454 : vector<16xf32>
          %parallel_loop3A_456 = arith.mulf %parallel_loop3A_451, %parallel_loop3A_415 : vector<16xf32>
          %parallel_loop3A_457 = arith.addf %scan3A_391, %parallel_loop3A_456 : vector<16xf32>
          %parallel_loop3A_458 = arith.constant 3 : i32
          %parallel_loop3A_459 = arith.addi %parallel_loop3A_125, %parallel_loop3A_458 : i32
          %parallel_loop3A_460 = arith.constant 0 : i32
          %parallel_loop3A_461 = arith.index_cast %parallel_loop3A_460 : i32 to index
          %parallel_loop3A_462 = arith.index_cast %parallel_loop3A_459 : i32 to index
          %parallel_loop3A_463 = arith.index_cast %parallel_loop3A_400 : i32 to index
          %parallel_loop3A_464 = tpu.vector_load %arg7[%parallel_loop3A_461, %parallel_loop3A_462, %parallel_loop3A_463] {strides = array<i32>} : memref<2x64x768xf32, #tpu.memory_space<vmem>>, vector<1x1x16xf32>,
          %parallel_loop3A_465 = vector.shape_cast %parallel_loop3A_464 : vector<1x1x16xf32> to vector<16xf32>
          %parallel_loop3A_466 = arith.mulf %parallel_loop3A_465, %parallel_loop3A_405 : vector<16xf32>
          %parallel_loop3A_467 = arith.addf %scan3A_392, %parallel_loop3A_466 : vector<16xf32>
          %parallel_loop3A_468 = arith.mulf %parallel_loop3A_465, %parallel_loop3A_410 : vector<16xf32>
          %parallel_loop3A_469 = arith.addf %scan3A_393, %parallel_loop3A_468 : vector<16xf32>
          %parallel_loop3A_470 = arith.mulf %parallel_loop3A_465, %parallel_loop3A_415 : vector<16xf32>
          %parallel_loop3A_471 = arith.addf %scan3A_394, %parallel_loop3A_470 : vector<16xf32>
          %parallel_loop3A_472 = arith.constant 2 : i32
          %parallel_loop3A_473 = arith.muli %scan3A_382, %parallel_loop3A_472 : i32
          %parallel_loop3A_474 = arith.constant 1 : i32
          %parallel_loop3A_475 = arith.addi %parallel_loop3A_473, %parallel_loop3A_474 : i32
          %parallel_loop3A_476 = arith.constant 16 : i32
          %parallel_loop3A_477 = arith.muli %parallel_loop3A_475, %parallel_loop3A_476 : i32
          %parallel_loop3A_478 = arith.constant 0 : i32
          %parallel_loop3A_479 = arith.index_cast %parallel_loop3A_478 : i32 to index
          %parallel_loop3A_480 = arith.index_cast %parallel_loop3A_477 : i32 to index
          %parallel_loop3A_481 = tpu.vector_load %arg9[%parallel_loop3A_479, %parallel_loop3A_480] {strides = array<i32>} : memref<3x768xf32, #tpu.memory_space<vmem>>, vector<1x16xf32>,
          %parallel_loop3A_482 = vector.shape_cast %parallel_loop3A_481 : vector<1x16xf32> to vector<16xf32>
          %parallel_loop3A_483 = arith.constant 1 : i32
          %parallel_loop3A_484 = arith.index_cast %parallel_loop3A_483 : i32 to index
          %parallel_loop3A_485 = arith.index_cast %parallel_loop3A_477 : i32 to index
          %parallel_loop3A_486 = tpu.vector_load %arg9[%parallel_loop3A_484, %parallel_loop3A_485] {strides = array<i32>} : memref<3x768xf32, #tpu.memory_space<vmem>>, vector<1x16xf32>,
          %parallel_loop3A_487 = vector.shape_cast %parallel_loop3A_486 : vector<1x16xf32> to vector<16xf32>
          %parallel_loop3A_488 = arith.constant 2 : i32
          %parallel_loop3A_489 = arith.index_cast %parallel_loop3A_488 : i32 to index
          %parallel_loop3A_490 = arith.index_cast %parallel_loop3A_477 : i32 to index
          %parallel_loop3A_491 = tpu.vector_load %arg9[%parallel_loop3A_489, %parallel_loop3A_490] {strides = array<i32>} : memref<3x768xf32, #tpu.memory_space<vmem>>, vector<1x16xf32>,
          %parallel_loop3A_492 = vector.shape_cast %parallel_loop3A_491 : vector<1x16xf32> to vector<16xf32>
          %parallel_loop3A_493 = arith.constant 0 : i32
          %parallel_loop3A_494 = arith.addi %parallel_loop3A_125, %parallel_loop3A_493 : i32
          %parallel_loop3A_495 = arith.constant 0 : i32
          %parallel_loop3A_496 = arith.index_cast %parallel_loop3A_495 : i32 to index
          %parallel_loop3A_497 = arith.index_cast %parallel_loop3A_494 : i32 to index
          %parallel_loop3A_498 = arith.index_cast %parallel_loop3A_477 : i32 to index
          %parallel_loop3A_499 = tpu.vector_load %arg7[%parallel_loop3A_496, %parallel_loop3A_497, %parallel_loop3A_498] {strides = array<i32>} : memref<2x64x768xf32, #tpu.memory_space<vmem>>, vector<1x1x16xf32>,
          %parallel_loop3A_500 = vector.shape_cast %parallel_loop3A_499 : vector<1x1x16xf32> to vector<16xf32>
          %parallel_loop3A_501 = arith.mulf %parallel_loop3A_500, %parallel_loop3A_482 : vector<16xf32>
          %parallel_loop3A_502 = arith.addf %parallel_loop3A_425, %parallel_loop3A_501 : vector<16xf32>
          %parallel_loop3A_503 = arith.mulf %parallel_loop3A_500, %parallel_loop3A_487 : vector<16xf32>
          %parallel_loop3A_504 = arith.addf %parallel_loop3A_427, %parallel_loop3A_503 : vector<16xf32>
          %parallel_loop3A_505 = arith.mulf %parallel_loop3A_500, %parallel_loop3A_492 : vector<16xf32>
          %parallel_loop3A_506 = arith.addf %parallel_loop3A_429, %parallel_loop3A_505 : vector<16xf32>
          %parallel_loop3A_507 = arith.constant 1 : i32
          %parallel_loop3A_508 = arith.addi %parallel_loop3A_125, %parallel_loop3A_507 : i32
          %parallel_loop3A_509 = arith.constant 0 : i32
          %parallel_loop3A_510 = arith.index_cast %parallel_loop3A_509 : i32 to index
          %parallel_loop3A_511 = arith.index_cast %parallel_loop3A_508 : i32 to index
          %parallel_loop3A_512 = arith.index_cast %parallel_loop3A_477 : i32 to index
          %parallel_loop3A_513 = tpu.vector_load %arg7[%parallel_loop3A_510, %parallel_loop3A_511, %parallel_loop3A_512] {strides = array<i32>} : memref<2x64x768xf32, #tpu.memory_space<vmem>>, vector<1x1x16xf32>,
          %parallel_loop3A_514 = vector.shape_cast %parallel_loop3A_513 : vector<1x1x16xf32> to vector<16xf32>
          %parallel_loop3A_515 = arith.mulf %parallel_loop3A_514, %parallel_loop3A_482 : vector<16xf32>
          %parallel_loop3A_516 = arith.addf %parallel_loop3A_439, %parallel_loop3A_515 : vector<16xf32>
          %parallel_loop3A_517 = arith.mulf %parallel_loop3A_514, %parallel_loop3A_487 : vector<16xf32>
          %parallel_loop3A_518 = arith.addf %parallel_loop3A_441, %parallel_loop3A_517 : vector<16xf32>
          %parallel_loop3A_519 = arith.mulf %parallel_loop3A_514, %parallel_loop3A_492 : vector<16xf32>
          %parallel_loop3A_520 = arith.addf %parallel_loop3A_443, %parallel_loop3A_519 : vector<16xf32>
          %parallel_loop3A_521 = arith.constant 2 : i32
          %parallel_loop3A_522 = arith.addi %parallel_loop3A_125, %parallel_loop3A_521 : i32
          %parallel_loop3A_523 = arith.constant 0 : i32
          %parallel_loop3A_524 = arith.index_cast %parallel_loop3A_523 : i32 to index
          %parallel_loop3A_525 = arith.index_cast %parallel_loop3A_522 : i32 to index
          %parallel_loop3A_526 = arith.index_cast %parallel_loop3A_477 : i32 to index
          %parallel_loop3A_527 = tpu.vector_load %arg7[%parallel_loop3A_524, %parallel_loop3A_525, %parallel_loop3A_526] {strides = array<i32>} : memref<2x64x768xf32, #tpu.memory_space<vmem>>, vector<1x1x16xf32>,
          %parallel_loop3A_528 = vector.shape_cast %parallel_loop3A_527 : vector<1x1x16xf32> to vector<16xf32>
          %parallel_loop3A_529 = arith.mulf %parallel_loop3A_528, %parallel_loop3A_482 : vector<16xf32>
          %parallel_loop3A_530 = arith.addf %parallel_loop3A_453, %parallel_loop3A_529 : vector<16xf32>
          %parallel_loop3A_531 = arith.mulf %parallel_loop3A_528, %parallel_loop3A_487 : vector<16xf32>
          %parallel_loop3A_532 = arith.addf %parallel_loop3A_455, %parallel_loop3A_531 : vector<16xf32>
          %parallel_loop3A_533 = arith.mulf %parallel_loop3A_528, %parallel_loop3A_492 : vector<16xf32>
          %parallel_loop3A_534 = arith.addf %parallel_loop3A_457, %parallel_loop3A_533 : vector<16xf32>
          %parallel_loop3A_535 = arith.constant 3 : i32
          %parallel_loop3A_536 = arith.addi %parallel_loop3A_125, %parallel_loop3A_535 : i32
          %parallel_loop3A_537 = arith.constant 0 : i32
          %parallel_loop3A_538 = arith.index_cast %parallel_loop3A_537 : i32 to index
          %parallel_loop3A_539 = arith.index_cast %parallel_loop3A_536 : i32 to index
          %parallel_loop3A_540 = arith.index_cast %parallel_loop3A_477 : i32 to index
          %parallel_loop3A_541 = tpu.vector_load %arg7[%parallel_loop3A_538, %parallel_loop3A_539, %parallel_loop3A_540] {strides = array<i32>} : memref<2x64x768xf32, #tpu.memory_space<vmem>>, vector<1x1x16xf32>,
          %parallel_loop3A_542 = vector.shape_cast %parallel_loop3A_541 : vector<1x1x16xf32> to vector<16xf32>
          %parallel_loop3A_543 = arith.mulf %parallel_loop3A_542, %parallel_loop3A_482 : vector<16xf32>
          %parallel_loop3A_544 = arith.addf %parallel_loop3A_467, %parallel_loop3A_543 : vector<16xf32>
          %parallel_loop3A_545 = arith.mulf %parallel_loop3A_542, %parallel_loop3A_487 : vector<16xf32>
          %parallel_loop3A_546 = arith.addf %parallel_loop3A_469, %parallel_loop3A_545 : vector<16xf32>
          %parallel_loop3A_547 = arith.mulf %parallel_loop3A_542, %parallel_loop3A_492 : vector<16xf32>
          %parallel_loop3A_548 = arith.addf %parallel_loop3A_471, %parallel_loop3A_547 : vector<16xf32>
          scf.yield %parallel_loop3A_502, %parallel_loop3A_504, %parallel_loop3A_506, %parallel_loop3A_516, %parallel_loop3A_518, %parallel_loop3A_520, %parallel_loop3A_530, %parallel_loop3A_532, %parallel_loop3A_534, %parallel_loop3A_544, %parallel_loop3A_546, %parallel_loop3A_548 : vector<16xf32>, vector<16xf32>, vector<16xf32>, vector<16xf32>, vector<16xf32>, vector<16xf32>, vector<16xf32>, vector<16xf32>, vector<16xf32>, vector<16xf32>, vector<16xf32>, vector<16xf32>
        }
        %parallel_loop3A_131 = arith.constant 24 : i32
        %parallel_loop3A_132 = arith.constant 8 : i32
        %parallel_loop3A_133 = arith.muli %add3A_79, %parallel_loop3A_132 : i32
        %parallel_loop3A_134 = arith.addi %parallel_loop3A_133, %parallel_loop3A_119 : i32
        %parallel_loop3A_135 = arith.constant 0 : i32
        %parallel_loop3A_136 = arith.index_cast %parallel_loop3A_135 : i32 to index
        %parallel_loop3A_137 = arith.index_cast %parallel_loop3A_134 : i32 to index
        %parallel_loop3A_138 = arith.constant 0 : index
        %parallel_loop3A_139 = tpu.vector_load %arg8[%parallel_loop3A_136, %parallel_loop3A_137, %parallel_loop3A_138] {strides = array<i32>} : memref<3x32x128xf32, #tpu.memory_space<vmem>>, vector<1x1x16xf32>,
        %parallel_loop3A_140 = vector.shape_cast %parallel_loop3A_139 : vector<1x1x16xf32> to vector<16xf32>
        %parallel_loop3A_141 = vector.shape_cast %parallel_loop3A_130#0 : vector<16xf32> to vector<1x1x16xf32>
        tpu.vector_store %arg8[%parallel_loop3A_136, %parallel_loop3A_137, %parallel_loop3A_138], %parallel_loop3A_141 {strides = array<i32>} : memref<3x32x128xf32, #tpu.memory_space<vmem>>, vector<1x1x16xf32>,
        %parallel_loop3A_142 = arith.constant 8 : i32
        %parallel_loop3A_143 = arith.muli %add3A_79, %parallel_loop3A_142 : i32
        %parallel_loop3A_144 = arith.addi %parallel_loop3A_143, %parallel_loop3A_119 : i32
        %parallel_loop3A_145 = arith.constant 1 : i32
        %parallel_loop3A_146 = arith.index_cast %parallel_loop3A_145 : i32 to index
        %parallel_loop3A_147 = arith.index_cast %parallel_loop3A_144 : i32 to index
        %parallel_loop3A_148 = arith.constant 0 : index
        %parallel_loop3A_149 = tpu.vector_load %arg8[%parallel_loop3A_146, %parallel_loop3A_147, %parallel_loop3A_148] {strides = array<i32>} : memref<3x32x128xf32, #tpu.memory_space<vmem>>, vector<1x1x16xf32>,
        %parallel_loop3A_150 = vector.shape_cast %parallel_loop3A_149 : vector<1x1x16xf32> to vector<16xf32>
        %parallel_loop3A_151 = vector.shape_cast %parallel_loop3A_130#1 : vector<16xf32> to vector<1x1x16xf32>
        tpu.vector_store %arg8[%parallel_loop3A_146, %parallel_loop3A_147, %parallel_loop3A_148], %parallel_loop3A_151 {strides = array<i32>} : memref<3x32x128xf32, #tpu.memory_space<vmem>>, vector<1x1x16xf32>,
        %parallel_loop3A_152 = arith.constant 8 : i32
        %parallel_loop3A_153 = arith.muli %add3A_79, %parallel_loop3A_152 : i32
        %parallel_loop3A_154 = arith.addi %parallel_loop3A_153, %parallel_loop3A_119 : i32
        %parallel_loop3A_155 = arith.constant 2 : i32
        %parallel_loop3A_156 = arith.index_cast %parallel_loop3A_155 : i32 to index
        %parallel_loop3A_157 = arith.index_cast %parallel_loop3A_154 : i32 to index
        %parallel_loop3A_158 = arith.constant 0 : index
        %parallel_loop3A_159 = tpu.vector_load %arg8[%parallel_loop3A_156, %parallel_loop3A_157, %parallel_loop3A_158] {strides = array<i32>} : memref<3x32x128xf32, #tpu.memory_space<vmem>>, vector<1x1x16xf32>,
        %parallel_loop3A_160 = vector.shape_cast %parallel_loop3A_159 : vector<1x1x16xf32> to vector<16xf32>
        %parallel_loop3A_161 = vector.shape_cast %parallel_loop3A_130#2 : vector<16xf32> to vector<1x1x16xf32>
        tpu.vector_store %arg8[%parallel_loop3A_156, %parallel_loop3A_157, %parallel_loop3A_158], %parallel_loop3A_161 {strides = array<i32>} : memref<3x32x128xf32, #tpu.memory_space<vmem>>, vector<1x1x16xf32>,
        %parallel_loop3A_162 = arith.constant 8 : i32
        %parallel_loop3A_163 = arith.muli %add3A_79, %parallel_loop3A_162 : i32
        %parallel_loop3A_164 = arith.addi %parallel_loop3A_163, %parallel_loop3A_119 : i32
        %parallel_loop3A_165 = arith.constant 0 : i32
        %parallel_loop3A_166 = arith.index_cast %parallel_loop3A_165 : i32 to index
        %parallel_loop3A_167 = arith.index_cast %parallel_loop3A_164 : i32 to index
        %parallel_loop3A_168 = arith.constant 16 : index
        %parallel_loop3A_169 = tpu.vector_load %arg8[%parallel_loop3A_166, %parallel_loop3A_167, %parallel_loop3A_168] {strides = array<i32>} : memref<3x32x128xf32, #tpu.memory_space<vmem>>, vector<1x1x16xf32>,
        %parallel_loop3A_170 = vector.shape_cast %parallel_loop3A_169 : vector<1x1x16xf32> to vector<16xf32>
        %parallel_loop3A_171 = vector.shape_cast %parallel_loop3A_130#3 : vector<16xf32> to vector<1x1x16xf32>
        tpu.vector_store %arg8[%parallel_loop3A_166, %parallel_loop3A_167, %parallel_loop3A_168], %parallel_loop3A_171 {strides = array<i32>} : memref<3x32x128xf32, #tpu.memory_space<vmem>>, vector<1x1x16xf32>,
        %parallel_loop3A_172 = arith.constant 8 : i32
        %parallel_loop3A_173 = arith.muli %add3A_79, %parallel_loop3A_172 : i32
        %parallel_loop3A_174 = arith.addi %parallel_loop3A_173, %parallel_loop3A_119 : i32
        %parallel_loop3A_175 = arith.constant 1 : i32
        %parallel_loop3A_176 = arith.index_cast %parallel_loop3A_175 : i32 to index
        %parallel_loop3A_177 = arith.index_cast %parallel_loop3A_174 : i32 to index
        %parallel_loop3A_178 = arith.constant 16 : index
        %parallel_loop3A_179 = tpu.vector_load %arg8[%parallel_loop3A_176, %parallel_loop3A_177, %parallel_loop3A_178] {strides = array<i32>} : memref<3x32x128xf32, #tpu.memory_space<vmem>>, vector<1x1x16xf32>,
        %parallel_loop3A_180 = vector.shape_cast %parallel_loop3A_179 : vector<1x1x16xf32> to vector<16xf32>
        %parallel_loop3A_181 = vector.shape_cast %parallel_loop3A_130#4 : vector<16xf32> to vector<1x1x16xf32>
        tpu.vector_store %arg8[%parallel_loop3A_176, %parallel_loop3A_177, %parallel_loop3A_178], %parallel_loop3A_181 {strides = array<i32>} : memref<3x32x128xf32, #tpu.memory_space<vmem>>, vector<1x1x16xf32>,
        %parallel_loop3A_182 = arith.constant 8 : i32
        %parallel_loop3A_183 = arith.muli %add3A_79, %parallel_loop3A_182 : i32
        %parallel_loop3A_184 = arith.addi %parallel_loop3A_183, %parallel_loop3A_119 : i32
        %parallel_loop3A_185 = arith.constant 2 : i32
        %parallel_loop3A_186 = arith.index_cast %parallel_loop3A_185 : i32 to index
        %parallel_loop3A_187 = arith.index_cast %parallel_loop3A_184 : i32 to index
        %parallel_loop3A_188 = arith.constant 16 : index
        %parallel_loop3A_189 = tpu.vector_load %arg8[%parallel_loop3A_186, %parallel_loop3A_187, %parallel_loop3A_188] {strides = array<i32>} : memref<3x32x128xf32, #tpu.memory_space<vmem>>, vector<1x1x16xf32>,
        %parallel_loop3A_190 = vector.shape_cast %parallel_loop3A_189 : vector<1x1x16xf32> to vector<16xf32>
        %parallel_loop3A_191 = vector.shape_cast %parallel_loop3A_130#5 : vector<16xf32> to vector<1x1x16xf32>
        tpu.vector_store %arg8[%parallel_loop3A_186, %parallel_loop3A_187, %parallel_loop3A_188], %parallel_loop3A_191 {strides = array<i32>} : memref<3x32x128xf32, #tpu.memory_space<vmem>>, vector<1x1x16xf32>,
        %parallel_loop3A_192 = arith.constant 8 : i32
        %parallel_loop3A_193 = arith.muli %add3A_79, %parallel_loop3A_192 : i32
        %parallel_loop3A_194 = arith.addi %parallel_loop3A_193, %parallel_loop3A_119 : i32
        %parallel_loop3A_195 = arith.constant 0 : i32
        %parallel_loop3A_196 = arith.index_cast %parallel_loop3A_195 : i32 to index
        %parallel_loop3A_197 = arith.index_cast %parallel_loop3A_194 : i32 to index
        %parallel_loop3A_198 = arith.constant 32 : index
        %parallel_loop3A_199 = tpu.vector_load %arg8[%parallel_loop3A_196, %parallel_loop3A_197, %parallel_loop3A_198] {strides = array<i32>} : memref<3x32x128xf32, #tpu.memory_space<vmem>>, vector<1x1x16xf32>,
        %parallel_loop3A_200 = vector.shape_cast %parallel_loop3A_199 : vector<1x1x16xf32> to vector<16xf32>
        %parallel_loop3A_201 = vector.shape_cast %parallel_loop3A_130#6 : vector<16xf32> to vector<1x1x16xf32>
        tpu.vector_store %arg8[%parallel_loop3A_196, %parallel_loop3A_197, %parallel_loop3A_198], %parallel_loop3A_201 {strides = array<i32>} : memref<3x32x128xf32, #tpu.memory_space<vmem>>, vector<1x1x16xf32>,
        %parallel_loop3A_202 = arith.constant 8 : i32
        %parallel_loop3A_203 = arith.muli %add3A_79, %parallel_loop3A_202 : i32
        %parallel_loop3A_204 = arith.addi %parallel_loop3A_203, %parallel_loop3A_119 : i32
        %parallel_loop3A_205 = arith.constant 1 : i32
        %parallel_loop3A_206 = arith.index_cast %parallel_loop3A_205 : i32 to index
        %parallel_loop3A_207 = arith.index_cast %parallel_loop3A_204 : i32 to index
        %parallel_loop3A_208 = arith.constant 32 : index
        %parallel_loop3A_209 = tpu.vector_load %arg8[%parallel_loop3A_206, %parallel_loop3A_207, %parallel_loop3A_208] {strides = array<i32>} : memref<3x32x128xf32, #tpu.memory_space<vmem>>, vector<1x1x16xf32>,
        %parallel_loop3A_210 = vector.shape_cast %parallel_loop3A_209 : vector<1x1x16xf32> to vector<16xf32>
        %parallel_loop3A_211 = vector.shape_cast %parallel_loop3A_130#7 : vector<16xf32> to vector<1x1x16xf32>
        tpu.vector_store %arg8[%parallel_loop3A_206, %parallel_loop3A_207, %parallel_loop3A_208], %parallel_loop3A_211 {strides = array<i32>} : memref<3x32x128xf32, #tpu.memory_space<vmem>>, vector<1x1x16xf32>,
        %parallel_loop3A_212 = arith.constant 8 : i32
        %parallel_loop3A_213 = arith.muli %add3A_79, %parallel_loop3A_212 : i32
        %parallel_loop3A_214 = arith.addi %parallel_loop3A_213, %parallel_loop3A_119 : i32
        %parallel_loop3A_215 = arith.constant 2 : i32
        %parallel_loop3A_216 = arith.index_cast %parallel_loop3A_215 : i32 to index
        %parallel_loop3A_217 = arith.index_cast %parallel_loop3A_214 : i32 to index
        %parallel_loop3A_218 = arith.constant 32 : index
        %parallel_loop3A_219 = tpu.vector_load %arg8[%parallel_loop3A_216, %parallel_loop3A_217, %parallel_loop3A_218] {strides = array<i32>} : memref<3x32x128xf32, #tpu.memory_space<vmem>>, vector<1x1x16xf32>,
        %parallel_loop3A_220 = vector.shape_cast %parallel_loop3A_219 : vector<1x1x16xf32> to vector<16xf32>
        %parallel_loop3A_221 = vector.shape_cast %parallel_loop3A_130#8 : vector<16xf32> to vector<1x1x16xf32>
        tpu.vector_store %arg8[%parallel_loop3A_216, %parallel_loop3A_217, %parallel_loop3A_218], %parallel_loop3A_221 {strides = array<i32>} : memref<3x32x128xf32, #tpu.memory_space<vmem>>, vector<1x1x16xf32>,
        %parallel_loop3A_222 = arith.constant 8 : i32
        %parallel_loop3A_223 = arith.muli %add3A_79, %parallel_loop3A_222 : i32
        %parallel_loop3A_224 = arith.addi %parallel_loop3A_223, %parallel_loop3A_119 : i32
        %parallel_loop3A_225 = arith.constant 0 : i32
        %parallel_loop3A_226 = arith.index_cast %parallel_loop3A_225 : i32 to index
        %parallel_loop3A_227 = arith.index_cast %parallel_loop3A_224 : i32 to index
        %parallel_loop3A_228 = arith.constant 48 : index
        %parallel_loop3A_229 = tpu.vector_load %arg8[%parallel_loop3A_226, %parallel_loop3A_227, %parallel_loop3A_228] {strides = array<i32>} : memref<3x32x128xf32, #tpu.memory_space<vmem>>, vector<1x1x16xf32>,
        %parallel_loop3A_230 = vector.shape_cast %parallel_loop3A_229 : vector<1x1x16xf32> to vector<16xf32>
        %parallel_loop3A_231 = vector.shape_cast %parallel_loop3A_130#9 : vector<16xf32> to vector<1x1x16xf32>
        tpu.vector_store %arg8[%parallel_loop3A_226, %parallel_loop3A_227, %parallel_loop3A_228], %parallel_loop3A_231 {strides = array<i32>} : memref<3x32x128xf32, #tpu.memory_space<vmem>>, vector<1x1x16xf32>,
        %parallel_loop3A_232 = arith.constant 8 : i32
        %parallel_loop3A_233 = arith.muli %add3A_79, %parallel_loop3A_232 : i32
        %parallel_loop3A_234 = arith.addi %parallel_loop3A_233, %parallel_loop3A_119 : i32
        %parallel_loop3A_235 = arith.constant 1 : i32
        %parallel_loop3A_236 = arith.index_cast %parallel_loop3A_235 : i32 to index
        %parallel_loop3A_237 = arith.index_cast %parallel_loop3A_234 : i32 to index
        %parallel_loop3A_238 = arith.constant 48 : index
        %parallel_loop3A_239 = tpu.vector_load %arg8[%parallel_loop3A_236, %parallel_loop3A_237, %parallel_loop3A_238] {strides = array<i32>} : memref<3x32x128xf32, #tpu.memory_space<vmem>>, vector<1x1x16xf32>,
        %parallel_loop3A_240 = vector.shape_cast %parallel_loop3A_239 : vector<1x1x16xf32> to vector<16xf32>
        %parallel_loop3A_241 = vector.shape_cast %parallel_loop3A_130#10 : vector<16xf32> to vector<1x1x16xf32>
        tpu.vector_store %arg8[%parallel_loop3A_236, %parallel_loop3A_237, %parallel_loop3A_238], %parallel_loop3A_241 {strides = array<i32>} : memref<3x32x128xf32, #tpu.memory_space<vmem>>, vector<1x1x16xf32>,
        %parallel_loop3A_242 = arith.constant 8 : i32
        %parallel_loop3A_243 = arith.muli %add3A_79, %parallel_loop3A_242 : i32
        %parallel_loop3A_244 = arith.addi %parallel_loop3A_243, %parallel_loop3A_119 : i32
        %parallel_loop3A_245 = arith.constant 2 : i32
        %parallel_loop3A_246 = arith.index_cast %parallel_loop3A_245 : i32 to index
        %parallel_loop3A_247 = arith.index_cast %parallel_loop3A_244 : i32 to index
        %parallel_loop3A_248 = arith.constant 48 : index
        %parallel_loop3A_249 = tpu.vector_load %arg8[%parallel_loop3A_246, %parallel_loop3A_247, %parallel_loop3A_248] {strides = array<i32>} : memref<3x32x128xf32, #tpu.memory_space<vmem>>, vector<1x1x16xf32>,
        %parallel_loop3A_250 = vector.shape_cast %parallel_loop3A_249 : vector<1x1x16xf32> to vector<16xf32>
        %parallel_loop3A_251 = vector.shape_cast %parallel_loop3A_130#11 : vector<16xf32> to vector<1x1x16xf32>
        tpu.vector_store %arg8[%parallel_loop3A_246, %parallel_loop3A_247, %parallel_loop3A_248], %parallel_loop3A_251 {strides = array<i32>} : memref<3x32x128xf32, #tpu.memory_space<vmem>>, vector<1x1x16xf32>,
        %parallel_loop3A_252 = arith.constant 8 : i32
        %parallel_loop3A_253 = arith.muli %parallel_loop3A_119, %parallel_loop3A_252 : i32
        %parallel_loop3A_254 = arith.constant 4 : i32
        %parallel_loop3A_255 = arith.addi %parallel_loop3A_253, %parallel_loop3A_254 : i32
        %parallel_loop3A_256 = arith.constant 0 : i32
        %parallel_loop3A_257 = arith.constant 24 : i32
        %parallel_loop3A_258 = arith.addi %parallel_loop3A_256, %parallel_loop3A_257 : i32
        %parallel_loop3A_259 = arith.constant 1 : i32
        %parallel_loop3A_260:12 = scf.for %scan3A_382 = %parallel_loop3A_256 to %parallel_loop3A_258 step %parallel_loop3A_259 iter_args(%scan3A_383 = %parallel_loop3A_121, %scan3A_384 = %parallel_loop3A_121, %scan3A_385 = %parallel_loop3A_121, %scan3A_386 = %parallel_loop3A_121, %scan3A_387 = %parallel_loop3A_121, %scan3A_388 = %parallel_loop3A_121, %scan3A_389 = %parallel_loop3A_121, %scan3A_390 = %parallel_loop3A_121, %scan3A_391 = %parallel_loop3A_121, %scan3A_392 = %parallel_loop3A_121, %scan3A_393 = %parallel_loop3A_121, %scan3A_394 = %parallel_loop3A_121) -> (vector<16xf32>, vector<16xf32>, vector<16xf32>, vector<16xf32>, vector<16xf32>, vector<16xf32>, vector<16xf32>, vector<16xf32>, vector<16xf32>, vector<16xf32>, vector<16xf32>, vector<16xf32>)  : i32 {
          %parallel_loop3A_395 = arith.constant 2 : i32
          %parallel_loop3A_396 = arith.muli %scan3A_382, %parallel_loop3A_395 : i32
          %parallel_loop3A_397 = arith.constant 0 : i32
          %parallel_loop3A_398 = arith.addi %parallel_loop3A_396, %parallel_loop3A_397 : i32
          %parallel_loop3A_399 = arith.constant 16 : i32
          %parallel_loop3A_400 = arith.muli %parallel_loop3A_398, %parallel_loop3A_399 : i32
          %parallel_loop3A_401 = arith.constant 0 : i32
          %parallel_loop3A_402 = arith.index_cast %parallel_loop3A_401 : i32 to index
          %parallel_loop3A_403 = arith.index_cast %parallel_loop3A_400 : i32 to index
          %parallel_loop3A_404 = tpu.vector_load %arg9[%parallel_loop3A_402, %parallel_loop3A_403] {strides = array<i32>} : memref<3x768xf32, #tpu.memory_space<vmem>>, vector<1x16xf32>,
          %parallel_loop3A_405 = vector.shape_cast %parallel_loop3A_404 : vector<1x16xf32> to vector<16xf32>
          %parallel_loop3A_406 = arith.constant 1 : i32
          %parallel_loop3A_407 = arith.index_cast %parallel_loop3A_406 : i32 to index
          %parallel_loop3A_408 = arith.index_cast %parallel_loop3A_400 : i32 to index
          %parallel_loop3A_409 = tpu.vector_load %arg9[%parallel_loop3A_407, %parallel_loop3A_408] {strides = array<i32>} : memref<3x768xf32, #tpu.memory_space<vmem>>, vector<1x16xf32>,
          %parallel_loop3A_410 = vector.shape_cast %parallel_loop3A_409 : vector<1x16xf32> to vector<16xf32>
          %parallel_loop3A_411 = arith.constant 2 : i32
          %parallel_loop3A_412 = arith.index_cast %parallel_loop3A_411 : i32 to index
          %parallel_loop3A_413 = arith.index_cast %parallel_loop3A_400 : i32 to index
          %parallel_loop3A_414 = tpu.vector_load %arg9[%parallel_loop3A_412, %parallel_loop3A_413] {strides = array<i32>} : memref<3x768xf32, #tpu.memory_space<vmem>>, vector<1x16xf32>,
          %parallel_loop3A_415 = vector.shape_cast %parallel_loop3A_414 : vector<1x16xf32> to vector<16xf32>
          %parallel_loop3A_416 = arith.constant 0 : i32
          %parallel_loop3A_417 = arith.addi %parallel_loop3A_255, %parallel_loop3A_416 : i32
          %parallel_loop3A_418 = arith.constant 0 : i32
          %parallel_loop3A_419 = arith.index_cast %parallel_loop3A_418 : i32 to index
          %parallel_loop3A_420 = arith.index_cast %parallel_loop3A_417 : i32 to index
          %parallel_loop3A_421 = arith.index_cast %parallel_loop3A_400 : i32 to index
          %parallel_loop3A_422 = tpu.vector_load %arg7[%parallel_loop3A_419, %parallel_loop3A_420, %parallel_loop3A_421] {strides = array<i32>} : memref<2x64x768xf32, #tpu.memory_space<vmem>>, vector<1x1x16xf32>,
          %parallel_loop3A_423 = vector.shape_cast %parallel_loop3A_422 : vector<1x1x16xf32> to vector<16xf32>
          %parallel_loop3A_424 = arith.mulf %parallel_loop3A_423, %parallel_loop3A_405 : vector<16xf32>
          %parallel_loop3A_425 = arith.addf %scan3A_383, %parallel_loop3A_424 : vector<16xf32>
          %parallel_loop3A_426 = arith.mulf %parallel_loop3A_423, %parallel_loop3A_410 : vector<16xf32>
          %parallel_loop3A_427 = arith.addf %scan3A_384, %parallel_loop3A_426 : vector<16xf32>
          %parallel_loop3A_428 = arith.mulf %parallel_loop3A_423, %parallel_loop3A_415 : vector<16xf32>
          %parallel_loop3A_429 = arith.addf %scan3A_385, %parallel_loop3A_428 : vector<16xf32>
          %parallel_loop3A_430 = arith.constant 1 : i32
          %parallel_loop3A_431 = arith.addi %parallel_loop3A_255, %parallel_loop3A_430 : i32
          %parallel_loop3A_432 = arith.constant 0 : i32
          %parallel_loop3A_433 = arith.index_cast %parallel_loop3A_432 : i32 to index
          %parallel_loop3A_434 = arith.index_cast %parallel_loop3A_431 : i32 to index
          %parallel_loop3A_435 = arith.index_cast %parallel_loop3A_400 : i32 to index
          %parallel_loop3A_436 = tpu.vector_load %arg7[%parallel_loop3A_433, %parallel_loop3A_434, %parallel_loop3A_435] {strides = array<i32>} : memref<2x64x768xf32, #tpu.memory_space<vmem>>, vector<1x1x16xf32>,
          %parallel_loop3A_437 = vector.shape_cast %parallel_loop3A_436 : vector<1x1x16xf32> to vector<16xf32>
          %parallel_loop3A_438 = arith.mulf %parallel_loop3A_437, %parallel_loop3A_405 : vector<16xf32>
          %parallel_loop3A_439 = arith.addf %scan3A_386, %parallel_loop3A_438 : vector<16xf32>
          %parallel_loop3A_440 = arith.mulf %parallel_loop3A_437, %parallel_loop3A_410 : vector<16xf32>
          %parallel_loop3A_441 = arith.addf %scan3A_387, %parallel_loop3A_440 : vector<16xf32>
          %parallel_loop3A_442 = arith.mulf %parallel_loop3A_437, %parallel_loop3A_415 : vector<16xf32>
          %parallel_loop3A_443 = arith.addf %scan3A_388, %parallel_loop3A_442 : vector<16xf32>
          %parallel_loop3A_444 = arith.constant 2 : i32
          %parallel_loop3A_445 = arith.addi %parallel_loop3A_255, %parallel_loop3A_444 : i32
          %parallel_loop3A_446 = arith.constant 0 : i32
          %parallel_loop3A_447 = arith.index_cast %parallel_loop3A_446 : i32 to index
          %parallel_loop3A_448 = arith.index_cast %parallel_loop3A_445 : i32 to index
          %parallel_loop3A_449 = arith.index_cast %parallel_loop3A_400 : i32 to index
          %parallel_loop3A_450 = tpu.vector_load %arg7[%parallel_loop3A_447, %parallel_loop3A_448, %parallel_loop3A_449] {strides = array<i32>} : memref<2x64x768xf32, #tpu.memory_space<vmem>>, vector<1x1x16xf32>,
          %parallel_loop3A_451 = vector.shape_cast %parallel_loop3A_450 : vector<1x1x16xf32> to vector<16xf32>
          %parallel_loop3A_452 = arith.mulf %parallel_loop3A_451, %parallel_loop3A_405 : vector<16xf32>
          %parallel_loop3A_453 = arith.addf %scan3A_389, %parallel_loop3A_452 : vector<16xf32>
          %parallel_loop3A_454 = arith.mulf %parallel_loop3A_451, %parallel_loop3A_410 : vector<16xf32>
          %parallel_loop3A_455 = arith.addf %scan3A_390, %parallel_loop3A_454 : vector<16xf32>
          %parallel_loop3A_456 = arith.mulf %parallel_loop3A_451, %parallel_loop3A_415 : vector<16xf32>
          %parallel_loop3A_457 = arith.addf %scan3A_391, %parallel_loop3A_456 : vector<16xf32>
          %parallel_loop3A_458 = arith.constant 3 : i32
          %parallel_loop3A_459 = arith.addi %parallel_loop3A_255, %parallel_loop3A_458 : i32
          %parallel_loop3A_460 = arith.constant 0 : i32
          %parallel_loop3A_461 = arith.index_cast %parallel_loop3A_460 : i32 to index
          %parallel_loop3A_462 = arith.index_cast %parallel_loop3A_459 : i32 to index
          %parallel_loop3A_463 = arith.index_cast %parallel_loop3A_400 : i32 to index
          %parallel_loop3A_464 = tpu.vector_load %arg7[%parallel_loop3A_461, %parallel_loop3A_462, %parallel_loop3A_463] {strides = array<i32>} : memref<2x64x768xf32, #tpu.memory_space<vmem>>, vector<1x1x16xf32>,
          %parallel_loop3A_465 = vector.shape_cast %parallel_loop3A_464 : vector<1x1x16xf32> to vector<16xf32>
          %parallel_loop3A_466 = arith.mulf %parallel_loop3A_465, %parallel_loop3A_405 : vector<16xf32>
          %parallel_loop3A_467 = arith.addf %scan3A_392, %parallel_loop3A_466 : vector<16xf32>
          %parallel_loop3A_468 = arith.mulf %parallel_loop3A_465, %parallel_loop3A_410 : vector<16xf32>
          %parallel_loop3A_469 = arith.addf %scan3A_393, %parallel_loop3A_468 : vector<16xf32>
          %parallel_loop3A_470 = arith.mulf %parallel_loop3A_465, %parallel_loop3A_415 : vector<16xf32>
          %parallel_loop3A_471 = arith.addf %scan3A_394, %parallel_loop3A_470 : vector<16xf32>
          %parallel_loop3A_472 = arith.constant 2 : i32
          %parallel_loop3A_473 = arith.muli %scan3A_382, %parallel_loop3A_472 : i32
          %parallel_loop3A_474 = arith.constant 1 : i32
          %parallel_loop3A_475 = arith.addi %parallel_loop3A_473, %parallel_loop3A_474 : i32
          %parallel_loop3A_476 = arith.constant 16 : i32
          %parallel_loop3A_477 = arith.muli %parallel_loop3A_475, %parallel_loop3A_476 : i32
          %parallel_loop3A_478 = arith.constant 0 : i32
          %parallel_loop3A_479 = arith.index_cast %parallel_loop3A_478 : i32 to index
          %parallel_loop3A_480 = arith.index_cast %parallel_loop3A_477 : i32 to index
          %parallel_loop3A_481 = tpu.vector_load %arg9[%parallel_loop3A_479, %parallel_loop3A_480] {strides = array<i32>} : memref<3x768xf32, #tpu.memory_space<vmem>>, vector<1x16xf32>,
          %parallel_loop3A_482 = vector.shape_cast %parallel_loop3A_481 : vector<1x16xf32> to vector<16xf32>
          %parallel_loop3A_483 = arith.constant 1 : i32
          %parallel_loop3A_484 = arith.index_cast %parallel_loop3A_483 : i32 to index
          %parallel_loop3A_485 = arith.index_cast %parallel_loop3A_477 : i32 to index
          %parallel_loop3A_486 = tpu.vector_load %arg9[%parallel_loop3A_484, %parallel_loop3A_485] {strides = array<i32>} : memref<3x768xf32, #tpu.memory_space<vmem>>, vector<1x16xf32>,
          %parallel_loop3A_487 = vector.shape_cast %parallel_loop3A_486 : vector<1x16xf32> to vector<16xf32>
          %parallel_loop3A_488 = arith.constant 2 : i32
          %parallel_loop3A_489 = arith.index_cast %parallel_loop3A_488 : i32 to index
          %parallel_loop3A_490 = arith.index_cast %parallel_loop3A_477 : i32 to index
          %parallel_loop3A_491 = tpu.vector_load %arg9[%parallel_loop3A_489, %parallel_loop3A_490] {strides = array<i32>} : memref<3x768xf32, #tpu.memory_space<vmem>>, vector<1x16xf32>,
          %parallel_loop3A_492 = vector.shape_cast %parallel_loop3A_491 : vector<1x16xf32> to vector<16xf32>
          %parallel_loop3A_493 = arith.constant 0 : i32
          %parallel_loop3A_494 = arith.addi %parallel_loop3A_255, %parallel_loop3A_493 : i32
          %parallel_loop3A_495 = arith.constant 0 : i32
          %parallel_loop3A_496 = arith.index_cast %parallel_loop3A_495 : i32 to index
          %parallel_loop3A_497 = arith.index_cast %parallel_loop3A_494 : i32 to index
          %parallel_loop3A_498 = arith.index_cast %parallel_loop3A_477 : i32 to index
          %parallel_loop3A_499 = tpu.vector_load %arg7[%parallel_loop3A_496, %parallel_loop3A_497, %parallel_loop3A_498] {strides = array<i32>} : memref<2x64x768xf32, #tpu.memory_space<vmem>>, vector<1x1x16xf32>,
          %parallel_loop3A_500 = vector.shape_cast %parallel_loop3A_499 : vector<1x1x16xf32> to vector<16xf32>
          %parallel_loop3A_501 = arith.mulf %parallel_loop3A_500, %parallel_loop3A_482 : vector<16xf32>
          %parallel_loop3A_502 = arith.addf %parallel_loop3A_425, %parallel_loop3A_501 : vector<16xf32>
          %parallel_loop3A_503 = arith.mulf %parallel_loop3A_500, %parallel_loop3A_487 : vector<16xf32>
          %parallel_loop3A_504 = arith.addf %parallel_loop3A_427, %parallel_loop3A_503 : vector<16xf32>
          %parallel_loop3A_505 = arith.mulf %parallel_loop3A_500, %parallel_loop3A_492 : vector<16xf32>
          %parallel_loop3A_506 = arith.addf %parallel_loop3A_429, %parallel_loop3A_505 : vector<16xf32>
          %parallel_loop3A_507 = arith.constant 1 : i32
          %parallel_loop3A_508 = arith.addi %parallel_loop3A_255, %parallel_loop3A_507 : i32
          %parallel_loop3A_509 = arith.constant 0 : i32
          %parallel_loop3A_510 = arith.index_cast %parallel_loop3A_509 : i32 to index
          %parallel_loop3A_511 = arith.index_cast %parallel_loop3A_508 : i32 to index
          %parallel_loop3A_512 = arith.index_cast %parallel_loop3A_477 : i32 to index
          %parallel_loop3A_513 = tpu.vector_load %arg7[%parallel_loop3A_510, %parallel_loop3A_511, %parallel_loop3A_512] {strides = array<i32>} : memref<2x64x768xf32, #tpu.memory_space<vmem>>, vector<1x1x16xf32>,
          %parallel_loop3A_514 = vector.shape_cast %parallel_loop3A_513 : vector<1x1x16xf32> to vector<16xf32>
          %parallel_loop3A_515 = arith.mulf %parallel_loop3A_514, %parallel_loop3A_482 : vector<16xf32>
          %parallel_loop3A_516 = arith.addf %parallel_loop3A_439, %parallel_loop3A_515 : vector<16xf32>
          %parallel_loop3A_517 = arith.mulf %parallel_loop3A_514, %parallel_loop3A_487 : vector<16xf32>
          %parallel_loop3A_518 = arith.addf %parallel_loop3A_441, %parallel_loop3A_517 : vector<16xf32>
          %parallel_loop3A_519 = arith.mulf %parallel_loop3A_514, %parallel_loop3A_492 : vector<16xf32>
          %parallel_loop3A_520 = arith.addf %parallel_loop3A_443, %parallel_loop3A_519 : vector<16xf32>
          %parallel_loop3A_521 = arith.constant 2 : i32
          %parallel_loop3A_522 = arith.addi %parallel_loop3A_255, %parallel_loop3A_521 : i32
          %parallel_loop3A_523 = arith.constant 0 : i32
          %parallel_loop3A_524 = arith.index_cast %parallel_loop3A_523 : i32 to index
          %parallel_loop3A_525 = arith.index_cast %parallel_loop3A_522 : i32 to index
          %parallel_loop3A_526 = arith.index_cast %parallel_loop3A_477 : i32 to index
          %parallel_loop3A_527 = tpu.vector_load %arg7[%parallel_loop3A_524, %parallel_loop3A_525, %parallel_loop3A_526] {strides = array<i32>} : memref<2x64x768xf32, #tpu.memory_space<vmem>>, vector<1x1x16xf32>,
          %parallel_loop3A_528 = vector.shape_cast %parallel_loop3A_527 : vector<1x1x16xf32> to vector<16xf32>
          %parallel_loop3A_529 = arith.mulf %parallel_loop3A_528, %parallel_loop3A_482 : vector<16xf32>
          %parallel_loop3A_530 = arith.addf %parallel_loop3A_453, %parallel_loop3A_529 : vector<16xf32>
          %parallel_loop3A_531 = arith.mulf %parallel_loop3A_528, %parallel_loop3A_487 : vector<16xf32>
          %parallel_loop3A_532 = arith.addf %parallel_loop3A_455, %parallel_loop3A_531 : vector<16xf32>
          %parallel_loop3A_533 = arith.mulf %parallel_loop3A_528, %parallel_loop3A_492 : vector<16xf32>
          %parallel_loop3A_534 = arith.addf %parallel_loop3A_457, %parallel_loop3A_533 : vector<16xf32>
          %parallel_loop3A_535 = arith.constant 3 : i32
          %parallel_loop3A_536 = arith.addi %parallel_loop3A_255, %parallel_loop3A_535 : i32
          %parallel_loop3A_537 = arith.constant 0 : i32
          %parallel_loop3A_538 = arith.index_cast %parallel_loop3A_537 : i32 to index
          %parallel_loop3A_539 = arith.index_cast %parallel_loop3A_536 : i32 to index
          %parallel_loop3A_540 = arith.index_cast %parallel_loop3A_477 : i32 to index
          %parallel_loop3A_541 = tpu.vector_load %arg7[%parallel_loop3A_538, %parallel_loop3A_539, %parallel_loop3A_540] {strides = array<i32>} : memref<2x64x768xf32, #tpu.memory_space<vmem>>, vector<1x1x16xf32>,
          %parallel_loop3A_542 = vector.shape_cast %parallel_loop3A_541 : vector<1x1x16xf32> to vector<16xf32>
          %parallel_loop3A_543 = arith.mulf %parallel_loop3A_542, %parallel_loop3A_482 : vector<16xf32>
          %parallel_loop3A_544 = arith.addf %parallel_loop3A_467, %parallel_loop3A_543 : vector<16xf32>
          %parallel_loop3A_545 = arith.mulf %parallel_loop3A_542, %parallel_loop3A_487 : vector<16xf32>
          %parallel_loop3A_546 = arith.addf %parallel_loop3A_469, %parallel_loop3A_545 : vector<16xf32>
          %parallel_loop3A_547 = arith.mulf %parallel_loop3A_542, %parallel_loop3A_492 : vector<16xf32>
          %parallel_loop3A_548 = arith.addf %parallel_loop3A_471, %parallel_loop3A_547 : vector<16xf32>
          scf.yield %parallel_loop3A_502, %parallel_loop3A_504, %parallel_loop3A_506, %parallel_loop3A_516, %parallel_loop3A_518, %parallel_loop3A_520, %parallel_loop3A_530, %parallel_loop3A_532, %parallel_loop3A_534, %parallel_loop3A_544, %parallel_loop3A_546, %parallel_loop3A_548 : vector<16xf32>, vector<16xf32>, vector<16xf32>, vector<16xf32>, vector<16xf32>, vector<16xf32>, vector<16xf32>, vector<16xf32>, vector<16xf32>, vector<16xf32>, vector<16xf32>, vector<16xf32>
        }
        %parallel_loop3A_261 = arith.constant 24 : i32
        %parallel_loop3A_262 = arith.constant 8 : i32
        %parallel_loop3A_263 = arith.muli %add3A_79, %parallel_loop3A_262 : i32
        %parallel_loop3A_264 = arith.addi %parallel_loop3A_263, %parallel_loop3A_119 : i32
        %parallel_loop3A_265 = arith.constant 0 : i32
        %parallel_loop3A_266 = arith.index_cast %parallel_loop3A_265 : i32 to index
        %parallel_loop3A_267 = arith.index_cast %parallel_loop3A_264 : i32 to index
        %parallel_loop3A_268 = arith.constant 64 : index
        %parallel_loop3A_269 = tpu.vector_load %arg8[%parallel_loop3A_266, %parallel_loop3A_267, %parallel_loop3A_268] {strides = array<i32>} : memref<3x32x128xf32, #tpu.memory_space<vmem>>, vector<1x1x16xf32>,
        %parallel_loop3A_270 = vector.shape_cast %parallel_loop3A_269 : vector<1x1x16xf32> to vector<16xf32>
        %parallel_loop3A_271 = vector.shape_cast %parallel_loop3A_260#0 : vector<16xf32> to vector<1x1x16xf32>
        tpu.vector_store %arg8[%parallel_loop3A_266, %parallel_loop3A_267, %parallel_loop3A_268], %parallel_loop3A_271 {strides = array<i32>} : memref<3x32x128xf32, #tpu.memory_space<vmem>>, vector<1x1x16xf32>,
        %parallel_loop3A_272 = arith.constant 8 : i32
        %parallel_loop3A_273 = arith.muli %add3A_79, %parallel_loop3A_272 : i32
        %parallel_loop3A_274 = arith.addi %parallel_loop3A_273, %parallel_loop3A_119 : i32
        %parallel_loop3A_275 = arith.constant 1 : i32
        %parallel_loop3A_276 = arith.index_cast %parallel_loop3A_275 : i32 to index
        %parallel_loop3A_277 = arith.index_cast %parallel_loop3A_274 : i32 to index
        %parallel_loop3A_278 = arith.constant 64 : index
        %parallel_loop3A_279 = tpu.vector_load %arg8[%parallel_loop3A_276, %parallel_loop3A_277, %parallel_loop3A_278] {strides = array<i32>} : memref<3x32x128xf32, #tpu.memory_space<vmem>>, vector<1x1x16xf32>,
        %parallel_loop3A_280 = vector.shape_cast %parallel_loop3A_279 : vector<1x1x16xf32> to vector<16xf32>
        %parallel_loop3A_281 = vector.shape_cast %parallel_loop3A_260#1 : vector<16xf32> to vector<1x1x16xf32>
        tpu.vector_store %arg8[%parallel_loop3A_276, %parallel_loop3A_277, %parallel_loop3A_278], %parallel_loop3A_281 {strides = array<i32>} : memref<3x32x128xf32, #tpu.memory_space<vmem>>, vector<1x1x16xf32>,
        %parallel_loop3A_282 = arith.constant 8 : i32
        %parallel_loop3A_283 = arith.muli %add3A_79, %parallel_loop3A_282 : i32
        %parallel_loop3A_284 = arith.addi %parallel_loop3A_283, %parallel_loop3A_119 : i32
        %parallel_loop3A_285 = arith.constant 2 : i32
        %parallel_loop3A_286 = arith.index_cast %parallel_loop3A_285 : i32 to index
        %parallel_loop3A_287 = arith.index_cast %parallel_loop3A_284 : i32 to index
        %parallel_loop3A_288 = arith.constant 64 : index
        %parallel_loop3A_289 = tpu.vector_load %arg8[%parallel_loop3A_286, %parallel_loop3A_287, %parallel_loop3A_288] {strides = array<i32>} : memref<3x32x128xf32, #tpu.memory_space<vmem>>, vector<1x1x16xf32>,
        %parallel_loop3A_290 = vector.shape_cast %parallel_loop3A_289 : vector<1x1x16xf32> to vector<16xf32>
        %parallel_loop3A_291 = vector.shape_cast %parallel_loop3A_260#2 : vector<16xf32> to vector<1x1x16xf32>
        tpu.vector_store %arg8[%parallel_loop3A_286, %parallel_loop3A_287, %parallel_loop3A_288], %parallel_loop3A_291 {strides = array<i32>} : memref<3x32x128xf32, #tpu.memory_space<vmem>>, vector<1x1x16xf32>,
        %parallel_loop3A_292 = arith.constant 8 : i32
        %parallel_loop3A_293 = arith.muli %add3A_79, %parallel_loop3A_292 : i32
        %parallel_loop3A_294 = arith.addi %parallel_loop3A_293, %parallel_loop3A_119 : i32
        %parallel_loop3A_295 = arith.constant 0 : i32
        %parallel_loop3A_296 = arith.index_cast %parallel_loop3A_295 : i32 to index
        %parallel_loop3A_297 = arith.index_cast %parallel_loop3A_294 : i32 to index
        %parallel_loop3A_298 = arith.constant 80 : index
        %parallel_loop3A_299 = tpu.vector_load %arg8[%parallel_loop3A_296, %parallel_loop3A_297, %parallel_loop3A_298] {strides = array<i32>} : memref<3x32x128xf32, #tpu.memory_space<vmem>>, vector<1x1x16xf32>,
        %parallel_loop3A_300 = vector.shape_cast %parallel_loop3A_299 : vector<1x1x16xf32> to vector<16xf32>
        %parallel_loop3A_301 = vector.shape_cast %parallel_loop3A_260#3 : vector<16xf32> to vector<1x1x16xf32>
        tpu.vector_store %arg8[%parallel_loop3A_296, %parallel_loop3A_297, %parallel_loop3A_298], %parallel_loop3A_301 {strides = array<i32>} : memref<3x32x128xf32, #tpu.memory_space<vmem>>, vector<1x1x16xf32>,
        %parallel_loop3A_302 = arith.constant 8 : i32
        %parallel_loop3A_303 = arith.muli %add3A_79, %parallel_loop3A_302 : i32
        %parallel_loop3A_304 = arith.addi %parallel_loop3A_303, %parallel_loop3A_119 : i32
        %parallel_loop3A_305 = arith.constant 1 : i32
        %parallel_loop3A_306 = arith.index_cast %parallel_loop3A_305 : i32 to index
        %parallel_loop3A_307 = arith.index_cast %parallel_loop3A_304 : i32 to index
        %parallel_loop3A_308 = arith.constant 80 : index
        %parallel_loop3A_309 = tpu.vector_load %arg8[%parallel_loop3A_306, %parallel_loop3A_307, %parallel_loop3A_308] {strides = array<i32>} : memref<3x32x128xf32, #tpu.memory_space<vmem>>, vector<1x1x16xf32>,
        %parallel_loop3A_310 = vector.shape_cast %parallel_loop3A_309 : vector<1x1x16xf32> to vector<16xf32>
        %parallel_loop3A_311 = vector.shape_cast %parallel_loop3A_260#4 : vector<16xf32> to vector<1x1x16xf32>
        tpu.vector_store %arg8[%parallel_loop3A_306, %parallel_loop3A_307, %parallel_loop3A_308], %parallel_loop3A_311 {strides = array<i32>} : memref<3x32x128xf32, #tpu.memory_space<vmem>>, vector<1x1x16xf32>,
        %parallel_loop3A_312 = arith.constant 8 : i32
        %parallel_loop3A_313 = arith.muli %add3A_79, %parallel_loop3A_312 : i32
        %parallel_loop3A_314 = arith.addi %parallel_loop3A_313, %parallel_loop3A_119 : i32
        %parallel_loop3A_315 = arith.constant 2 : i32
        %parallel_loop3A_316 = arith.index_cast %parallel_loop3A_315 : i32 to index
        %parallel_loop3A_317 = arith.index_cast %parallel_loop3A_314 : i32 to index
        %parallel_loop3A_318 = arith.constant 80 : index
        %parallel_loop3A_319 = tpu.vector_load %arg8[%parallel_loop3A_316, %parallel_loop3A_317, %parallel_loop3A_318] {strides = array<i32>} : memref<3x32x128xf32, #tpu.memory_space<vmem>>, vector<1x1x16xf32>,
        %parallel_loop3A_320 = vector.shape_cast %parallel_loop3A_319 : vector<1x1x16xf32> to vector<16xf32>
        %parallel_loop3A_321 = vector.shape_cast %parallel_loop3A_260#5 : vector<16xf32> to vector<1x1x16xf32>
        tpu.vector_store %arg8[%parallel_loop3A_316, %parallel_loop3A_317, %parallel_loop3A_318], %parallel_loop3A_321 {strides = array<i32>} : memref<3x32x128xf32, #tpu.memory_space<vmem>>, vector<1x1x16xf32>,
        %parallel_loop3A_322 = arith.constant 8 : i32
        %parallel_loop3A_323 = arith.muli %add3A_79, %parallel_loop3A_322 : i32
        %parallel_loop3A_324 = arith.addi %parallel_loop3A_323, %parallel_loop3A_119 : i32
        %parallel_loop3A_325 = arith.constant 0 : i32
        %parallel_loop3A_326 = arith.index_cast %parallel_loop3A_325 : i32 to index
        %parallel_loop3A_327 = arith.index_cast %parallel_loop3A_324 : i32 to index
        %parallel_loop3A_328 = arith.constant 96 : index
        %parallel_loop3A_329 = tpu.vector_load %arg8[%parallel_loop3A_326, %parallel_loop3A_327, %parallel_loop3A_328] {strides = array<i32>} : memref<3x32x128xf32, #tpu.memory_space<vmem>>, vector<1x1x16xf32>,
        %parallel_loop3A_330 = vector.shape_cast %parallel_loop3A_329 : vector<1x1x16xf32> to vector<16xf32>
        %parallel_loop3A_331 = vector.shape_cast %parallel_loop3A_260#6 : vector<16xf32> to vector<1x1x16xf32>
        tpu.vector_store %arg8[%parallel_loop3A_326, %parallel_loop3A_327, %parallel_loop3A_328], %parallel_loop3A_331 {strides = array<i32>} : memref<3x32x128xf32, #tpu.memory_space<vmem>>, vector<1x1x16xf32>,
        %parallel_loop3A_332 = arith.constant 8 : i32
        %parallel_loop3A_333 = arith.muli %add3A_79, %parallel_loop3A_332 : i32
        %parallel_loop3A_334 = arith.addi %parallel_loop3A_333, %parallel_loop3A_119 : i32
        %parallel_loop3A_335 = arith.constant 1 : i32
        %parallel_loop3A_336 = arith.index_cast %parallel_loop3A_335 : i32 to index
        %parallel_loop3A_337 = arith.index_cast %parallel_loop3A_334 : i32 to index
        %parallel_loop3A_338 = arith.constant 96 : index
        %parallel_loop3A_339 = tpu.vector_load %arg8[%parallel_loop3A_336, %parallel_loop3A_337, %parallel_loop3A_338] {strides = array<i32>} : memref<3x32x128xf32, #tpu.memory_space<vmem>>, vector<1x1x16xf32>,
        %parallel_loop3A_340 = vector.shape_cast %parallel_loop3A_339 : vector<1x1x16xf32> to vector<16xf32>
        %parallel_loop3A_341 = vector.shape_cast %parallel_loop3A_260#7 : vector<16xf32> to vector<1x1x16xf32>
        tpu.vector_store %arg8[%parallel_loop3A_336, %parallel_loop3A_337, %parallel_loop3A_338], %parallel_loop3A_341 {strides = array<i32>} : memref<3x32x128xf32, #tpu.memory_space<vmem>>, vector<1x1x16xf32>,
        %parallel_loop3A_342 = arith.constant 8 : i32
        %parallel_loop3A_343 = arith.muli %add3A_79, %parallel_loop3A_342 : i32
        %parallel_loop3A_344 = arith.addi %parallel_loop3A_343, %parallel_loop3A_119 : i32
        %parallel_loop3A_345 = arith.constant 2 : i32
        %parallel_loop3A_346 = arith.index_cast %parallel_loop3A_345 : i32 to index
        %parallel_loop3A_347 = arith.index_cast %parallel_loop3A_344 : i32 to index
        %parallel_loop3A_348 = arith.constant 96 : index
        %parallel_loop3A_349 = tpu.vector_load %arg8[%parallel_loop3A_346, %parallel_loop3A_347, %parallel_loop3A_348] {strides = array<i32>} : memref<3x32x128xf32, #tpu.memory_space<vmem>>, vector<1x1x16xf32>,
        %parallel_loop3A_350 = vector.shape_cast %parallel_loop3A_349 : vector<1x1x16xf32> to vector<16xf32>
        %parallel_loop3A_351 = vector.shape_cast %parallel_loop3A_260#8 : vector<16xf32> to vector<1x1x16xf32>
        tpu.vector_store %arg8[%parallel_loop3A_346, %parallel_loop3A_347, %parallel_loop3A_348], %parallel_loop3A_351 {strides = array<i32>} : memref<3x32x128xf32, #tpu.memory_space<vmem>>, vector<1x1x16xf32>,
        %parallel_loop3A_352 = arith.constant 8 : i32
        %parallel_loop3A_353 = arith.muli %add3A_79, %parallel_loop3A_352 : i32
        %parallel_loop3A_354 = arith.addi %parallel_loop3A_353, %parallel_loop3A_119 : i32
        %parallel_loop3A_355 = arith.constant 0 : i32
        %parallel_loop3A_356 = arith.index_cast %parallel_loop3A_355 : i32 to index
        %parallel_loop3A_357 = arith.index_cast %parallel_loop3A_354 : i32 to index
        %parallel_loop3A_358 = arith.constant 112 : index
        %parallel_loop3A_359 = tpu.vector_load %arg8[%parallel_loop3A_356, %parallel_loop3A_357, %parallel_loop3A_358] {strides = array<i32>} : memref<3x32x128xf32, #tpu.memory_space<vmem>>, vector<1x1x16xf32>,
        %parallel_loop3A_360 = vector.shape_cast %parallel_loop3A_359 : vector<1x1x16xf32> to vector<16xf32>
        %parallel_loop3A_361 = vector.shape_cast %parallel_loop3A_260#9 : vector<16xf32> to vector<1x1x16xf32>
        tpu.vector_store %arg8[%parallel_loop3A_356, %parallel_loop3A_357, %parallel_loop3A_358], %parallel_loop3A_361 {strides = array<i32>} : memref<3x32x128xf32, #tpu.memory_space<vmem>>, vector<1x1x16xf32>,
        %parallel_loop3A_362 = arith.constant 8 : i32
        %parallel_loop3A_363 = arith.muli %add3A_79, %parallel_loop3A_362 : i32
        %parallel_loop3A_364 = arith.addi %parallel_loop3A_363, %parallel_loop3A_119 : i32
        %parallel_loop3A_365 = arith.constant 1 : i32
        %parallel_loop3A_366 = arith.index_cast %parallel_loop3A_365 : i32 to index
        %parallel_loop3A_367 = arith.index_cast %parallel_loop3A_364 : i32 to index
        %parallel_loop3A_368 = arith.constant 112 : index
        %parallel_loop3A_369 = tpu.vector_load %arg8[%parallel_loop3A_366, %parallel_loop3A_367, %parallel_loop3A_368] {strides = array<i32>} : memref<3x32x128xf32, #tpu.memory_space<vmem>>, vector<1x1x16xf32>,
        %parallel_loop3A_370 = vector.shape_cast %parallel_loop3A_369 : vector<1x1x16xf32> to vector<16xf32>
        %parallel_loop3A_371 = vector.shape_cast %parallel_loop3A_260#10 : vector<16xf32> to vector<1x1x16xf32>
        tpu.vector_store %arg8[%parallel_loop3A_366, %parallel_loop3A_367, %parallel_loop3A_368], %parallel_loop3A_371 {strides = array<i32>} : memref<3x32x128xf32, #tpu.memory_space<vmem>>, vector<1x1x16xf32>,
        %parallel_loop3A_372 = arith.constant 8 : i32
        %parallel_loop3A_373 = arith.muli %add3A_79, %parallel_loop3A_372 : i32
        %parallel_loop3A_374 = arith.addi %parallel_loop3A_373, %parallel_loop3A_119 : i32
        %parallel_loop3A_375 = arith.constant 2 : i32
        %parallel_loop3A_376 = arith.index_cast %parallel_loop3A_375 : i32 to index
        %parallel_loop3A_377 = arith.index_cast %parallel_loop3A_374 : i32 to index
        %parallel_loop3A_378 = arith.constant 112 : index
        %parallel_loop3A_379 = tpu.vector_load %arg8[%parallel_loop3A_376, %parallel_loop3A_377, %parallel_loop3A_378] {strides = array<i32>} : memref<3x32x128xf32, #tpu.memory_space<vmem>>, vector<1x1x16xf32>,
        %parallel_loop3A_380 = vector.shape_cast %parallel_loop3A_379 : vector<1x1x16xf32> to vector<16xf32>
        %parallel_loop3A_381 = vector.shape_cast %parallel_loop3A_260#11 : vector<16xf32> to vector<1x1x16xf32>
        tpu.vector_store %arg8[%parallel_loop3A_376, %parallel_loop3A_377, %parallel_loop3A_378], %parallel_loop3A_381 {strides = array<i32>} : memref<3x32x128xf32, #tpu.memory_space<vmem>>, vector<1x1x16xf32>,
      } {sc.loop_unroll_factor = 1 : i64, sc.parallel_access}
      %add3A_91 = arith.constant 2 : i32
      %add3A_92 = arith.addi %add3A_79, %add3A_91 : i32
      %lt3A = arith.constant 4 : i32
      %lt3A_93 = arith.cmpi slt, %add3A_92, %lt3A : i32
      %convert_element_type3A = arith.extui %lt3A_93 : i1 to i32
      %cond3A = arith.constant 0 : i32
      %cond3A_94 = arith.cmpi ne, %convert_element_type3A, %cond3A : i32
      scf.if %cond3A_94 {
        %add3A_119 = arith.constant 2 : i32
        %add3A_120 = arith.addi %add3A_79, %add3A_119 : i32
        %mul3A_121 = arith.constant 64 : i32
        %mul3A_122 = arith.muli %add3A_120, %mul3A_121 : i32
        %dma_start3A_123 = arith.constant 0 : i32
        %dma_start3A_124 = arith.constant 0 : i32
        %dma_start3A_125 = arith.constant 0 : i32
        %dma_start3A_126 = tpu.memref_slice %arg7[%dma_start3A_123, %dma_start3A_124, %dma_start3A_125] : memref<2x64x768xf32, #tpu.memory_space<vmem>> -> memref<1x64x768xf32, #tpu.memory_space<vmem>>
        %dma_start3A_127 = tpu.memref_squeeze %dma_start3A_126 : memref<1x64x768xf32, #tpu.memory_space<vmem>> -> memref<64x768xf32, #tpu.memory_space<vmem>>
        %dma_start3A_128 = tpu.memref_slice %arg6[%mul3A_122] : memref<256xi32, #tpu.memory_space<vmem>> -> memref<64xi32, #tpu.memory_space<vmem>>
        %dma_start3A_129 = arith.constant 0 : i32
        %dma_start3A_130 = arith.constant 0 : i32
        %dma_start3A_131 = tpu.memref_slice %arg4[%dma_start3A_129, %dma_start3A_130] : memref<30527x768xf32, #tpu.memory_space<hbm>> -> memref<30527x768xf32, #tpu.memory_space<hbm>>
        tpu.enqueue_indirect_dma source(%dma_start3A_131 : memref<30527x768xf32, #tpu.memory_space<hbm>>) target(%dma_start3A_127 : memref<64x768xf32, #tpu.memory_space<vmem>>) offsets(%dma_start3A_128 : memref<64xi32, #tpu.memory_space<vmem>>) semaphore(%arg10 : memref<!tpu.dma_semaphore, #tpu.memory_space<semaphore_mem>>)
      } else {
      }
      %mul3A_95 = arith.constant 2 : i32
      %mul3A_96 = arith.muli %scan3A_75, %mul3A_95 : i32
      %add3A_97 = arith.constant 1 : i32
      %add3A_98 = arith.addi %mul3A_96, %add3A_97 : i32
      %dma_wait3A_99 = arith.constant 1 : i32
      %dma_wait3A_100 = arith.constant 0 : i32
      %dma_wait3A_101 = arith.constant 0 : i32
      %dma_wait3A_102 = tpu.memref_slice %arg7[%dma_wait3A_99, %dma_wait3A_100, %dma_wait3A_101] : memref<2x64x768xf32, #tpu.memory_space<vmem>> -> memref<1x64x768xf32, #tpu.memory_space<vmem>>
      %dma_wait3A_103 = tpu.memref_squeeze %dma_wait3A_102 : memref<1x64x768xf32, #tpu.memory_space<vmem>> -> memref<64x768xf32, #tpu.memory_space<vmem>>
      %dma_wait3A_104 = arith.constant 0 : i32
      %dma_wait3A_105 = tpu.memref_slice %arg6[%dma_wait3A_104] : memref<256xi32, #tpu.memory_space<vmem>> -> memref<64xi32, #tpu.memory_space<vmem>>
      %dma_wait3A_106 = arith.constant 0 : i32
      %dma_wait3A_107 = arith.constant 0 : i32
      %dma_wait3A_108 = tpu.memref_slice %arg4[%dma_wait3A_106, %dma_wait3A_107] : memref<30527x768xf32, #tpu.memory_space<hbm>> -> memref<30527x768xf32, #tpu.memory_space<hbm>>
      tpu.wait_indirect_dma semaphore(%arg11 : memref<!tpu.dma_semaphore, #tpu.memory_space<semaphore_mem>>) src(%dma_wait3A_108 : memref<30527x768xf32, #tpu.memory_space<hbm>>) dst(%dma_wait3A_103 : memref<64x768xf32, #tpu.memory_space<vmem>>)
      %parallel_loop3A_109 = arith.constant 0 : i32
      %parallel_loop3A_110 = arith.constant 8 : i32
      %parallel_loop3A_111 = arith.constant 1 : i32
      scf.for %parallel_loop3A_119 = %parallel_loop3A_109 to %parallel_loop3A_110 step %parallel_loop3A_111  : i32 {
        %parallel_loop3A_120 = arith.constant 0.000000e+00 : f32
        %parallel_loop3A_121 = vector.broadcast %parallel_loop3A_120 : f32 to vector<16xf32>
        %parallel_loop3A_122 = arith.constant 8 : i32
        %parallel_loop3A_123 = arith.muli %parallel_loop3A_119, %parallel_loop3A_122 : i32
        %parallel_loop3A_124 = arith.constant 0 : i32
        %parallel_loop3A_125 = arith.addi %parallel_loop3A_123, %parallel_loop3A_124 : i32
        %parallel_loop3A_126 = arith.constant 0 : i32
        %parallel_loop3A_127 = arith.constant 24 : i32
        %parallel_loop3A_128 = arith.addi %parallel_loop3A_126, %parallel_loop3A_127 : i32
        %parallel_loop3A_129 = arith.constant 1 : i32
        %parallel_loop3A_130:12 = scf.for %scan3A_382 = %parallel_loop3A_126 to %parallel_loop3A_128 step %parallel_loop3A_129 iter_args(%scan3A_383 = %parallel_loop3A_121, %scan3A_384 = %parallel_loop3A_121, %scan3A_385 = %parallel_loop3A_121, %scan3A_386 = %parallel_loop3A_121, %scan3A_387 = %parallel_loop3A_121, %scan3A_388 = %parallel_loop3A_121, %scan3A_389 = %parallel_loop3A_121, %scan3A_390 = %parallel_loop3A_121, %scan3A_391 = %parallel_loop3A_121, %scan3A_392 = %parallel_loop3A_121, %scan3A_393 = %parallel_loop3A_121, %scan3A_394 = %parallel_loop3A_121) -> (vector<16xf32>, vector<16xf32>, vector<16xf32>, vector<16xf32>, vector<16xf32>, vector<16xf32>, vector<16xf32>, vector<16xf32>, vector<16xf32>, vector<16xf32>, vector<16xf32>, vector<16xf32>)  : i32 {
          %parallel_loop3A_395 = arith.constant 2 : i32
          %parallel_loop3A_396 = arith.muli %scan3A_382, %parallel_loop3A_395 : i32
          %parallel_loop3A_397 = arith.constant 0 : i32
          %parallel_loop3A_398 = arith.addi %parallel_loop3A_396, %parallel_loop3A_397 : i32
          %parallel_loop3A_399 = arith.constant 16 : i32
          %parallel_loop3A_400 = arith.muli %parallel_loop3A_398, %parallel_loop3A_399 : i32
          %parallel_loop3A_401 = arith.constant 0 : i32
          %parallel_loop3A_402 = arith.index_cast %parallel_loop3A_401 : i32 to index
          %parallel_loop3A_403 = arith.index_cast %parallel_loop3A_400 : i32 to index
          %parallel_loop3A_404 = tpu.vector_load %arg9[%parallel_loop3A_402, %parallel_loop3A_403] {strides = array<i32>} : memref<3x768xf32, #tpu.memory_space<vmem>>, vector<1x16xf32>,
          %parallel_loop3A_405 = vector.shape_cast %parallel_loop3A_404 : vector<1x16xf32> to vector<16xf32>
          %parallel_loop3A_406 = arith.constant 1 : i32
          %parallel_loop3A_407 = arith.index_cast %parallel_loop3A_406 : i32 to index
          %parallel_loop3A_408 = arith.index_cast %parallel_loop3A_400 : i32 to index
          %parallel_loop3A_409 = tpu.vector_load %arg9[%parallel_loop3A_407, %parallel_loop3A_408] {strides = array<i32>} : memref<3x768xf32, #tpu.memory_space<vmem>>, vector<1x16xf32>,
          %parallel_loop3A_410 = vector.shape_cast %parallel_loop3A_409 : vector<1x16xf32> to vector<16xf32>
          %parallel_loop3A_411 = arith.constant 2 : i32
          %parallel_loop3A_412 = arith.index_cast %parallel_loop3A_411 : i32 to index
          %parallel_loop3A_413 = arith.index_cast %parallel_loop3A_400 : i32 to index
          %parallel_loop3A_414 = tpu.vector_load %arg9[%parallel_loop3A_412, %parallel_loop3A_413] {strides = array<i32>} : memref<3x768xf32, #tpu.memory_space<vmem>>, vector<1x16xf32>,
          %parallel_loop3A_415 = vector.shape_cast %parallel_loop3A_414 : vector<1x16xf32> to vector<16xf32>
          %parallel_loop3A_416 = arith.constant 0 : i32
          %parallel_loop3A_417 = arith.addi %parallel_loop3A_125, %parallel_loop3A_416 : i32
          %parallel_loop3A_418 = arith.constant 1 : i32
          %parallel_loop3A_419 = arith.index_cast %parallel_loop3A_418 : i32 to index
          %parallel_loop3A_420 = arith.index_cast %parallel_loop3A_417 : i32 to index
          %parallel_loop3A_421 = arith.index_cast %parallel_loop3A_400 : i32 to index
          %parallel_loop3A_422 = tpu.vector_load %arg7[%parallel_loop3A_419, %parallel_loop3A_420, %parallel_loop3A_421] {strides = array<i32>} : memref<2x64x768xf32, #tpu.memory_space<vmem>>, vector<1x1x16xf32>,
          %parallel_loop3A_423 = vector.shape_cast %parallel_loop3A_422 : vector<1x1x16xf32> to vector<16xf32>
          %parallel_loop3A_424 = arith.mulf %parallel_loop3A_423, %parallel_loop3A_405 : vector<16xf32>
          %parallel_loop3A_425 = arith.addf %scan3A_383, %parallel_loop3A_424 : vector<16xf32>
          %parallel_loop3A_426 = arith.mulf %parallel_loop3A_423, %parallel_loop3A_410 : vector<16xf32>
          %parallel_loop3A_427 = arith.addf %scan3A_384, %parallel_loop3A_426 : vector<16xf32>
          %parallel_loop3A_428 = arith.mulf %parallel_loop3A_423, %parallel_loop3A_415 : vector<16xf32>
          %parallel_loop3A_429 = arith.addf %scan3A_385, %parallel_loop3A_428 : vector<16xf32>
          %parallel_loop3A_430 = arith.constant 1 : i32
          %parallel_loop3A_431 = arith.addi %parallel_loop3A_125, %parallel_loop3A_430 : i32
          %parallel_loop3A_432 = arith.constant 1 : i32
          %parallel_loop3A_433 = arith.index_cast %parallel_loop3A_432 : i32 to index
          %parallel_loop3A_434 = arith.index_cast %parallel_loop3A_431 : i32 to index
          %parallel_loop3A_435 = arith.index_cast %parallel_loop3A_400 : i32 to index
          %parallel_loop3A_436 = tpu.vector_load %arg7[%parallel_loop3A_433, %parallel_loop3A_434, %parallel_loop3A_435] {strides = array<i32>} : memref<2x64x768xf32, #tpu.memory_space<vmem>>, vector<1x1x16xf32>,
          %parallel_loop3A_437 = vector.shape_cast %parallel_loop3A_436 : vector<1x1x16xf32> to vector<16xf32>
          %parallel_loop3A_438 = arith.mulf %parallel_loop3A_437, %parallel_loop3A_405 : vector<16xf32>
          %parallel_loop3A_439 = arith.addf %scan3A_386, %parallel_loop3A_438 : vector<16xf32>
          %parallel_loop3A_440 = arith.mulf %parallel_loop3A_437, %parallel_loop3A_410 : vector<16xf32>
          %parallel_loop3A_441 = arith.addf %scan3A_387, %parallel_loop3A_440 : vector<16xf32>
          %parallel_loop3A_442 = arith.mulf %parallel_loop3A_437, %parallel_loop3A_415 : vector<16xf32>
          %parallel_loop3A_443 = arith.addf %scan3A_388, %parallel_loop3A_442 : vector<16xf32>
          %parallel_loop3A_444 = arith.constant 2 : i32
          %parallel_loop3A_445 = arith.addi %parallel_loop3A_125, %parallel_loop3A_444 : i32
          %parallel_loop3A_446 = arith.constant 1 : i32
          %parallel_loop3A_447 = arith.index_cast %parallel_loop3A_446 : i32 to index
          %parallel_loop3A_448 = arith.index_cast %parallel_loop3A_445 : i32 to index
          %parallel_loop3A_449 = arith.index_cast %parallel_loop3A_400 : i32 to index
          %parallel_loop3A_450 = tpu.vector_load %arg7[%parallel_loop3A_447, %parallel_loop3A_448, %parallel_loop3A_449] {strides = array<i32>} : memref<2x64x768xf32, #tpu.memory_space<vmem>>, vector<1x1x16xf32>,
          %parallel_loop3A_451 = vector.shape_cast %parallel_loop3A_450 : vector<1x1x16xf32> to vector<16xf32>
          %parallel_loop3A_452 = arith.mulf %parallel_loop3A_451, %parallel_loop3A_405 : vector<16xf32>
          %parallel_loop3A_453 = arith.addf %scan3A_389, %parallel_loop3A_452 : vector<16xf32>
          %parallel_loop3A_454 = arith.mulf %parallel_loop3A_451, %parallel_loop3A_410 : vector<16xf32>
          %parallel_loop3A_455 = arith.addf %scan3A_390, %parallel_loop3A_454 : vector<16xf32>
          %parallel_loop3A_456 = arith.mulf %parallel_loop3A_451, %parallel_loop3A_415 : vector<16xf32>
          %parallel_loop3A_457 = arith.addf %scan3A_391, %parallel_loop3A_456 : vector<16xf32>
          %parallel_loop3A_458 = arith.constant 3 : i32
          %parallel_loop3A_459 = arith.addi %parallel_loop3A_125, %parallel_loop3A_458 : i32
          %parallel_loop3A_460 = arith.constant 1 : i32
          %parallel_loop3A_461 = arith.index_cast %parallel_loop3A_460 : i32 to index
          %parallel_loop3A_462 = arith.index_cast %parallel_loop3A_459 : i32 to index
          %parallel_loop3A_463 = arith.index_cast %parallel_loop3A_400 : i32 to index
          %parallel_loop3A_464 = tpu.vector_load %arg7[%parallel_loop3A_461, %parallel_loop3A_462, %parallel_loop3A_463] {strides = array<i32>} : memref<2x64x768xf32, #tpu.memory_space<vmem>>, vector<1x1x16xf32>,
          %parallel_loop3A_465 = vector.shape_cast %parallel_loop3A_464 : vector<1x1x16xf32> to vector<16xf32>
          %parallel_loop3A_466 = arith.mulf %parallel_loop3A_465, %parallel_loop3A_405 : vector<16xf32>
          %parallel_loop3A_467 = arith.addf %scan3A_392, %parallel_loop3A_466 : vector<16xf32>
          %parallel_loop3A_468 = arith.mulf %parallel_loop3A_465, %parallel_loop3A_410 : vector<16xf32>
          %parallel_loop3A_469 = arith.addf %scan3A_393, %parallel_loop3A_468 : vector<16xf32>
          %parallel_loop3A_470 = arith.mulf %parallel_loop3A_465, %parallel_loop3A_415 : vector<16xf32>
          %parallel_loop3A_471 = arith.addf %scan3A_394, %parallel_loop3A_470 : vector<16xf32>
          %parallel_loop3A_472 = arith.constant 2 : i32
          %parallel_loop3A_473 = arith.muli %scan3A_382, %parallel_loop3A_472 : i32
          %parallel_loop3A_474 = arith.constant 1 : i32
          %parallel_loop3A_475 = arith.addi %parallel_loop3A_473, %parallel_loop3A_474 : i32
          %parallel_loop3A_476 = arith.constant 16 : i32
          %parallel_loop3A_477 = arith.muli %parallel_loop3A_475, %parallel_loop3A_476 : i32
          %parallel_loop3A_478 = arith.constant 0 : i32
          %parallel_loop3A_479 = arith.index_cast %parallel_loop3A_478 : i32 to index
          %parallel_loop3A_480 = arith.index_cast %parallel_loop3A_477 : i32 to index
          %parallel_loop3A_481 = tpu.vector_load %arg9[%parallel_loop3A_479, %parallel_loop3A_480] {strides = array<i32>} : memref<3x768xf32, #tpu.memory_space<vmem>>, vector<1x16xf32>,
          %parallel_loop3A_482 = vector.shape_cast %parallel_loop3A_481 : vector<1x16xf32> to vector<16xf32>
          %parallel_loop3A_483 = arith.constant 1 : i32
          %parallel_loop3A_484 = arith.index_cast %parallel_loop3A_483 : i32 to index
          %parallel_loop3A_485 = arith.index_cast %parallel_loop3A_477 : i32 to index
          %parallel_loop3A_486 = tpu.vector_load %arg9[%parallel_loop3A_484, %parallel_loop3A_485] {strides = array<i32>} : memref<3x768xf32, #tpu.memory_space<vmem>>, vector<1x16xf32>,
          %parallel_loop3A_487 = vector.shape_cast %parallel_loop3A_486 : vector<1x16xf32> to vector<16xf32>
          %parallel_loop3A_488 = arith.constant 2 : i32
          %parallel_loop3A_489 = arith.index_cast %parallel_loop3A_488 : i32 to index
          %parallel_loop3A_490 = arith.index_cast %parallel_loop3A_477 : i32 to index
          %parallel_loop3A_491 = tpu.vector_load %arg9[%parallel_loop3A_489, %parallel_loop3A_490] {strides = array<i32>} : memref<3x768xf32, #tpu.memory_space<vmem>>, vector<1x16xf32>,
          %parallel_loop3A_492 = vector.shape_cast %parallel_loop3A_491 : vector<1x16xf32> to vector<16xf32>
          %parallel_loop3A_493 = arith.constant 0 : i32
          %parallel_loop3A_494 = arith.addi %parallel_loop3A_125, %parallel_loop3A_493 : i32
          %parallel_loop3A_495 = arith.constant 1 : i32
          %parallel_loop3A_496 = arith.index_cast %parallel_loop3A_495 : i32 to index
          %parallel_loop3A_497 = arith.index_cast %parallel_loop3A_494 : i32 to index
          %parallel_loop3A_498 = arith.index_cast %parallel_loop3A_477 : i32 to index
          %parallel_loop3A_499 = tpu.vector_load %arg7[%parallel_loop3A_496, %parallel_loop3A_497, %parallel_loop3A_498] {strides = array<i32>} : memref<2x64x768xf32, #tpu.memory_space<vmem>>, vector<1x1x16xf32>,
          %parallel_loop3A_500 = vector.shape_cast %parallel_loop3A_499 : vector<1x1x16xf32> to vector<16xf32>
          %parallel_loop3A_501 = arith.mulf %parallel_loop3A_500, %parallel_loop3A_482 : vector<16xf32>
          %parallel_loop3A_502 = arith.addf %parallel_loop3A_425, %parallel_loop3A_501 : vector<16xf32>
          %parallel_loop3A_503 = arith.mulf %parallel_loop3A_500, %parallel_loop3A_487 : vector<16xf32>
          %parallel_loop3A_504 = arith.addf %parallel_loop3A_427, %parallel_loop3A_503 : vector<16xf32>
          %parallel_loop3A_505 = arith.mulf %parallel_loop3A_500, %parallel_loop3A_492 : vector<16xf32>
          %parallel_loop3A_506 = arith.addf %parallel_loop3A_429, %parallel_loop3A_505 : vector<16xf32>
          %parallel_loop3A_507 = arith.constant 1 : i32
          %parallel_loop3A_508 = arith.addi %parallel_loop3A_125, %parallel_loop3A_507 : i32
          %parallel_loop3A_509 = arith.constant 1 : i32
          %parallel_loop3A_510 = arith.index_cast %parallel_loop3A_509 : i32 to index
          %parallel_loop3A_511 = arith.index_cast %parallel_loop3A_508 : i32 to index
          %parallel_loop3A_512 = arith.index_cast %parallel_loop3A_477 : i32 to index
          %parallel_loop3A_513 = tpu.vector_load %arg7[%parallel_loop3A_510, %parallel_loop3A_511, %parallel_loop3A_512] {strides = array<i32>} : memref<2x64x768xf32, #tpu.memory_space<vmem>>, vector<1x1x16xf32>,
          %parallel_loop3A_514 = vector.shape_cast %parallel_loop3A_513 : vector<1x1x16xf32> to vector<16xf32>
          %parallel_loop3A_515 = arith.mulf %parallel_loop3A_514, %parallel_loop3A_482 : vector<16xf32>
          %parallel_loop3A_516 = arith.addf %parallel_loop3A_439, %parallel_loop3A_515 : vector<16xf32>
          %parallel_loop3A_517 = arith.mulf %parallel_loop3A_514, %parallel_loop3A_487 : vector<16xf32>
          %parallel_loop3A_518 = arith.addf %parallel_loop3A_441, %parallel_loop3A_517 : vector<16xf32>
          %parallel_loop3A_519 = arith.mulf %parallel_loop3A_514, %parallel_loop3A_492 : vector<16xf32>
          %parallel_loop3A_520 = arith.addf %parallel_loop3A_443, %parallel_loop3A_519 : vector<16xf32>
          %parallel_loop3A_521 = arith.constant 2 : i32
          %parallel_loop3A_522 = arith.addi %parallel_loop3A_125, %parallel_loop3A_521 : i32
          %parallel_loop3A_523 = arith.constant 1 : i32
          %parallel_loop3A_524 = arith.index_cast %parallel_loop3A_523 : i32 to index
          %parallel_loop3A_525 = arith.index_cast %parallel_loop3A_522 : i32 to index
          %parallel_loop3A_526 = arith.index_cast %parallel_loop3A_477 : i32 to index
          %parallel_loop3A_527 = tpu.vector_load %arg7[%parallel_loop3A_524, %parallel_loop3A_525, %parallel_loop3A_526] {strides = array<i32>} : memref<2x64x768xf32, #tpu.memory_space<vmem>>, vector<1x1x16xf32>,
          %parallel_loop3A_528 = vector.shape_cast %parallel_loop3A_527 : vector<1x1x16xf32> to vector<16xf32>
          %parallel_loop3A_529 = arith.mulf %parallel_loop3A_528, %parallel_loop3A_482 : vector<16xf32>
          %parallel_loop3A_530 = arith.addf %parallel_loop3A_453, %parallel_loop3A_529 : vector<16xf32>
          %parallel_loop3A_531 = arith.mulf %parallel_loop3A_528, %parallel_loop3A_487 : vector<16xf32>
          %parallel_loop3A_532 = arith.addf %parallel_loop3A_455, %parallel_loop3A_531 : vector<16xf32>
          %parallel_loop3A_533 = arith.mulf %parallel_loop3A_528, %parallel_loop3A_492 : vector<16xf32>
          %parallel_loop3A_534 = arith.addf %parallel_loop3A_457, %parallel_loop3A_533 : vector<16xf32>
          %parallel_loop3A_535 = arith.constant 3 : i32
          %parallel_loop3A_536 = arith.addi %parallel_loop3A_125, %parallel_loop3A_535 : i32
          %parallel_loop3A_537 = arith.constant 1 : i32
          %parallel_loop3A_538 = arith.index_cast %parallel_loop3A_537 : i32 to index
          %parallel_loop3A_539 = arith.index_cast %parallel_loop3A_536 : i32 to index
          %parallel_loop3A_540 = arith.index_cast %parallel_loop3A_477 : i32 to index
          %parallel_loop3A_541 = tpu.vector_load %arg7[%parallel_loop3A_538, %parallel_loop3A_539, %parallel_loop3A_540] {strides = array<i32>} : memref<2x64x768xf32, #tpu.memory_space<vmem>>, vector<1x1x16xf32>,
          %parallel_loop3A_542 = vector.shape_cast %parallel_loop3A_541 : vector<1x1x16xf32> to vector<16xf32>
          %parallel_loop3A_543 = arith.mulf %parallel_loop3A_542, %parallel_loop3A_482 : vector<16xf32>
          %parallel_loop3A_544 = arith.addf %parallel_loop3A_467, %parallel_loop3A_543 : vector<16xf32>
          %parallel_loop3A_545 = arith.mulf %parallel_loop3A_542, %parallel_loop3A_487 : vector<16xf32>
          %parallel_loop3A_546 = arith.addf %parallel_loop3A_469, %parallel_loop3A_545 : vector<16xf32>
          %parallel_loop3A_547 = arith.mulf %parallel_loop3A_542, %parallel_loop3A_492 : vector<16xf32>
          %parallel_loop3A_548 = arith.addf %parallel_loop3A_471, %parallel_loop3A_547 : vector<16xf32>
          scf.yield %parallel_loop3A_502, %parallel_loop3A_504, %parallel_loop3A_506, %parallel_loop3A_516, %parallel_loop3A_518, %parallel_loop3A_520, %parallel_loop3A_530, %parallel_loop3A_532, %parallel_loop3A_534, %parallel_loop3A_544, %parallel_loop3A_546, %parallel_loop3A_548 : vector<16xf32>, vector<16xf32>, vector<16xf32>, vector<16xf32>, vector<16xf32>, vector<16xf32>, vector<16xf32>, vector<16xf32>, vector<16xf32>, vector<16xf32>, vector<16xf32>, vector<16xf32>
        }
        %parallel_loop3A_131 = arith.constant 24 : i32
        %parallel_loop3A_132 = arith.constant 8 : i32
        %parallel_loop3A_133 = arith.muli %add3A_98, %parallel_loop3A_132 : i32
        %parallel_loop3A_134 = arith.addi %parallel_loop3A_133, %parallel_loop3A_119 : i32
        %parallel_loop3A_135 = arith.constant 0 : i32
        %parallel_loop3A_136 = arith.index_cast %parallel_loop3A_135 : i32 to index
        %parallel_loop3A_137 = arith.index_cast %parallel_loop3A_134 : i32 to index
        %parallel_loop3A_138 = arith.constant 0 : index
        %parallel_loop3A_139 = tpu.vector_load %arg8[%parallel_loop3A_136, %parallel_loop3A_137, %parallel_loop3A_138] {strides = array<i32>} : memref<3x32x128xf32, #tpu.memory_space<vmem>>, vector<1x1x16xf32>,
        %parallel_loop3A_140 = vector.shape_cast %parallel_loop3A_139 : vector<1x1x16xf32> to vector<16xf32>
        %parallel_loop3A_141 = vector.shape_cast %parallel_loop3A_130#0 : vector<16xf32> to vector<1x1x16xf32>
        tpu.vector_store %arg8[%parallel_loop3A_136, %parallel_loop3A_137, %parallel_loop3A_138], %parallel_loop3A_141 {strides = array<i32>} : memref<3x32x128xf32, #tpu.memory_space<vmem>>, vector<1x1x16xf32>,
        %parallel_loop3A_142 = arith.constant 8 : i32
        %parallel_loop3A_143 = arith.muli %add3A_98, %parallel_loop3A_142 : i32
        %parallel_loop3A_144 = arith.addi %parallel_loop3A_143, %parallel_loop3A_119 : i32
        %parallel_loop3A_145 = arith.constant 1 : i32
        %parallel_loop3A_146 = arith.index_cast %parallel_loop3A_145 : i32 to index
        %parallel_loop3A_147 = arith.index_cast %parallel_loop3A_144 : i32 to index
        %parallel_loop3A_148 = arith.constant 0 : index
        %parallel_loop3A_149 = tpu.vector_load %arg8[%parallel_loop3A_146, %parallel_loop3A_147, %parallel_loop3A_148] {strides = array<i32>} : memref<3x32x128xf32, #tpu.memory_space<vmem>>, vector<1x1x16xf32>,
        %parallel_loop3A_150 = vector.shape_cast %parallel_loop3A_149 : vector<1x1x16xf32> to vector<16xf32>
        %parallel_loop3A_151 = vector.shape_cast %parallel_loop3A_130#1 : vector<16xf32> to vector<1x1x16xf32>
        tpu.vector_store %arg8[%parallel_loop3A_146, %parallel_loop3A_147, %parallel_loop3A_148], %parallel_loop3A_151 {strides = array<i32>} : memref<3x32x128xf32, #tpu.memory_space<vmem>>, vector<1x1x16xf32>,
        %parallel_loop3A_152 = arith.constant 8 : i32
        %parallel_loop3A_153 = arith.muli %add3A_98, %parallel_loop3A_152 : i32
        %parallel_loop3A_154 = arith.addi %parallel_loop3A_153, %parallel_loop3A_119 : i32
        %parallel_loop3A_155 = arith.constant 2 : i32
        %parallel_loop3A_156 = arith.index_cast %parallel_loop3A_155 : i32 to index
        %parallel_loop3A_157 = arith.index_cast %parallel_loop3A_154 : i32 to index
        %parallel_loop3A_158 = arith.constant 0 : index
        %parallel_loop3A_159 = tpu.vector_load %arg8[%parallel_loop3A_156, %parallel_loop3A_157, %parallel_loop3A_158] {strides = array<i32>} : memref<3x32x128xf32, #tpu.memory_space<vmem>>, vector<1x1x16xf32>,
        %parallel_loop3A_160 = vector.shape_cast %parallel_loop3A_159 : vector<1x1x16xf32> to vector<16xf32>
        %parallel_loop3A_161 = vector.shape_cast %parallel_loop3A_130#2 : vector<16xf32> to vector<1x1x16xf32>
        tpu.vector_store %arg8[%parallel_loop3A_156, %parallel_loop3A_157, %parallel_loop3A_158], %parallel_loop3A_161 {strides = array<i32>} : memref<3x32x128xf32, #tpu.memory_space<vmem>>, vector<1x1x16xf32>,
        %parallel_loop3A_162 = arith.constant 8 : i32
        %parallel_loop3A_163 = arith.muli %add3A_98, %parallel_loop3A_162 : i32
        %parallel_loop3A_164 = arith.addi %parallel_loop3A_163, %parallel_loop3A_119 : i32
        %parallel_loop3A_165 = arith.constant 0 : i32
        %parallel_loop3A_166 = arith.index_cast %parallel_loop3A_165 : i32 to index
        %parallel_loop3A_167 = arith.index_cast %parallel_loop3A_164 : i32 to index
        %parallel_loop3A_168 = arith.constant 16 : index
        %parallel_loop3A_169 = tpu.vector_load %arg8[%parallel_loop3A_166, %parallel_loop3A_167, %parallel_loop3A_168] {strides = array<i32>} : memref<3x32x128xf32, #tpu.memory_space<vmem>>, vector<1x1x16xf32>,
        %parallel_loop3A_170 = vector.shape_cast %parallel_loop3A_169 : vector<1x1x16xf32> to vector<16xf32>
        %parallel_loop3A_171 = vector.shape_cast %parallel_loop3A_130#3 : vector<16xf32> to vector<1x1x16xf32>
        tpu.vector_store %arg8[%parallel_loop3A_166, %parallel_loop3A_167, %parallel_loop3A_168], %parallel_loop3A_171 {strides = array<i32>} : memref<3x32x128xf32, #tpu.memory_space<vmem>>, vector<1x1x16xf32>,
        %parallel_loop3A_172 = arith.constant 8 : i32
        %parallel_loop3A_173 = arith.muli %add3A_98, %parallel_loop3A_172 : i32
        %parallel_loop3A_174 = arith.addi %parallel_loop3A_173, %parallel_loop3A_119 : i32
        %parallel_loop3A_175 = arith.constant 1 : i32
        %parallel_loop3A_176 = arith.index_cast %parallel_loop3A_175 : i32 to index
        %parallel_loop3A_177 = arith.index_cast %parallel_loop3A_174 : i32 to index
        %parallel_loop3A_178 = arith.constant 16 : index
        %parallel_loop3A_179 = tpu.vector_load %arg8[%parallel_loop3A_176, %parallel_loop3A_177, %parallel_loop3A_178] {strides = array<i32>} : memref<3x32x128xf32, #tpu.memory_space<vmem>>, vector<1x1x16xf32>,
        %parallel_loop3A_180 = vector.shape_cast %parallel_loop3A_179 : vector<1x1x16xf32> to vector<16xf32>
        %parallel_loop3A_181 = vector.shape_cast %parallel_loop3A_130#4 : vector<16xf32> to vector<1x1x16xf32>
        tpu.vector_store %arg8[%parallel_loop3A_176, %parallel_loop3A_177, %parallel_loop3A_178], %parallel_loop3A_181 {strides = array<i32>} : memref<3x32x128xf32, #tpu.memory_space<vmem>>, vector<1x1x16xf32>,
        %parallel_loop3A_182 = arith.constant 8 : i32
        %parallel_loop3A_183 = arith.muli %add3A_98, %parallel_loop3A_182 : i32
        %parallel_loop3A_184 = arith.addi %parallel_loop3A_183, %parallel_loop3A_119 : i32
        %parallel_loop3A_185 = arith.constant 2 : i32
        %parallel_loop3A_186 = arith.index_cast %parallel_loop3A_185 : i32 to index
        %parallel_loop3A_187 = arith.index_cast %parallel_loop3A_184 : i32 to index
        %parallel_loop3A_188 = arith.constant 16 : index
        %parallel_loop3A_189 = tpu.vector_load %arg8[%parallel_loop3A_186, %parallel_loop3A_187, %parallel_loop3A_188] {strides = array<i32>} : memref<3x32x128xf32, #tpu.memory_space<vmem>>, vector<1x1x16xf32>,
        %parallel_loop3A_190 = vector.shape_cast %parallel_loop3A_189 : vector<1x1x16xf32> to vector<16xf32>
        %parallel_loop3A_191 = vector.shape_cast %parallel_loop3A_130#5 : vector<16xf32> to vector<1x1x16xf32>
        tpu.vector_store %arg8[%parallel_loop3A_186, %parallel_loop3A_187, %parallel_loop3A_188], %parallel_loop3A_191 {strides = array<i32>} : memref<3x32x128xf32, #tpu.memory_space<vmem>>, vector<1x1x16xf32>,
        %parallel_loop3A_192 = arith.constant 8 : i32
        %parallel_loop3A_193 = arith.muli %add3A_98, %parallel_loop3A_192 : i32
        %parallel_loop3A_194 = arith.addi %parallel_loop3A_193, %parallel_loop3A_119 : i32
        %parallel_loop3A_195 = arith.constant 0 : i32
        %parallel_loop3A_196 = arith.index_cast %parallel_loop3A_195 : i32 to index
        %parallel_loop3A_197 = arith.index_cast %parallel_loop3A_194 : i32 to index
        %parallel_loop3A_198 = arith.constant 32 : index
        %parallel_loop3A_199 = tpu.vector_load %arg8[%parallel_loop3A_196, %parallel_loop3A_197, %parallel_loop3A_198] {strides = array<i32>} : memref<3x32x128xf32, #tpu.memory_space<vmem>>, vector<1x1x16xf32>,
        %parallel_loop3A_200 = vector.shape_cast %parallel_loop3A_199 : vector<1x1x16xf32> to vector<16xf32>
        %parallel_loop3A_201 = vector.shape_cast %parallel_loop3A_130#6 : vector<16xf32> to vector<1x1x16xf32>
        tpu.vector_store %arg8[%parallel_loop3A_196, %parallel_loop3A_197, %parallel_loop3A_198], %parallel_loop3A_201 {strides = array<i32>} : memref<3x32x128xf32, #tpu.memory_space<vmem>>, vector<1x1x16xf32>,
        %parallel_loop3A_202 = arith.constant 8 : i32
        %parallel_loop3A_203 = arith.muli %add3A_98, %parallel_loop3A_202 : i32
        %parallel_loop3A_204 = arith.addi %parallel_loop3A_203, %parallel_loop3A_119 : i32
        %parallel_loop3A_205 = arith.constant 1 : i32
        %parallel_loop3A_206 = arith.index_cast %parallel_loop3A_205 : i32 to index
        %parallel_loop3A_207 = arith.index_cast %parallel_loop3A_204 : i32 to index
        %parallel_loop3A_208 = arith.constant 32 : index
        %parallel_loop3A_209 = tpu.vector_load %arg8[%parallel_loop3A_206, %parallel_loop3A_207, %parallel_loop3A_208] {strides = array<i32>} : memref<3x32x128xf32, #tpu.memory_space<vmem>>, vector<1x1x16xf32>,
        %parallel_loop3A_210 = vector.shape_cast %parallel_loop3A_209 : vector<1x1x16xf32> to vector<16xf32>
        %parallel_loop3A_211 = vector.shape_cast %parallel_loop3A_130#7 : vector<16xf32> to vector<1x1x16xf32>
        tpu.vector_store %arg8[%parallel_loop3A_206, %parallel_loop3A_207, %parallel_loop3A_208], %parallel_loop3A_211 {strides = array<i32>} : memref<3x32x128xf32, #tpu.memory_space<vmem>>, vector<1x1x16xf32>,
        %parallel_loop3A_212 = arith.constant 8 : i32
        %parallel_loop3A_213 = arith.muli %add3A_98, %parallel_loop3A_212 : i32
        %parallel_loop3A_214 = arith.addi %parallel_loop3A_213, %parallel_loop3A_119 : i32
        %parallel_loop3A_215 = arith.constant 2 : i32
        %parallel_loop3A_216 = arith.index_cast %parallel_loop3A_215 : i32 to index
        %parallel_loop3A_217 = arith.index_cast %parallel_loop3A_214 : i32 to index
        %parallel_loop3A_218 = arith.constant 32 : index
        %parallel_loop3A_219 = tpu.vector_load %arg8[%parallel_loop3A_216, %parallel_loop3A_217, %parallel_loop3A_218] {strides = array<i32>} : memref<3x32x128xf32, #tpu.memory_space<vmem>>, vector<1x1x16xf32>,
        %parallel_loop3A_220 = vector.shape_cast %parallel_loop3A_219 : vector<1x1x16xf32> to vector<16xf32>
        %parallel_loop3A_221 = vector.shape_cast %parallel_loop3A_130#8 : vector<16xf32> to vector<1x1x16xf32>
        tpu.vector_store %arg8[%parallel_loop3A_216, %parallel_loop3A_217, %parallel_loop3A_218], %parallel_loop3A_221 {strides = array<i32>} : memref<3x32x128xf32, #tpu.memory_space<vmem>>, vector<1x1x16xf32>,
        %parallel_loop3A_222 = arith.constant 8 : i32
        %parallel_loop3A_223 = arith.muli %add3A_98, %parallel_loop3A_222 : i32
        %parallel_loop3A_224 = arith.addi %parallel_loop3A_223, %parallel_loop3A_119 : i32
        %parallel_loop3A_225 = arith.constant 0 : i32
        %parallel_loop3A_226 = arith.index_cast %parallel_loop3A_225 : i32 to index
        %parallel_loop3A_227 = arith.index_cast %parallel_loop3A_224 : i32 to index
        %parallel_loop3A_228 = arith.constant 48 : index
        %parallel_loop3A_229 = tpu.vector_load %arg8[%parallel_loop3A_226, %parallel_loop3A_227, %parallel_loop3A_228] {strides = array<i32>} : memref<3x32x128xf32, #tpu.memory_space<vmem>>, vector<1x1x16xf32>,
        %parallel_loop3A_230 = vector.shape_cast %parallel_loop3A_229 : vector<1x1x16xf32> to vector<16xf32>
        %parallel_loop3A_231 = vector.shape_cast %parallel_loop3A_130#9 : vector<16xf32> to vector<1x1x16xf32>
        tpu.vector_store %arg8[%parallel_loop3A_226, %parallel_loop3A_227, %parallel_loop3A_228], %parallel_loop3A_231 {strides = array<i32>} : memref<3x32x128xf32, #tpu.memory_space<vmem>>, vector<1x1x16xf32>,
        %parallel_loop3A_232 = arith.constant 8 : i32
        %parallel_loop3A_233 = arith.muli %add3A_98, %parallel_loop3A_232 : i32
        %parallel_loop3A_234 = arith.addi %parallel_loop3A_233, %parallel_loop3A_119 : i32
        %parallel_loop3A_235 = arith.constant 1 : i32
        %parallel_loop3A_236 = arith.index_cast %parallel_loop3A_235 : i32 to index
        %parallel_loop3A_237 = arith.index_cast %parallel_loop3A_234 : i32 to index
        %parallel_loop3A_238 = arith.constant 48 : index
        %parallel_loop3A_239 = tpu.vector_load %arg8[%parallel_loop3A_236, %parallel_loop3A_237, %parallel_loop3A_238] {strides = array<i32>} : memref<3x32x128xf32, #tpu.memory_space<vmem>>, vector<1x1x16xf32>,
        %parallel_loop3A_240 = vector.shape_cast %parallel_loop3A_239 : vector<1x1x16xf32> to vector<16xf32>
        %parallel_loop3A_241 = vector.shape_cast %parallel_loop3A_130#10 : vector<16xf32> to vector<1x1x16xf32>
        tpu.vector_store %arg8[%parallel_loop3A_236, %parallel_loop3A_237, %parallel_loop3A_238], %parallel_loop3A_241 {strides = array<i32>} : memref<3x32x128xf32, #tpu.memory_space<vmem>>, vector<1x1x16xf32>,
        %parallel_loop3A_242 = arith.constant 8 : i32
        %parallel_loop3A_243 = arith.muli %add3A_98, %parallel_loop3A_242 : i32
        %parallel_loop3A_244 = arith.addi %parallel_loop3A_243, %parallel_loop3A_119 : i32
        %parallel_loop3A_245 = arith.constant 2 : i32
        %parallel_loop3A_246 = arith.index_cast %parallel_loop3A_245 : i32 to index
        %parallel_loop3A_247 = arith.index_cast %parallel_loop3A_244 : i32 to index
        %parallel_loop3A_248 = arith.constant 48 : index
        %parallel_loop3A_249 = tpu.vector_load %arg8[%parallel_loop3A_246, %parallel_loop3A_247, %parallel_loop3A_248] {strides = array<i32>} : memref<3x32x128xf32, #tpu.memory_space<vmem>>, vector<1x1x16xf32>,
        %parallel_loop3A_250 = vector.shape_cast %parallel_loop3A_249 : vector<1x1x16xf32> to vector<16xf32>
        %parallel_loop3A_251 = vector.shape_cast %parallel_loop3A_130#11 : vector<16xf32> to vector<1x1x16xf32>
        tpu.vector_store %arg8[%parallel_loop3A_246, %parallel_loop3A_247, %parallel_loop3A_248], %parallel_loop3A_251 {strides = array<i32>} : memref<3x32x128xf32, #tpu.memory_space<vmem>>, vector<1x1x16xf32>,
        %parallel_loop3A_252 = arith.constant 8 : i32
        %parallel_loop3A_253 = arith.muli %parallel_loop3A_119, %parallel_loop3A_252 : i32
        %parallel_loop3A_254 = arith.constant 4 : i32
        %parallel_loop3A_255 = arith.addi %parallel_loop3A_253, %parallel_loop3A_254 : i32
        %parallel_loop3A_256 = arith.constant 0 : i32
        %parallel_loop3A_257 = arith.constant 24 : i32
        %parallel_loop3A_258 = arith.addi %parallel_loop3A_256, %parallel_loop3A_257 : i32
        %parallel_loop3A_259 = arith.constant 1 : i32
        %parallel_loop3A_260:12 = scf.for %scan3A_382 = %parallel_loop3A_256 to %parallel_loop3A_258 step %parallel_loop3A_259 iter_args(%scan3A_383 = %parallel_loop3A_121, %scan3A_384 = %parallel_loop3A_121, %scan3A_385 = %parallel_loop3A_121, %scan3A_386 = %parallel_loop3A_121, %scan3A_387 = %parallel_loop3A_121, %scan3A_388 = %parallel_loop3A_121, %scan3A_389 = %parallel_loop3A_121, %scan3A_390 = %parallel_loop3A_121, %scan3A_391 = %parallel_loop3A_121, %scan3A_392 = %parallel_loop3A_121, %scan3A_393 = %parallel_loop3A_121, %scan3A_394 = %parallel_loop3A_121) -> (vector<16xf32>, vector<16xf32>, vector<16xf32>, vector<16xf32>, vector<16xf32>, vector<16xf32>, vector<16xf32>, vector<16xf32>, vector<16xf32>, vector<16xf32>, vector<16xf32>, vector<16xf32>)  : i32 {
          %parallel_loop3A_395 = arith.constant 2 : i32
          %parallel_loop3A_396 = arith.muli %scan3A_382, %parallel_loop3A_395 : i32
          %parallel_loop3A_397 = arith.constant 0 : i32
          %parallel_loop3A_398 = arith.addi %parallel_loop3A_396, %parallel_loop3A_397 : i32
          %parallel_loop3A_399 = arith.constant 16 : i32
          %parallel_loop3A_400 = arith.muli %parallel_loop3A_398, %parallel_loop3A_399 : i32
          %parallel_loop3A_401 = arith.constant 0 : i32
          %parallel_loop3A_402 = arith.index_cast %parallel_loop3A_401 : i32 to index
          %parallel_loop3A_403 = arith.index_cast %parallel_loop3A_400 : i32 to index
          %parallel_loop3A_404 = tpu.vector_load %arg9[%parallel_loop3A_402, %parallel_loop3A_403] {strides = array<i32>} : memref<3x768xf32, #tpu.memory_space<vmem>>, vector<1x16xf32>,
          %parallel_loop3A_405 = vector.shape_cast %parallel_loop3A_404 : vector<1x16xf32> to vector<16xf32>
          %parallel_loop3A_406 = arith.constant 1 : i32
          %parallel_loop3A_407 = arith.index_cast %parallel_loop3A_406 : i32 to index
          %parallel_loop3A_408 = arith.index_cast %parallel_loop3A_400 : i32 to index
          %parallel_loop3A_409 = tpu.vector_load %arg9[%parallel_loop3A_407, %parallel_loop3A_408] {strides = array<i32>} : memref<3x768xf32, #tpu.memory_space<vmem>>, vector<1x16xf32>,
          %parallel_loop3A_410 = vector.shape_cast %parallel_loop3A_409 : vector<1x16xf32> to vector<16xf32>
          %parallel_loop3A_411 = arith.constant 2 : i32
          %parallel_loop3A_412 = arith.index_cast %parallel_loop3A_411 : i32 to index
          %parallel_loop3A_413 = arith.index_cast %parallel_loop3A_400 : i32 to index
          %parallel_loop3A_414 = tpu.vector_load %arg9[%parallel_loop3A_412, %parallel_loop3A_413] {strides = array<i32>} : memref<3x768xf32, #tpu.memory_space<vmem>>, vector<1x16xf32>,
          %parallel_loop3A_415 = vector.shape_cast %parallel_loop3A_414 : vector<1x16xf32> to vector<16xf32>
          %parallel_loop3A_416 = arith.constant 0 : i32
          %parallel_loop3A_417 = arith.addi %parallel_loop3A_255, %parallel_loop3A_416 : i32
          %parallel_loop3A_418 = arith.constant 1 : i32
          %parallel_loop3A_419 = arith.index_cast %parallel_loop3A_418 : i32 to index
          %parallel_loop3A_420 = arith.index_cast %parallel_loop3A_417 : i32 to index
          %parallel_loop3A_421 = arith.index_cast %parallel_loop3A_400 : i32 to index
          %parallel_loop3A_422 = tpu.vector_load %arg7[%parallel_loop3A_419, %parallel_loop3A_420, %parallel_loop3A_421] {strides = array<i32>} : memref<2x64x768xf32, #tpu.memory_space<vmem>>, vector<1x1x16xf32>,
          %parallel_loop3A_423 = vector.shape_cast %parallel_loop3A_422 : vector<1x1x16xf32> to vector<16xf32>
          %parallel_loop3A_424 = arith.mulf %parallel_loop3A_423, %parallel_loop3A_405 : vector<16xf32>
          %parallel_loop3A_425 = arith.addf %scan3A_383, %parallel_loop3A_424 : vector<16xf32>
          %parallel_loop3A_426 = arith.mulf %parallel_loop3A_423, %parallel_loop3A_410 : vector<16xf32>
          %parallel_loop3A_427 = arith.addf %scan3A_384, %parallel_loop3A_426 : vector<16xf32>
          %parallel_loop3A_428 = arith.mulf %parallel_loop3A_423, %parallel_loop3A_415 : vector<16xf32>
          %parallel_loop3A_429 = arith.addf %scan3A_385, %parallel_loop3A_428 : vector<16xf32>
          %parallel_loop3A_430 = arith.constant 1 : i32
          %parallel_loop3A_431 = arith.addi %parallel_loop3A_255, %parallel_loop3A_430 : i32
          %parallel_loop3A_432 = arith.constant 1 : i32
          %parallel_loop3A_433 = arith.index_cast %parallel_loop3A_432 : i32 to index
          %parallel_loop3A_434 = arith.index_cast %parallel_loop3A_431 : i32 to index
          %parallel_loop3A_435 = arith.index_cast %parallel_loop3A_400 : i32 to index
          %parallel_loop3A_436 = tpu.vector_load %arg7[%parallel_loop3A_433, %parallel_loop3A_434, %parallel_loop3A_435] {strides = array<i32>} : memref<2x64x768xf32, #tpu.memory_space<vmem>>, vector<1x1x16xf32>,
          %parallel_loop3A_437 = vector.shape_cast %parallel_loop3A_436 : vector<1x1x16xf32> to vector<16xf32>
          %parallel_loop3A_438 = arith.mulf %parallel_loop3A_437, %parallel_loop3A_405 : vector<16xf32>
          %parallel_loop3A_439 = arith.addf %scan3A_386, %parallel_loop3A_438 : vector<16xf32>
          %parallel_loop3A_440 = arith.mulf %parallel_loop3A_437, %parallel_loop3A_410 : vector<16xf32>
          %parallel_loop3A_441 = arith.addf %scan3A_387, %parallel_loop3A_440 : vector<16xf32>
          %parallel_loop3A_442 = arith.mulf %parallel_loop3A_437, %parallel_loop3A_415 : vector<16xf32>
          %parallel_loop3A_443 = arith.addf %scan3A_388, %parallel_loop3A_442 : vector<16xf32>
          %parallel_loop3A_444 = arith.constant 2 : i32
          %parallel_loop3A_445 = arith.addi %parallel_loop3A_255, %parallel_loop3A_444 : i32
          %parallel_loop3A_446 = arith.constant 1 : i32
          %parallel_loop3A_447 = arith.index_cast %parallel_loop3A_446 : i32 to index
          %parallel_loop3A_448 = arith.index_cast %parallel_loop3A_445 : i32 to index
          %parallel_loop3A_449 = arith.index_cast %parallel_loop3A_400 : i32 to index
          %parallel_loop3A_450 = tpu.vector_load %arg7[%parallel_loop3A_447, %parallel_loop3A_448, %parallel_loop3A_449] {strides = array<i32>} : memref<2x64x768xf32, #tpu.memory_space<vmem>>, vector<1x1x16xf32>,
          %parallel_loop3A_451 = vector.shape_cast %parallel_loop3A_450 : vector<1x1x16xf32> to vector<16xf32>
          %parallel_loop3A_452 = arith.mulf %parallel_loop3A_451, %parallel_loop3A_405 : vector<16xf32>
          %parallel_loop3A_453 = arith.addf %scan3A_389, %parallel_loop3A_452 : vector<16xf32>
          %parallel_loop3A_454 = arith.mulf %parallel_loop3A_451, %parallel_loop3A_410 : vector<16xf32>
          %parallel_loop3A_455 = arith.addf %scan3A_390, %parallel_loop3A_454 : vector<16xf32>
          %parallel_loop3A_456 = arith.mulf %parallel_loop3A_451, %parallel_loop3A_415 : vector<16xf32>
          %parallel_loop3A_457 = arith.addf %scan3A_391, %parallel_loop3A_456 : vector<16xf32>
          %parallel_loop3A_458 = arith.constant 3 : i32
          %parallel_loop3A_459 = arith.addi %parallel_loop3A_255, %parallel_loop3A_458 : i32
          %parallel_loop3A_460 = arith.constant 1 : i32
          %parallel_loop3A_461 = arith.index_cast %parallel_loop3A_460 : i32 to index
          %parallel_loop3A_462 = arith.index_cast %parallel_loop3A_459 : i32 to index
          %parallel_loop3A_463 = arith.index_cast %parallel_loop3A_400 : i32 to index
          %parallel_loop3A_464 = tpu.vector_load %arg7[%parallel_loop3A_461, %parallel_loop3A_462, %parallel_loop3A_463] {strides = array<i32>} : memref<2x64x768xf32, #tpu.memory_space<vmem>>, vector<1x1x16xf32>,
          %parallel_loop3A_465 = vector.shape_cast %parallel_loop3A_464 : vector<1x1x16xf32> to vector<16xf32>
          %parallel_loop3A_466 = arith.mulf %parallel_loop3A_465, %parallel_loop3A_405 : vector<16xf32>
          %parallel_loop3A_467 = arith.addf %scan3A_392, %parallel_loop3A_466 : vector<16xf32>
          %parallel_loop3A_468 = arith.mulf %parallel_loop3A_465, %parallel_loop3A_410 : vector<16xf32>
          %parallel_loop3A_469 = arith.addf %scan3A_393, %parallel_loop3A_468 : vector<16xf32>
          %parallel_loop3A_470 = arith.mulf %parallel_loop3A_465, %parallel_loop3A_415 : vector<16xf32>
          %parallel_loop3A_471 = arith.addf %scan3A_394, %parallel_loop3A_470 : vector<16xf32>
          %parallel_loop3A_472 = arith.constant 2 : i32
          %parallel_loop3A_473 = arith.muli %scan3A_382, %parallel_loop3A_472 : i32
          %parallel_loop3A_474 = arith.constant 1 : i32
          %parallel_loop3A_475 = arith.addi %parallel_loop3A_473, %parallel_loop3A_474 : i32
          %parallel_loop3A_476 = arith.constant 16 : i32
          %parallel_loop3A_477 = arith.muli %parallel_loop3A_475, %parallel_loop3A_476 : i32
          %parallel_loop3A_478 = arith.constant 0 : i32
          %parallel_loop3A_479 = arith.index_cast %parallel_loop3A_478 : i32 to index
          %parallel_loop3A_480 = arith.index_cast %parallel_loop3A_477 : i32 to index
          %parallel_loop3A_481 = tpu.vector_load %arg9[%parallel_loop3A_479, %parallel_loop3A_480] {strides = array<i32>} : memref<3x768xf32, #tpu.memory_space<vmem>>, vector<1x16xf32>,
          %parallel_loop3A_482 = vector.shape_cast %parallel_loop3A_481 : vector<1x16xf32> to vector<16xf32>
          %parallel_loop3A_483 = arith.constant 1 : i32
          %parallel_loop3A_484 = arith.index_cast %parallel_loop3A_483 : i32 to index
          %parallel_loop3A_485 = arith.index_cast %parallel_loop3A_477 : i32 to index
          %parallel_loop3A_486 = tpu.vector_load %arg9[%parallel_loop3A_484, %parallel_loop3A_485] {strides = array<i32>} : memref<3x768xf32, #tpu.memory_space<vmem>>, vector<1x16xf32>,
          %parallel_loop3A_487 = vector.shape_cast %parallel_loop3A_486 : vector<1x16xf32> to vector<16xf32>
          %parallel_loop3A_488 = arith.constant 2 : i32
          %parallel_loop3A_489 = arith.index_cast %parallel_loop3A_488 : i32 to index
          %parallel_loop3A_490 = arith.index_cast %parallel_loop3A_477 : i32 to index
          %parallel_loop3A_491 = tpu.vector_load %arg9[%parallel_loop3A_489, %parallel_loop3A_490] {strides = array<i32>} : memref<3x768xf32, #tpu.memory_space<vmem>>, vector<1x16xf32>,
          %parallel_loop3A_492 = vector.shape_cast %parallel_loop3A_491 : vector<1x16xf32> to vector<16xf32>
          %parallel_loop3A_493 = arith.constant 0 : i32
          %parallel_loop3A_494 = arith.addi %parallel_loop3A_255, %parallel_loop3A_493 : i32
          %parallel_loop3A_495 = arith.constant 1 : i32
          %parallel_loop3A_496 = arith.index_cast %parallel_loop3A_495 : i32 to index
          %parallel_loop3A_497 = arith.index_cast %parallel_loop3A_494 : i32 to index
          %parallel_loop3A_498 = arith.index_cast %parallel_loop3A_477 : i32 to index
          %parallel_loop3A_499 = tpu.vector_load %arg7[%parallel_loop3A_496, %parallel_loop3A_497, %parallel_loop3A_498] {strides = array<i32>} : memref<2x64x768xf32, #tpu.memory_space<vmem>>, vector<1x1x16xf32>,
          %parallel_loop3A_500 = vector.shape_cast %parallel_loop3A_499 : vector<1x1x16xf32> to vector<16xf32>
          %parallel_loop3A_501 = arith.mulf %parallel_loop3A_500, %parallel_loop3A_482 : vector<16xf32>
          %parallel_loop3A_502 = arith.addf %parallel_loop3A_425, %parallel_loop3A_501 : vector<16xf32>
          %parallel_loop3A_503 = arith.mulf %parallel_loop3A_500, %parallel_loop3A_487 : vector<16xf32>
          %parallel_loop3A_504 = arith.addf %parallel_loop3A_427, %parallel_loop3A_503 : vector<16xf32>
          %parallel_loop3A_505 = arith.mulf %parallel_loop3A_500, %parallel_loop3A_492 : vector<16xf32>
          %parallel_loop3A_506 = arith.addf %parallel_loop3A_429, %parallel_loop3A_505 : vector<16xf32>
          %parallel_loop3A_507 = arith.constant 1 : i32
          %parallel_loop3A_508 = arith.addi %parallel_loop3A_255, %parallel_loop3A_507 : i32
          %parallel_loop3A_509 = arith.constant 1 : i32
          %parallel_loop3A_510 = arith.index_cast %parallel_loop3A_509 : i32 to index
          %parallel_loop3A_511 = arith.index_cast %parallel_loop3A_508 : i32 to index
          %parallel_loop3A_512 = arith.index_cast %parallel_loop3A_477 : i32 to index
          %parallel_loop3A_513 = tpu.vector_load %arg7[%parallel_loop3A_510, %parallel_loop3A_511, %parallel_loop3A_512] {strides = array<i32>} : memref<2x64x768xf32, #tpu.memory_space<vmem>>, vector<1x1x16xf32>,
          %parallel_loop3A_514 = vector.shape_cast %parallel_loop3A_513 : vector<1x1x16xf32> to vector<16xf32>
          %parallel_loop3A_515 = arith.mulf %parallel_loop3A_514, %parallel_loop3A_482 : vector<16xf32>
          %parallel_loop3A_516 = arith.addf %parallel_loop3A_439, %parallel_loop3A_515 : vector<16xf32>
          %parallel_loop3A_517 = arith.mulf %parallel_loop3A_514, %parallel_loop3A_487 : vector<16xf32>
          %parallel_loop3A_518 = arith.addf %parallel_loop3A_441, %parallel_loop3A_517 : vector<16xf32>
          %parallel_loop3A_519 = arith.mulf %parallel_loop3A_514, %parallel_loop3A_492 : vector<16xf32>
          %parallel_loop3A_520 = arith.addf %parallel_loop3A_443, %parallel_loop3A_519 : vector<16xf32>
          %parallel_loop3A_521 = arith.constant 2 : i32
          %parallel_loop3A_522 = arith.addi %parallel_loop3A_255, %parallel_loop3A_521 : i32
          %parallel_loop3A_523 = arith.constant 1 : i32
          %parallel_loop3A_524 = arith.index_cast %parallel_loop3A_523 : i32 to index
          %parallel_loop3A_525 = arith.index_cast %parallel_loop3A_522 : i32 to index
          %parallel_loop3A_526 = arith.index_cast %parallel_loop3A_477 : i32 to index
          %parallel_loop3A_527 = tpu.vector_load %arg7[%parallel_loop3A_524, %parallel_loop3A_525, %parallel_loop3A_526] {strides = array<i32>} : memref<2x64x768xf32, #tpu.memory_space<vmem>>, vector<1x1x16xf32>,
          %parallel_loop3A_528 = vector.shape_cast %parallel_loop3A_527 : vector<1x1x16xf32> to vector<16xf32>
          %parallel_loop3A_529 = arith.mulf %parallel_loop3A_528, %parallel_loop3A_482 : vector<16xf32>
          %parallel_loop3A_530 = arith.addf %parallel_loop3A_453, %parallel_loop3A_529 : vector<16xf32>
          %parallel_loop3A_531 = arith.mulf %parallel_loop3A_528, %parallel_loop3A_487 : vector<16xf32>
          %parallel_loop3A_532 = arith.addf %parallel_loop3A_455, %parallel_loop3A_531 : vector<16xf32>
          %parallel_loop3A_533 = arith.mulf %parallel_loop3A_528, %parallel_loop3A_492 : vector<16xf32>
          %parallel_loop3A_534 = arith.addf %parallel_loop3A_457, %parallel_loop3A_533 : vector<16xf32>
          %parallel_loop3A_535 = arith.constant 3 : i32
          %parallel_loop3A_536 = arith.addi %parallel_loop3A_255, %parallel_loop3A_535 : i32
          %parallel_loop3A_537 = arith.constant 1 : i32
          %parallel_loop3A_538 = arith.index_cast %parallel_loop3A_537 : i32 to index
          %parallel_loop3A_539 = arith.index_cast %parallel_loop3A_536 : i32 to index
          %parallel_loop3A_540 = arith.index_cast %parallel_loop3A_477 : i32 to index
          %parallel_loop3A_541 = tpu.vector_load %arg7[%parallel_loop3A_538, %parallel_loop3A_539, %parallel_loop3A_540] {strides = array<i32>} : memref<2x64x768xf32, #tpu.memory_space<vmem>>, vector<1x1x16xf32>,
          %parallel_loop3A_542 = vector.shape_cast %parallel_loop3A_541 : vector<1x1x16xf32> to vector<16xf32>
          %parallel_loop3A_543 = arith.mulf %parallel_loop3A_542, %parallel_loop3A_482 : vector<16xf32>
          %parallel_loop3A_544 = arith.addf %parallel_loop3A_467, %parallel_loop3A_543 : vector<16xf32>
          %parallel_loop3A_545 = arith.mulf %parallel_loop3A_542, %parallel_loop3A_487 : vector<16xf32>
          %parallel_loop3A_546 = arith.addf %parallel_loop3A_469, %parallel_loop3A_545 : vector<16xf32>
          %parallel_loop3A_547 = arith.mulf %parallel_loop3A_542, %parallel_loop3A_492 : vector<16xf32>
          %parallel_loop3A_548 = arith.addf %parallel_loop3A_471, %parallel_loop3A_547 : vector<16xf32>
          scf.yield %parallel_loop3A_502, %parallel_loop3A_504, %parallel_loop3A_506, %parallel_loop3A_516, %parallel_loop3A_518, %parallel_loop3A_520, %parallel_loop3A_530, %parallel_loop3A_532, %parallel_loop3A_534, %parallel_loop3A_544, %parallel_loop3A_546, %parallel_loop3A_548 : vector<16xf32>, vector<16xf32>, vector<16xf32>, vector<16xf32>, vector<16xf32>, vector<16xf32>, vector<16xf32>, vector<16xf32>, vector<16xf32>, vector<16xf32>, vector<16xf32>, vector<16xf32>
        }
        %parallel_loop3A_261 = arith.constant 24 : i32
        %parallel_loop3A_262 = arith.constant 8 : i32
        %parallel_loop3A_263 = arith.muli %add3A_98, %parallel_loop3A_262 : i32
        %parallel_loop3A_264 = arith.addi %parallel_loop3A_263, %parallel_loop3A_119 : i32
        %parallel_loop3A_265 = arith.constant 0 : i32
        %parallel_loop3A_266 = arith.index_cast %parallel_loop3A_265 : i32 to index
        %parallel_loop3A_267 = arith.index_cast %parallel_loop3A_264 : i32 to index
        %parallel_loop3A_268 = arith.constant 64 : index
        %parallel_loop3A_269 = tpu.vector_load %arg8[%parallel_loop3A_266, %parallel_loop3A_267, %parallel_loop3A_268] {strides = array<i32>} : memref<3x32x128xf32, #tpu.memory_space<vmem>>, vector<1x1x16xf32>,
        %parallel_loop3A_270 = vector.shape_cast %parallel_loop3A_269 : vector<1x1x16xf32> to vector<16xf32>
        %parallel_loop3A_271 = vector.shape_cast %parallel_loop3A_260#0 : vector<16xf32> to vector<1x1x16xf32>
        tpu.vector_store %arg8[%parallel_loop3A_266, %parallel_loop3A_267, %parallel_loop3A_268], %parallel_loop3A_271 {strides = array<i32>} : memref<3x32x128xf32, #tpu.memory_space<vmem>>, vector<1x1x16xf32>,
        %parallel_loop3A_272 = arith.constant 8 : i32
        %parallel_loop3A_273 = arith.muli %add3A_98, %parallel_loop3A_272 : i32
        %parallel_loop3A_274 = arith.addi %parallel_loop3A_273, %parallel_loop3A_119 : i32
        %parallel_loop3A_275 = arith.constant 1 : i32
        %parallel_loop3A_276 = arith.index_cast %parallel_loop3A_275 : i32 to index
        %parallel_loop3A_277 = arith.index_cast %parallel_loop3A_274 : i32 to index
        %parallel_loop3A_278 = arith.constant 64 : index
        %parallel_loop3A_279 = tpu.vector_load %arg8[%parallel_loop3A_276, %parallel_loop3A_277, %parallel_loop3A_278] {strides = array<i32>} : memref<3x32x128xf32, #tpu.memory_space<vmem>>, vector<1x1x16xf32>,
        %parallel_loop3A_280 = vector.shape_cast %parallel_loop3A_279 : vector<1x1x16xf32> to vector<16xf32>
        %parallel_loop3A_281 = vector.shape_cast %parallel_loop3A_260#1 : vector<16xf32> to vector<1x1x16xf32>
        tpu.vector_store %arg8[%parallel_loop3A_276, %parallel_loop3A_277, %parallel_loop3A_278], %parallel_loop3A_281 {strides = array<i32>} : memref<3x32x128xf32, #tpu.memory_space<vmem>>, vector<1x1x16xf32>,
        %parallel_loop3A_282 = arith.constant 8 : i32
        %parallel_loop3A_283 = arith.muli %add3A_98, %parallel_loop3A_282 : i32
        %parallel_loop3A_284 = arith.addi %parallel_loop3A_283, %parallel_loop3A_119 : i32
        %parallel_loop3A_285 = arith.constant 2 : i32
        %parallel_loop3A_286 = arith.index_cast %parallel_loop3A_285 : i32 to index
        %parallel_loop3A_287 = arith.index_cast %parallel_loop3A_284 : i32 to index
        %parallel_loop3A_288 = arith.constant 64 : index
        %parallel_loop3A_289 = tpu.vector_load %arg8[%parallel_loop3A_286, %parallel_loop3A_287, %parallel_loop3A_288] {strides = array<i32>} : memref<3x32x128xf32, #tpu.memory_space<vmem>>, vector<1x1x16xf32>,
        %parallel_loop3A_290 = vector.shape_cast %parallel_loop3A_289 : vector<1x1x16xf32> to vector<16xf32>
        %parallel_loop3A_291 = vector.shape_cast %parallel_loop3A_260#2 : vector<16xf32> to vector<1x1x16xf32>
        tpu.vector_store %arg8[%parallel_loop3A_286, %parallel_loop3A_287, %parallel_loop3A_288], %parallel_loop3A_291 {strides = array<i32>} : memref<3x32x128xf32, #tpu.memory_space<vmem>>, vector<1x1x16xf32>,
        %parallel_loop3A_292 = arith.constant 8 : i32
        %parallel_loop3A_293 = arith.muli %add3A_98, %parallel_loop3A_292 : i32
        %parallel_loop3A_294 = arith.addi %parallel_loop3A_293, %parallel_loop3A_119 : i32
        %parallel_loop3A_295 = arith.constant 0 : i32
        %parallel_loop3A_296 = arith.index_cast %parallel_loop3A_295 : i32 to index
        %parallel_loop3A_297 = arith.index_cast %parallel_loop3A_294 : i32 to index
        %parallel_loop3A_298 = arith.constant 80 : index
        %parallel_loop3A_299 = tpu.vector_load %arg8[%parallel_loop3A_296, %parallel_loop3A_297, %parallel_loop3A_298] {strides = array<i32>} : memref<3x32x128xf32, #tpu.memory_space<vmem>>, vector<1x1x16xf32>,
        %parallel_loop3A_300 = vector.shape_cast %parallel_loop3A_299 : vector<1x1x16xf32> to vector<16xf32>
        %parallel_loop3A_301 = vector.shape_cast %parallel_loop3A_260#3 : vector<16xf32> to vector<1x1x16xf32>
        tpu.vector_store %arg8[%parallel_loop3A_296, %parallel_loop3A_297, %parallel_loop3A_298], %parallel_loop3A_301 {strides = array<i32>} : memref<3x32x128xf32, #tpu.memory_space<vmem>>, vector<1x1x16xf32>,
        %parallel_loop3A_302 = arith.constant 8 : i32
        %parallel_loop3A_303 = arith.muli %add3A_98, %parallel_loop3A_302 : i32
        %parallel_loop3A_304 = arith.addi %parallel_loop3A_303, %parallel_loop3A_119 : i32
        %parallel_loop3A_305 = arith.constant 1 : i32
        %parallel_loop3A_306 = arith.index_cast %parallel_loop3A_305 : i32 to index
        %parallel_loop3A_307 = arith.index_cast %parallel_loop3A_304 : i32 to index
        %parallel_loop3A_308 = arith.constant 80 : index
        %parallel_loop3A_309 = tpu.vector_load %arg8[%parallel_loop3A_306, %parallel_loop3A_307, %parallel_loop3A_308] {strides = array<i32>} : memref<3x32x128xf32, #tpu.memory_space<vmem>>, vector<1x1x16xf32>,
        %parallel_loop3A_310 = vector.shape_cast %parallel_loop3A_309 : vector<1x1x16xf32> to vector<16xf32>
        %parallel_loop3A_311 = vector.shape_cast %parallel_loop3A_260#4 : vector<16xf32> to vector<1x1x16xf32>
        tpu.vector_store %arg8[%parallel_loop3A_306, %parallel_loop3A_307, %parallel_loop3A_308], %parallel_loop3A_311 {strides = array<i32>} : memref<3x32x128xf32, #tpu.memory_space<vmem>>, vector<1x1x16xf32>,
        %parallel_loop3A_312 = arith.constant 8 : i32
        %parallel_loop3A_313 = arith.muli %add3A_98, %parallel_loop3A_312 : i32
        %parallel_loop3A_314 = arith.addi %parallel_loop3A_313, %parallel_loop3A_119 : i32
        %parallel_loop3A_315 = arith.constant 2 : i32
        %parallel_loop3A_316 = arith.index_cast %parallel_loop3A_315 : i32 to index
        %parallel_loop3A_317 = arith.index_cast %parallel_loop3A_314 : i32 to index
        %parallel_loop3A_318 = arith.constant 80 : index
        %parallel_loop3A_319 = tpu.vector_load %arg8[%parallel_loop3A_316, %parallel_loop3A_317, %parallel_loop3A_318] {strides = array<i32>} : memref<3x32x128xf32, #tpu.memory_space<vmem>>, vector<1x1x16xf32>,
        %parallel_loop3A_320 = vector.shape_cast %parallel_loop3A_319 : vector<1x1x16xf32> to vector<16xf32>
        %parallel_loop3A_321 = vector.shape_cast %parallel_loop3A_260#5 : vector<16xf32> to vector<1x1x16xf32>
        tpu.vector_store %arg8[%parallel_loop3A_316, %parallel_loop3A_317, %parallel_loop3A_318], %parallel_loop3A_321 {strides = array<i32>} : memref<3x32x128xf32, #tpu.memory_space<vmem>>, vector<1x1x16xf32>,
        %parallel_loop3A_322 = arith.constant 8 : i32
        %parallel_loop3A_323 = arith.muli %add3A_98, %parallel_loop3A_322 : i32
        %parallel_loop3A_324 = arith.addi %parallel_loop3A_323, %parallel_loop3A_119 : i32
        %parallel_loop3A_325 = arith.constant 0 : i32
        %parallel_loop3A_326 = arith.index_cast %parallel_loop3A_325 : i32 to index
        %parallel_loop3A_327 = arith.index_cast %parallel_loop3A_324 : i32 to index
        %parallel_loop3A_328 = arith.constant 96 : index
        %parallel_loop3A_329 = tpu.vector_load %arg8[%parallel_loop3A_326, %parallel_loop3A_327, %parallel_loop3A_328] {strides = array<i32>} : memref<3x32x128xf32, #tpu.memory_space<vmem>>, vector<1x1x16xf32>,
        %parallel_loop3A_330 = vector.shape_cast %parallel_loop3A_329 : vector<1x1x16xf32> to vector<16xf32>
        %parallel_loop3A_331 = vector.shape_cast %parallel_loop3A_260#6 : vector<16xf32> to vector<1x1x16xf32>
        tpu.vector_store %arg8[%parallel_loop3A_326, %parallel_loop3A_327, %parallel_loop3A_328], %parallel_loop3A_331 {strides = array<i32>} : memref<3x32x128xf32, #tpu.memory_space<vmem>>, vector<1x1x16xf32>,
        %parallel_loop3A_332 = arith.constant 8 : i32
        %parallel_loop3A_333 = arith.muli %add3A_98, %parallel_loop3A_332 : i32
        %parallel_loop3A_334 = arith.addi %parallel_loop3A_333, %parallel_loop3A_119 : i32
        %parallel_loop3A_335 = arith.constant 1 : i32
        %parallel_loop3A_336 = arith.index_cast %parallel_loop3A_335 : i32 to index
        %parallel_loop3A_337 = arith.index_cast %parallel_loop3A_334 : i32 to index
        %parallel_loop3A_338 = arith.constant 96 : index
        %parallel_loop3A_339 = tpu.vector_load %arg8[%parallel_loop3A_336, %parallel_loop3A_337, %parallel_loop3A_338] {strides = array<i32>} : memref<3x32x128xf32, #tpu.memory_space<vmem>>, vector<1x1x16xf32>,
        %parallel_loop3A_340 = vector.shape_cast %parallel_loop3A_339 : vector<1x1x16xf32> to vector<16xf32>
        %parallel_loop3A_341 = vector.shape_cast %parallel_loop3A_260#7 : vector<16xf32> to vector<1x1x16xf32>
        tpu.vector_store %arg8[%parallel_loop3A_336, %parallel_loop3A_337, %parallel_loop3A_338], %parallel_loop3A_341 {strides = array<i32>} : memref<3x32x128xf32, #tpu.memory_space<vmem>>, vector<1x1x16xf32>,
        %parallel_loop3A_342 = arith.constant 8 : i32
        %parallel_loop3A_343 = arith.muli %add3A_98, %parallel_loop3A_342 : i32
        %parallel_loop3A_344 = arith.addi %parallel_loop3A_343, %parallel_loop3A_119 : i32
        %parallel_loop3A_345 = arith.constant 2 : i32
        %parallel_loop3A_346 = arith.index_cast %parallel_loop3A_345 : i32 to index
        %parallel_loop3A_347 = arith.index_cast %parallel_loop3A_344 : i32 to index
        %parallel_loop3A_348 = arith.constant 96 : index
        %parallel_loop3A_349 = tpu.vector_load %arg8[%parallel_loop3A_346, %parallel_loop3A_347, %parallel_loop3A_348] {strides = array<i32>} : memref<3x32x128xf32, #tpu.memory_space<vmem>>, vector<1x1x16xf32>,
        %parallel_loop3A_350 = vector.shape_cast %parallel_loop3A_349 : vector<1x1x16xf32> to vector<16xf32>
        %parallel_loop3A_351 = vector.shape_cast %parallel_loop3A_260#8 : vector<16xf32> to vector<1x1x16xf32>
        tpu.vector_store %arg8[%parallel_loop3A_346, %parallel_loop3A_347, %parallel_loop3A_348], %parallel_loop3A_351 {strides = array<i32>} : memref<3x32x128xf32, #tpu.memory_space<vmem>>, vector<1x1x16xf32>,
        %parallel_loop3A_352 = arith.constant 8 : i32
        %parallel_loop3A_353 = arith.muli %add3A_98, %parallel_loop3A_352 : i32
        %parallel_loop3A_354 = arith.addi %parallel_loop3A_353, %parallel_loop3A_119 : i32
        %parallel_loop3A_355 = arith.constant 0 : i32
        %parallel_loop3A_356 = arith.index_cast %parallel_loop3A_355 : i32 to index
        %parallel_loop3A_357 = arith.index_cast %parallel_loop3A_354 : i32 to index
        %parallel_loop3A_358 = arith.constant 112 : index
        %parallel_loop3A_359 = tpu.vector_load %arg8[%parallel_loop3A_356, %parallel_loop3A_357, %parallel_loop3A_358] {strides = array<i32>} : memref<3x32x128xf32, #tpu.memory_space<vmem>>, vector<1x1x16xf32>,
        %parallel_loop3A_360 = vector.shape_cast %parallel_loop3A_359 : vector<1x1x16xf32> to vector<16xf32>
        %parallel_loop3A_361 = vector.shape_cast %parallel_loop3A_260#9 : vector<16xf32> to vector<1x1x16xf32>
        tpu.vector_store %arg8[%parallel_loop3A_356, %parallel_loop3A_357, %parallel_loop3A_358], %parallel_loop3A_361 {strides = array<i32>} : memref<3x32x128xf32, #tpu.memory_space<vmem>>, vector<1x1x16xf32>,
        %parallel_loop3A_362 = arith.constant 8 : i32
        %parallel_loop3A_363 = arith.muli %add3A_98, %parallel_loop3A_362 : i32
        %parallel_loop3A_364 = arith.addi %parallel_loop3A_363, %parallel_loop3A_119 : i32
        %parallel_loop3A_365 = arith.constant 1 : i32
        %parallel_loop3A_366 = arith.index_cast %parallel_loop3A_365 : i32 to index
        %parallel_loop3A_367 = arith.index_cast %parallel_loop3A_364 : i32 to index
        %parallel_loop3A_368 = arith.constant 112 : index
        %parallel_loop3A_369 = tpu.vector_load %arg8[%parallel_loop3A_366, %parallel_loop3A_367, %parallel_loop3A_368] {strides = array<i32>} : memref<3x32x128xf32, #tpu.memory_space<vmem>>, vector<1x1x16xf32>,
        %parallel_loop3A_370 = vector.shape_cast %parallel_loop3A_369 : vector<1x1x16xf32> to vector<16xf32>
        %parallel_loop3A_371 = vector.shape_cast %parallel_loop3A_260#10 : vector<16xf32> to vector<1x1x16xf32>
        tpu.vector_store %arg8[%parallel_loop3A_366, %parallel_loop3A_367, %parallel_loop3A_368], %parallel_loop3A_371 {strides = array<i32>} : memref<3x32x128xf32, #tpu.memory_space<vmem>>, vector<1x1x16xf32>,
        %parallel_loop3A_372 = arith.constant 8 : i32
        %parallel_loop3A_373 = arith.muli %add3A_98, %parallel_loop3A_372 : i32
        %parallel_loop3A_374 = arith.addi %parallel_loop3A_373, %parallel_loop3A_119 : i32
        %parallel_loop3A_375 = arith.constant 2 : i32
        %parallel_loop3A_376 = arith.index_cast %parallel_loop3A_375 : i32 to index
        %parallel_loop3A_377 = arith.index_cast %parallel_loop3A_374 : i32 to index
        %parallel_loop3A_378 = arith.constant 112 : index
        %parallel_loop3A_379 = tpu.vector_load %arg8[%parallel_loop3A_376, %parallel_loop3A_377, %parallel_loop3A_378] {strides = array<i32>} : memref<3x32x128xf32, #tpu.memory_space<vmem>>, vector<1x1x16xf32>,
        %parallel_loop3A_380 = vector.shape_cast %parallel_loop3A_379 : vector<1x1x16xf32> to vector<16xf32>
        %parallel_loop3A_381 = vector.shape_cast %parallel_loop3A_260#11 : vector<16xf32> to vector<1x1x16xf32>
        tpu.vector_store %arg8[%parallel_loop3A_376, %parallel_loop3A_377, %parallel_loop3A_378], %parallel_loop3A_381 {strides = array<i32>} : memref<3x32x128xf32, #tpu.memory_space<vmem>>, vector<1x1x16xf32>,
      } {sc.loop_unroll_factor = 1 : i64, sc.parallel_access}
      %add3A_112 = arith.constant 2 : i32
      %add3A_113 = arith.addi %add3A_98, %add3A_112 : i32
      %lt3A_114 = arith.constant 4 : i32
      %lt3A_115 = arith.cmpi slt, %add3A_113, %lt3A_114 : i32
      %convert_element_type3A_116 = arith.extui %lt3A_115 : i1 to i32
      %cond3A_117 = arith.constant 0 : i32
      %cond3A_118 = arith.cmpi ne, %convert_element_type3A_116, %cond3A_117 : i32
      scf.if %cond3A_118 {
        %add3A_119 = arith.constant 2 : i32
        %add3A_120 = arith.addi %add3A_98, %add3A_119 : i32
        %mul3A_121 = arith.constant 64 : i32
        %mul3A_122 = arith.muli %add3A_120, %mul3A_121 : i32
        %dma_start3A_123 = arith.constant 1 : i32
        %dma_start3A_124 = arith.constant 0 : i32
        %dma_start3A_125 = arith.constant 0 : i32
        %dma_start3A_126 = tpu.memref_slice %arg7[%dma_start3A_123, %dma_start3A_124, %dma_start3A_125] : memref<2x64x768xf32, #tpu.memory_space<vmem>> -> memref<1x64x768xf32, #tpu.memory_space<vmem>>
        %dma_start3A_127 = tpu.memref_squeeze %dma_start3A_126 : memref<1x64x768xf32, #tpu.memory_space<vmem>> -> memref<64x768xf32, #tpu.memory_space<vmem>>
        %dma_start3A_128 = tpu.memref_slice %arg6[%mul3A_122] : memref<256xi32, #tpu.memory_space<vmem>> -> memref<64xi32, #tpu.memory_space<vmem>>
        %dma_start3A_129 = arith.constant 0 : i32
        %dma_start3A_130 = arith.constant 0 : i32
        %dma_start3A_131 = tpu.memref_slice %arg4[%dma_start3A_129, %dma_start3A_130] : memref<30527x768xf32, #tpu.memory_space<hbm>> -> memref<30527x768xf32, #tpu.memory_space<hbm>>
        tpu.enqueue_indirect_dma source(%dma_start3A_131 : memref<30527x768xf32, #tpu.memory_space<hbm>>) target(%dma_start3A_127 : memref<64x768xf32, #tpu.memory_space<vmem>>) offsets(%dma_start3A_128 : memref<64xi32, #tpu.memory_space<vmem>>) semaphore(%arg11 : memref<!tpu.dma_semaphore, #tpu.memory_space<semaphore_mem>>)
      } else {
      }
    }
    %scan3A_45 = arith.constant 2 : i32
    %jit3A_46 = arith.constant 8 : i32
    %div3A_47 = arith.divsi %mul3A_2, %jit3A_46 : i32
    %sign3A_48 = arith.constant 0 : i32
    %sign3A_49 = arith.cmpi sgt, %mul3A_2, %sign3A_48 : i32
    %sign3A_50 = arith.extui %sign3A_49 : i1 to i32
    %sign3A_51 = arith.constant 0 : i32
    %sign3A_52 = arith.cmpi slt, %mul3A_2, %sign3A_51 : i32
    %sign3A_53 = arith.extui %sign3A_52 : i1 to i32
    %sign3A_54 = arith.subi %sign3A_50, %sign3A_53 : i32
    %sign3A_55 = arith.constant 0 : i32
    %sign3A_56 = arith.cmpi sgt, %jit3A_46, %sign3A_55 : i32
    %sign3A_57 = arith.extui %sign3A_56 : i1 to i32
    %sign3A_58 = arith.constant 0 : i32
    %sign3A_59 = arith.cmpi slt, %jit3A_46, %sign3A_58 : i32
    %sign3A_60 = arith.extui %sign3A_59 : i1 to i32
    %sign3A_61 = arith.subi %sign3A_57, %sign3A_60 : i32
    %ne3A_62 = arith.cmpi ne, %sign3A_54, %sign3A_61 : i32
    %rem3A_63 = arith.remsi %mul3A_2, %jit3A_46 : i32
    %ne3A_64 = arith.constant 0 : i32
    %ne3A_65 = arith.cmpi ne, %rem3A_63, %ne3A_64 : i32
    %and3A_66 = arith.andi %ne3A_62, %ne3A_65 : i1
    %sub3A_67 = arith.constant 1 : i32
    %sub3A_68 = arith.subi %div3A_47, %sub3A_67 : i32
    %select_n3A_69 = arith.select %and3A_66, %sub3A_68, %div3A_47 : i32
    %multiple_of3A = tpu.assume_multiple %select_n3A_69, 8 : i32
    %run_scoped3A = arith.constant 0 : i32
    %run_scoped3A_70 = arith.constant 0 : i32
    "tpu.region"() ({
      %run_scoped3A_75 = tpu.sem_alloc : memref<!tpu.dma_semaphore, #tpu.memory_space<semaphore_mem>>
      %dma_start3A_76 = arith.constant 0 : i32
      %dma_start3A_77 = arith.constant 0 : i32
      %dma_start3A_78 = tpu.memref_slice %arg8[%run_scoped3A, %dma_start3A_76, %dma_start3A_77] : memref<3x32x128xf32, #tpu.memory_space<vmem>> -> memref<1x32x128xf32, #tpu.memory_space<vmem>>
      %dma_start3A_79 = tpu.memref_squeeze %dma_start3A_78 : memref<1x32x128xf32, #tpu.memory_space<vmem>> -> memref<32x128xf32, #tpu.memory_space<vmem>>
      %dma_start3A_80 = arith.constant 0 : i32
      %dma_start3A_81 = tpu.memref_slice %arg5[%run_scoped3A_70, %multiple_of3A, %dma_start3A_80] : memref<3x1024x128xf32, #tpu.memory_space<hbm>> -> memref<1x32x128xf32, #tpu.memory_space<hbm>>
      %dma_start3A_82 = tpu.memref_squeeze %dma_start3A_81 : memref<1x32x128xf32, #tpu.memory_space<hbm>> -> memref<32x128xf32, #tpu.memory_space<hbm>>
      %dma_start3A_83 = arith.constant 0 : i32
      %dma_start3A_84 = tpu.memref_slice %arg5[%run_scoped3A_70, %multiple_of3A, %dma_start3A_83] : memref<3x1024x128xf32, #tpu.memory_space<hbm>> -> memref<1x32x128xf32, #tpu.memory_space<hbm>>
      %dma_start3A_85 = tpu.memref_squeeze %dma_start3A_84 : memref<1x32x128xf32, #tpu.memory_space<hbm>> -> memref<32x128xf32, #tpu.memory_space<hbm>>
      %dma_start3A_86 = arith.constant 0 : i32
      %dma_start3A_87 = arith.constant 0 : i32
      %dma_start3A_88 = tpu.memref_slice %arg8[%run_scoped3A, %dma_start3A_86, %dma_start3A_87] : memref<3x32x128xf32, #tpu.memory_space<vmem>> -> memref<1x32x128xf32, #tpu.memory_space<vmem>>
      %dma_start3A_89 = tpu.memref_squeeze %dma_start3A_88 : memref<1x32x128xf32, #tpu.memory_space<vmem>> -> memref<32x128xf32, #tpu.memory_space<vmem>>
      tpu.enqueue_dma source(%dma_start3A_89 : memref<32x128xf32, #tpu.memory_space<vmem>>) target(%dma_start3A_85 : memref<32x128xf32, #tpu.memory_space<hbm>>) target_semaphore(%run_scoped3A_75 : memref<!tpu.dma_semaphore, #tpu.memory_space<semaphore_mem>>)
      %dma_wait3A = arith.constant 0 : i32
      %dma_wait3A_90 = arith.constant 0 : i32
      %dma_wait3A_91 = tpu.memref_slice %arg8[%run_scoped3A, %dma_wait3A, %dma_wait3A_90] : memref<3x32x128xf32, #tpu.memory_space<vmem>> -> memref<1x32x128xf32, #tpu.memory_space<vmem>>
      %dma_wait3A_92 = tpu.memref_squeeze %dma_wait3A_91 : memref<1x32x128xf32, #tpu.memory_space<vmem>> -> memref<32x128xf32, #tpu.memory_space<vmem>>
      %dma_wait3A_93 = arith.constant 0 : i32
      %dma_wait3A_94 = tpu.memref_slice %arg5[%run_scoped3A_70, %multiple_of3A, %dma_wait3A_93] : memref<3x1024x128xf32, #tpu.memory_space<hbm>> -> memref<1x32x128xf32, #tpu.memory_space<hbm>>
      %dma_wait3A_95 = tpu.memref_squeeze %dma_wait3A_94 : memref<1x32x128xf32, #tpu.memory_space<hbm>> -> memref<32x128xf32, #tpu.memory_space<hbm>>
      %dma_wait3A_96 = arith.constant 0 : i32
      %dma_wait3A_97 = tpu.memref_slice %arg5[%run_scoped3A_70, %multiple_of3A, %dma_wait3A_96] : memref<3x1024x128xf32, #tpu.memory_space<hbm>> -> memref<1x32x128xf32, #tpu.memory_space<hbm>>
      %dma_wait3A_98 = tpu.memref_squeeze %dma_wait3A_97 : memref<1x32x128xf32, #tpu.memory_space<hbm>> -> memref<32x128xf32, #tpu.memory_space<hbm>>
      %dma_wait3A_99 = arith.constant 0 : i32
      %dma_wait3A_100 = arith.constant 0 : i32
      %dma_wait3A_101 = tpu.memref_slice %arg8[%run_scoped3A, %dma_wait3A_99, %dma_wait3A_100] : memref<3x32x128xf32, #tpu.memory_space<vmem>> -> memref<1x32x128xf32, #tpu.memory_space<vmem>>
      %dma_wait3A_102 = tpu.memref_squeeze %dma_wait3A_101 : memref<1x32x128xf32, #tpu.memory_space<vmem>> -> memref<32x128xf32, #tpu.memory_space<vmem>>
      tpu.wait_dma2 semaphore(%run_scoped3A_75 : memref<!tpu.dma_semaphore, #tpu.memory_space<semaphore_mem>>) src(%dma_wait3A_102 : memref<32x128xf32, #tpu.memory_space<vmem>>) dst(%dma_wait3A_98 : memref<32x128xf32, #tpu.memory_space<hbm>>)
      tpu.yield
    }) : () -> ()
    %run_scoped3A_71 = arith.constant 1 : i32
    %run_scoped3A_72 = arith.constant 1 : i32
    "tpu.region"() ({
      %run_scoped3A_75 = tpu.sem_alloc : memref<!tpu.dma_semaphore, #tpu.memory_space<semaphore_mem>>
      %dma_start3A_76 = arith.constant 0 : i32
      %dma_start3A_77 = arith.constant 0 : i32
      %dma_start3A_78 = tpu.memref_slice %arg8[%run_scoped3A_71, %dma_start3A_76, %dma_start3A_77] : memref<3x32x128xf32, #tpu.memory_space<vmem>> -> memref<1x32x128xf32, #tpu.memory_space<vmem>>
      %dma_start3A_79 = tpu.memref_squeeze %dma_start3A_78 : memref<1x32x128xf32, #tpu.memory_space<vmem>> -> memref<32x128xf32, #tpu.memory_space<vmem>>
      %dma_start3A_80 = arith.constant 0 : i32
      %dma_start3A_81 = tpu.memref_slice %arg5[%run_scoped3A_72, %multiple_of3A, %dma_start3A_80] : memref<3x1024x128xf32, #tpu.memory_space<hbm>> -> memref<1x32x128xf32, #tpu.memory_space<hbm>>
      %dma_start3A_82 = tpu.memref_squeeze %dma_start3A_81 : memref<1x32x128xf32, #tpu.memory_space<hbm>> -> memref<32x128xf32, #tpu.memory_space<hbm>>
      %dma_start3A_83 = arith.constant 0 : i32
      %dma_start3A_84 = tpu.memref_slice %arg5[%run_scoped3A_72, %multiple_of3A, %dma_start3A_83] : memref<3x1024x128xf32, #tpu.memory_space<hbm>> -> memref<1x32x128xf32, #tpu.memory_space<hbm>>
      %dma_start3A_85 = tpu.memref_squeeze %dma_start3A_84 : memref<1x32x128xf32, #tpu.memory_space<hbm>> -> memref<32x128xf32, #tpu.memory_space<hbm>>
      %dma_start3A_86 = arith.constant 0 : i32
      %dma_start3A_87 = arith.constant 0 : i32
      %dma_start3A_88 = tpu.memref_slice %arg8[%run_scoped3A_71, %dma_start3A_86, %dma_start3A_87] : memref<3x32x128xf32, #tpu.memory_space<vmem>> -> memref<1x32x128xf32, #tpu.memory_space<vmem>>
      %dma_start3A_89 = tpu.memref_squeeze %dma_start3A_88 : memref<1x32x128xf32, #tpu.memory_space<vmem>> -> memref<32x128xf32, #tpu.memory_space<vmem>>
      tpu.enqueue_dma source(%dma_start3A_89 : memref<32x128xf32, #tpu.memory_space<vmem>>) target(%dma_start3A_85 : memref<32x128xf32, #tpu.memory_space<hbm>>) target_semaphore(%run_scoped3A_75 : memref<!tpu.dma_semaphore, #tpu.memory_space<semaphore_mem>>)
      %dma_wait3A = arith.constant 0 : i32
      %dma_wait3A_90 = arith.constant 0 : i32
      %dma_wait3A_91 = tpu.memref_slice %arg8[%run_scoped3A_71, %dma_wait3A, %dma_wait3A_90] : memref<3x32x128xf32, #tpu.memory_space<vmem>> -> memref<1x32x128xf32, #tpu.memory_space<vmem>>
      %dma_wait3A_92 = tpu.memref_squeeze %dma_wait3A_91 : memref<1x32x128xf32, #tpu.memory_space<vmem>> -> memref<32x128xf32, #tpu.memory_space<vmem>>
      %dma_wait3A_93 = arith.constant 0 : i32
      %dma_wait3A_94 = tpu.memref_slice %arg5[%run_scoped3A_72, %multiple_of3A, %dma_wait3A_93] : memref<3x1024x128xf32, #tpu.memory_space<hbm>> -> memref<1x32x128xf32, #tpu.memory_space<hbm>>
      %dma_wait3A_95 = tpu.memref_squeeze %dma_wait3A_94 : memref<1x32x128xf32, #tpu.memory_space<hbm>> -> memref<32x128xf32, #tpu.memory_space<hbm>>
      %dma_wait3A_96 = arith.constant 0 : i32
      %dma_wait3A_97 = tpu.memref_slice %arg5[%run_scoped3A_72, %multiple_of3A, %dma_wait3A_96] : memref<3x1024x128xf32, #tpu.memory_space<hbm>> -> memref<1x32x128xf32, #tpu.memory_space<hbm>>
      %dma_wait3A_98 = tpu.memref_squeeze %dma_wait3A_97 : memref<1x32x128xf32, #tpu.memory_space<hbm>> -> memref<32x128xf32, #tpu.memory_space<hbm>>
      %dma_wait3A_99 = arith.constant 0 : i32
      %dma_wait3A_100 = arith.constant 0 : i32
      %dma_wait3A_101 = tpu.memref_slice %arg8[%run_scoped3A_71, %dma_wait3A_99, %dma_wait3A_100] : memref<3x32x128xf32, #tpu.memory_space<vmem>> -> memref<1x32x128xf32, #tpu.memory_space<vmem>>
      %dma_wait3A_102 = tpu.memref_squeeze %dma_wait3A_101 : memref<1x32x128xf32, #tpu.memory_space<vmem>> -> memref<32x128xf32, #tpu.memory_space<vmem>>
      tpu.wait_dma2 semaphore(%run_scoped3A_75 : memref<!tpu.dma_semaphore, #tpu.memory_space<semaphore_mem>>) src(%dma_wait3A_102 : memref<32x128xf32, #tpu.memory_space<vmem>>) dst(%dma_wait3A_98 : memref<32x128xf32, #tpu.memory_space<hbm>>)
      tpu.yield
    }) : () -> ()
    %run_scoped3A_73 = arith.constant 2 : i32
    %run_scoped3A_74 = arith.constant 2 : i32
    "tpu.region"() ({
      %run_scoped3A_75 = tpu.sem_alloc : memref<!tpu.dma_semaphore, #tpu.memory_space<semaphore_mem>>
      %dma_start3A_76 = arith.constant 0 : i32
      %dma_start3A_77 = arith.constant 0 : i32
      %dma_start3A_78 = tpu.memref_slice %arg8[%run_scoped3A_73, %dma_start3A_76, %dma_start3A_77] : memref<3x32x128xf32, #tpu.memory_space<vmem>> -> memref<1x32x128xf32, #tpu.memory_space<vmem>>
      %dma_start3A_79 = tpu.memref_squeeze %dma_start3A_78 : memref<1x32x128xf32, #tpu.memory_space<vmem>> -> memref<32x128xf32, #tpu.memory_space<vmem>>
      %dma_start3A_80 = arith.constant 0 : i32
      %dma_start3A_81 = tpu.memref_slice %arg5[%run_scoped3A_74, %multiple_of3A, %dma_start3A_80] : memref<3x1024x128xf32, #tpu.memory_space<hbm>> -> memref<1x32x128xf32, #tpu.memory_space<hbm>>
      %dma_start3A_82 = tpu.memref_squeeze %dma_start3A_81 : memref<1x32x128xf32, #tpu.memory_space<hbm>> -> memref<32x128xf32, #tpu.memory_space<hbm>>
      %dma_start3A_83 = arith.constant 0 : i32
      %dma_start3A_84 = tpu.memref_slice %arg5[%run_scoped3A_74, %multiple_of3A, %dma_start3A_83] : memref<3x1024x128xf32, #tpu.memory_space<hbm>> -> memref<1x32x128xf32, #tpu.memory_space<hbm>>
      %dma_start3A_85 = tpu.memref_squeeze %dma_start3A_84 : memref<1x32x128xf32, #tpu.memory_space<hbm>> -> memref<32x128xf32, #tpu.memory_space<hbm>>
      %dma_start3A_86 = arith.constant 0 : i32
      %dma_start3A_87 = arith.constant 0 : i32
      %dma_start3A_88 = tpu.memref_slice %arg8[%run_scoped3A_73, %dma_start3A_86, %dma_start3A_87] : memref<3x32x128xf32, #tpu.memory_space<vmem>> -> memref<1x32x128xf32, #tpu.memory_space<vmem>>
      %dma_start3A_89 = tpu.memref_squeeze %dma_start3A_88 : memref<1x32x128xf32, #tpu.memory_space<vmem>> -> memref<32x128xf32, #tpu.memory_space<vmem>>
      tpu.enqueue_dma source(%dma_start3A_89 : memref<32x128xf32, #tpu.memory_space<vmem>>) target(%dma_start3A_85 : memref<32x128xf32, #tpu.memory_space<hbm>>) target_semaphore(%run_scoped3A_75 : memref<!tpu.dma_semaphore, #tpu.memory_space<semaphore_mem>>)
      %dma_wait3A = arith.constant 0 : i32
      %dma_wait3A_90 = arith.constant 0 : i32
      %dma_wait3A_91 = tpu.memref_slice %arg8[%run_scoped3A_73, %dma_wait3A, %dma_wait3A_90] : memref<3x32x128xf32, #tpu.memory_space<vmem>> -> memref<1x32x128xf32, #tpu.memory_space<vmem>>
      %dma_wait3A_92 = tpu.memref_squeeze %dma_wait3A_91 : memref<1x32x128xf32, #tpu.memory_space<vmem>> -> memref<32x128xf32, #tpu.memory_space<vmem>>
      %dma_wait3A_93 = arith.constant 0 : i32
      %dma_wait3A_94 = tpu.memref_slice %arg5[%run_scoped3A_74, %multiple_of3A, %dma_wait3A_93] : memref<3x1024x128xf32, #tpu.memory_space<hbm>> -> memref<1x32x128xf32, #tpu.memory_space<hbm>>
      %dma_wait3A_95 = tpu.memref_squeeze %dma_wait3A_94 : memref<1x32x128xf32, #tpu.memory_space<hbm>> -> memref<32x128xf32, #tpu.memory_space<hbm>>
      %dma_wait3A_96 = arith.constant 0 : i32
      %dma_wait3A_97 = tpu.memref_slice %arg5[%run_scoped3A_74, %multiple_of3A, %dma_wait3A_96] : memref<3x1024x128xf32, #tpu.memory_space<hbm>> -> memref<1x32x128xf32, #tpu.memory_space<hbm>>
      %dma_wait3A_98 = tpu.memref_squeeze %dma_wait3A_97 : memref<1x32x128xf32, #tpu.memory_space<hbm>> -> memref<32x128xf32, #tpu.memory_space<hbm>>
      %dma_wait3A_99 = arith.constant 0 : i32
      %dma_wait3A_100 = arith.constant 0 : i32
      %dma_wait3A_101 = tpu.memref_slice %arg8[%run_scoped3A_73, %dma_wait3A_99, %dma_wait3A_100] : memref<3x32x128xf32, #tpu.memory_space<vmem>> -> memref<1x32x128xf32, #tpu.memory_space<vmem>>
      %dma_wait3A_102 = tpu.memref_squeeze %dma_wait3A_101 : memref<1x32x128xf32, #tpu.memory_space<vmem>> -> memref<32x128xf32, #tpu.memory_space<vmem>>
      tpu.wait_dma2 semaphore(%run_scoped3A_75 : memref<!tpu.dma_semaphore, #tpu.memory_space<semaphore_mem>>) src(%dma_wait3A_102 : memref<32x128xf32, #tpu.memory_space<vmem>>) dst(%dma_wait3A_98 : memref<32x128xf32, #tpu.memory_space<hbm>>)
      tpu.yield
    }) : () -> ()
    return
  }
}

module attributes {stable_mosaic.version = 14 : i64} {
  func.func @_finalize_body(%arg0: memref<3x1024x128xf32, #tpu.memory_space<vmem>>, %arg1: memref<1x1xf32, #tpu.memory_space<vmem>>, %arg2: memref<4x2048xi32, #tpu.memory_space<vmem>>, %arg3: memref<4x2048xi32, #tpu.memory_space<vmem>>, %arg4: memref<4x384xi32, #tpu.memory_space<vmem>>, %arg5: memref<4x384xi32, #tpu.memory_space<vmem>>, %arg6: memref<4x1xf32, #tpu.memory_space<vmem>>) attributes {dimension_semantics = [], scalar_prefetch = 0 : i64, scratch_operands = 0 : i64, tpu.core_type = #tpu.core_type<tc>} {
    %iota3A = tpu.iota {dimensions = array<i32: 1>} : vector<3x128x8xi32>
    %jit3A = arith.constant 16 : i32
    %div3A = vector.broadcast %jit3A : i32 to vector<3x128x8xi32>
    %div3A_0 = arith.divsi %iota3A, %div3A : vector<3x128x8xi32>
    %sign3A = arith.constant 0 : i32
    %sign3A_1 = vector.broadcast %sign3A : i32 to vector<3x128x8xi32>
    %sign3A_2 = arith.cmpi sgt, %iota3A, %sign3A_1 : vector<3x128x8xi32>
    %sign3A_3 = arith.extui %sign3A_2 : vector<3x128x8xi1> to vector<3x128x8xi32>
    %sign3A_4 = arith.constant 0 : i32
    %sign3A_5 = vector.broadcast %sign3A_4 : i32 to vector<3x128x8xi32>
    %sign3A_6 = arith.cmpi slt, %iota3A, %sign3A_5 : vector<3x128x8xi32>
    %sign3A_7 = arith.extui %sign3A_6 : vector<3x128x8xi1> to vector<3x128x8xi32>
    %sign3A_8 = arith.subi %sign3A_3, %sign3A_7 : vector<3x128x8xi32>
    %sign3A_9 = arith.constant 0 : i32
    %sign3A_10 = arith.cmpi sgt, %jit3A, %sign3A_9 : i32
    %sign3A_11 = arith.extui %sign3A_10 : i1 to i32
    %sign3A_12 = arith.constant 0 : i32
    %sign3A_13 = arith.cmpi slt, %jit3A, %sign3A_12 : i32
    %sign3A_14 = arith.extui %sign3A_13 : i1 to i32
    %sign3A_15 = arith.subi %sign3A_11, %sign3A_14 : i32
    %ne3A = vector.broadcast %sign3A_15 : i32 to vector<3x128x8xi32>
    %ne3A_16 = arith.cmpi ne, %sign3A_8, %ne3A : vector<3x128x8xi32>
    %rem3A = vector.broadcast %jit3A : i32 to vector<3x128x8xi32>
    %rem3A_17 = arith.remsi %iota3A, %rem3A : vector<3x128x8xi32>
    %ne3A_18 = arith.constant 0 : i32
    %ne3A_19 = vector.broadcast %ne3A_18 : i32 to vector<3x128x8xi32>
    %ne3A_20 = arith.cmpi ne, %rem3A_17, %ne3A_19 : vector<3x128x8xi32>
    %and3A = arith.andi %ne3A_16, %ne3A_20 : vector<3x128x8xi1>
    %sub3A = arith.constant 1 : i32
    %sub3A_21 = vector.broadcast %sub3A : i32 to vector<3x128x8xi32>
    %sub3A_22 = arith.subi %div3A_0, %sub3A_21 : vector<3x128x8xi32>
    %select_n3A = arith.select %and3A, %sub3A_22, %div3A_0 : vector<3x128x8xi1>, vector<3x128x8xi32>
    %iota3A_23 = tpu.iota {dimensions = array<i32: 2>} : vector<3x128x8xi32>
    %iota3A_24 = tpu.iota {dimensions = array<i32: 0>} : vector<3x128x8xi32>
    %add3A = arith.addi %iota3A_23, %iota3A_24 : vector<3x128x8xi32>
    %sub3A_25 = arith.constant 1 : i32
    %sub3A_26 = vector.broadcast %sub3A_25 : i32 to vector<3x128x8xi32>
    %sub3A_27 = arith.subi %add3A, %sub3A_26 : vector<3x128x8xi32>
    %eq3A = arith.cmpi eq, %select_n3A, %sub3A_27 : vector<3x128x8xi32>
    %convert_element_type3A = arith.extui %eq3A : vector<3x128x8xi1> to vector<3x128x8xi32>
    %convert_element_type3A_28 = arith.sitofp %convert_element_type3A : vector<3x128x8xi32> to vector<3x128x8xf32>
    %slice3A = vector.extract_strided_slice %convert_element_type3A_28 {offsets = [0, 0, 0], sizes = [1, 128, 8], strides = [1, 1, 1]} : vector<3x128x8xf32> to vector<1x128x8xf32>
    %squeeze3A = vector.shape_cast %slice3A : vector<1x128x8xf32> to vector<128x8xf32>
    %slice3A_29 = vector.extract_strided_slice %convert_element_type3A_28 {offsets = [1, 0, 0], sizes = [1, 128, 8], strides = [1, 1, 1]} : vector<3x128x8xf32> to vector<1x128x8xf32>
    %squeeze3A_30 = vector.shape_cast %slice3A_29 : vector<1x128x8xf32> to vector<128x8xf32>
    %slice3A_31 = vector.extract_strided_slice %convert_element_type3A_28 {offsets = [2, 0, 0], sizes = [1, 128, 8], strides = [1, 1, 1]} : vector<3x128x8xf32> to vector<1x128x8xf32>
    %squeeze3A_32 = vector.shape_cast %slice3A_31 : vector<1x128x8xf32> to vector<128x8xf32>
    %concatenate3A = tpu.concatenate %squeeze3A, %squeeze3A_30, %squeeze3A_32 in 0 : vector<128x8xf32>, vector<128x8xf32>, vector<128x8xf32> -> vector<384x8xf32>
    %get3A = arith.constant 0 : index
    %get3A_33 = arith.constant 0 : index
    %get3A_34 = arith.constant 0 : index
    %get3A_35 = vector.load %arg0[%get3A, %get3A_33, %get3A_34] : memref<3x1024x128xf32, #tpu.memory_space<vmem>>, vector<1x1024x128xf32>
    %get3A_36 = vector.shape_cast %get3A_35 : vector<1x1024x128xf32> to vector<1024x128xf32>
    %get3A_37 = arith.constant 1 : index
    %get3A_38 = arith.constant 0 : index
    %get3A_39 = arith.constant 0 : index
    %get3A_40 = vector.load %arg0[%get3A_37, %get3A_38, %get3A_39] : memref<3x1024x128xf32, #tpu.memory_space<vmem>>, vector<1x1024x128xf32>
    %get3A_41 = vector.shape_cast %get3A_40 : vector<1x1024x128xf32> to vector<1024x128xf32>
    %get3A_42 = arith.constant 2 : index
    %get3A_43 = arith.constant 0 : index
    %get3A_44 = arith.constant 0 : index
    %get3A_45 = vector.load %arg0[%get3A_42, %get3A_43, %get3A_44] : memref<3x1024x128xf32, #tpu.memory_space<vmem>>, vector<1x1024x128xf32>
    %get3A_46 = vector.shape_cast %get3A_45 : vector<1x1024x128xf32> to vector<1024x128xf32>
    %concatenate3A_47 = tpu.concatenate %get3A_36, %get3A_41, %get3A_46 in 1 : vector<1024x128xf32>, vector<1024x128xf32>, vector<1024x128xf32> -> vector<1024x384xf32>
    %dot_general3A = arith.constant dense<0.000000e+00> : vector<1024x8xf32>
    %dot_general3A_48 = tpu.matmul %concatenate3A_47, %concatenate3A, %dot_general3A {dimension_numbers = #tpu.dot_dimension_numbers<[1], [0], [0], [1], [0, 0, 1, 1], [], []>, transpose_lhs_hint = false} : vector<1024x384xf32>, vector<384x8xf32>, vector<1024x8xf32> -> vector<1024x8xf32>
    %iota3A_49 = tpu.iota {dimensions = array<i32: 0>} : vector<128x1xi32>
    %jit3A_50 = arith.constant 16 : i32
    %div3A_51 = vector.broadcast %jit3A_50 : i32 to vector<128x1xi32>
    %div3A_52 = arith.divsi %iota3A_49, %div3A_51 : vector<128x1xi32>
    %sign3A_53 = arith.constant 0 : i32
    %sign3A_54 = vector.broadcast %sign3A_53 : i32 to vector<128x1xi32>
    %sign3A_55 = arith.cmpi sgt, %iota3A_49, %sign3A_54 : vector<128x1xi32>
    %sign3A_56 = arith.extui %sign3A_55 : vector<128x1xi1> to vector<128x1xi32>
    %sign3A_57 = arith.constant 0 : i32
    %sign3A_58 = vector.broadcast %sign3A_57 : i32 to vector<128x1xi32>
    %sign3A_59 = arith.cmpi slt, %iota3A_49, %sign3A_58 : vector<128x1xi32>
    %sign3A_60 = arith.extui %sign3A_59 : vector<128x1xi1> to vector<128x1xi32>
    %sign3A_61 = arith.subi %sign3A_56, %sign3A_60 : vector<128x1xi32>
    %sign3A_62 = arith.constant 0 : i32
    %sign3A_63 = arith.cmpi sgt, %jit3A_50, %sign3A_62 : i32
    %sign3A_64 = arith.extui %sign3A_63 : i1 to i32
    %sign3A_65 = arith.constant 0 : i32
    %sign3A_66 = arith.cmpi slt, %jit3A_50, %sign3A_65 : i32
    %sign3A_67 = arith.extui %sign3A_66 : i1 to i32
    %sign3A_68 = arith.subi %sign3A_64, %sign3A_67 : i32
    %ne3A_69 = vector.broadcast %sign3A_68 : i32 to vector<128x1xi32>
    %ne3A_70 = arith.cmpi ne, %sign3A_61, %ne3A_69 : vector<128x1xi32>
    %rem3A_71 = vector.broadcast %jit3A_50 : i32 to vector<128x1xi32>
    %rem3A_72 = arith.remsi %iota3A_49, %rem3A_71 : vector<128x1xi32>
    %ne3A_73 = arith.constant 0 : i32
    %ne3A_74 = vector.broadcast %ne3A_73 : i32 to vector<128x1xi32>
    %ne3A_75 = arith.cmpi ne, %rem3A_72, %ne3A_74 : vector<128x1xi32>
    %and3A_76 = arith.andi %ne3A_70, %ne3A_75 : vector<128x1xi1>
    %sub3A_77 = arith.constant 1 : i32
    %sub3A_78 = vector.broadcast %sub3A_77 : i32 to vector<128x1xi32>
    %sub3A_79 = arith.subi %div3A_52, %sub3A_78 : vector<128x1xi32>
    %select_n3A_80 = arith.select %and3A_76, %sub3A_79, %div3A_52 : vector<128x1xi1>, vector<128x1xi32>
    %eq3A_81 = arith.constant 7 : i32
    %eq3A_82 = vector.broadcast %eq3A_81 : i32 to vector<128x1xi32>
    %eq3A_83 = arith.cmpi eq, %select_n3A_80, %eq3A_82 : vector<128x1xi32>
    %iota3A_84 = tpu.iota {dimensions = array<i32: 0>} : vector<128x1xi32>
    %jit3A_85 = arith.constant 16 : i32
    %div3A_86 = vector.broadcast %jit3A_85 : i32 to vector<128x1xi32>
    %div3A_87 = arith.divsi %iota3A_84, %div3A_86 : vector<128x1xi32>
    %sign3A_88 = arith.constant 0 : i32
    %sign3A_89 = vector.broadcast %sign3A_88 : i32 to vector<128x1xi32>
    %sign3A_90 = arith.cmpi sgt, %iota3A_84, %sign3A_89 : vector<128x1xi32>
    %sign3A_91 = arith.extui %sign3A_90 : vector<128x1xi1> to vector<128x1xi32>
    %sign3A_92 = arith.constant 0 : i32
    %sign3A_93 = vector.broadcast %sign3A_92 : i32 to vector<128x1xi32>
    %sign3A_94 = arith.cmpi slt, %iota3A_84, %sign3A_93 : vector<128x1xi32>
    %sign3A_95 = arith.extui %sign3A_94 : vector<128x1xi1> to vector<128x1xi32>
    %sign3A_96 = arith.subi %sign3A_91, %sign3A_95 : vector<128x1xi32>
    %sign3A_97 = arith.constant 0 : i32
    %sign3A_98 = arith.cmpi sgt, %jit3A_85, %sign3A_97 : i32
    %sign3A_99 = arith.extui %sign3A_98 : i1 to i32
    %sign3A_100 = arith.constant 0 : i32
    %sign3A_101 = arith.cmpi slt, %jit3A_85, %sign3A_100 : i32
    %sign3A_102 = arith.extui %sign3A_101 : i1 to i32
    %sign3A_103 = arith.subi %sign3A_99, %sign3A_102 : i32
    %ne3A_104 = vector.broadcast %sign3A_103 : i32 to vector<128x1xi32>
    %ne3A_105 = arith.cmpi ne, %sign3A_96, %ne3A_104 : vector<128x1xi32>
    %rem3A_106 = vector.broadcast %jit3A_85 : i32 to vector<128x1xi32>
    %rem3A_107 = arith.remsi %iota3A_84, %rem3A_106 : vector<128x1xi32>
    %ne3A_108 = arith.constant 0 : i32
    %ne3A_109 = vector.broadcast %ne3A_108 : i32 to vector<128x1xi32>
    %ne3A_110 = arith.cmpi ne, %rem3A_107, %ne3A_109 : vector<128x1xi32>
    %and3A_111 = arith.andi %ne3A_105, %ne3A_110 : vector<128x1xi1>
    %sub3A_112 = arith.constant 1 : i32
    %sub3A_113 = vector.broadcast %sub3A_112 : i32 to vector<128x1xi32>
    %sub3A_114 = arith.subi %div3A_87, %sub3A_113 : vector<128x1xi32>
    %select_n3A_115 = arith.select %and3A_111, %sub3A_114, %div3A_87 : vector<128x1xi1>, vector<128x1xi32>
    %eq3A_116 = arith.constant 0 : i32
    %eq3A_117 = vector.broadcast %eq3A_116 : i32 to vector<128x1xi32>
    %eq3A_118 = arith.cmpi eq, %select_n3A_115, %eq3A_117 : vector<128x1xi32>
    %get3A_119 = arith.constant 0 : index
    %get3A_120 = arith.constant 0 : index
    %get3A_121 = arith.constant 0 : index
    %get3A_122 = vector.load %arg0[%get3A_119, %get3A_120, %get3A_121] : memref<3x1024x128xf32, #tpu.memory_space<vmem>>, vector<1x1024x128xf32>
    %get3A_123 = vector.shape_cast %get3A_122 : vector<1x1024x128xf32> to vector<1024x128xf32>
    %convert_element_type3A_124 = arith.extui %eq3A_83 : vector<128x1xi1> to vector<128x1xi32>
    %convert_element_type3A_125 = arith.sitofp %convert_element_type3A_124 : vector<128x1xi32> to vector<128x1xf32>
    %dot_general3A_126 = arith.constant dense<0.000000e+00> : vector<1024x1xf32>
    %dot_general3A_127 = tpu.matmul %get3A_123, %convert_element_type3A_125, %dot_general3A_126 {dimension_numbers = #tpu.dot_dimension_numbers<[1], [0], [0], [1], [0, 0, 1, 1], [], []>, transpose_lhs_hint = false} : vector<1024x128xf32>, vector<128x1xf32>, vector<1024x1xf32> -> vector<1024x1xf32>
    %get3A_128 = arith.constant 2 : index
    %get3A_129 = arith.constant 0 : index
    %get3A_130 = arith.constant 0 : index
    %get3A_131 = vector.load %arg0[%get3A_128, %get3A_129, %get3A_130] : memref<3x1024x128xf32, #tpu.memory_space<vmem>>, vector<1x1024x128xf32>
    %get3A_132 = vector.shape_cast %get3A_131 : vector<1x1024x128xf32> to vector<1024x128xf32>
    %convert_element_type3A_133 = arith.extui %eq3A_118 : vector<128x1xi1> to vector<128x1xi32>
    %convert_element_type3A_134 = arith.sitofp %convert_element_type3A_133 : vector<128x1xi32> to vector<128x1xf32>
    %dot_general3A_135 = arith.constant dense<0.000000e+00> : vector<1024x1xf32>
    %dot_general3A_136 = tpu.matmul %get3A_132, %convert_element_type3A_134, %dot_general3A_135 {dimension_numbers = #tpu.dot_dimension_numbers<[1], [0], [0], [1], [0, 0, 1, 1], [], []>, transpose_lhs_hint = false} : vector<1024x128xf32>, vector<128x1xf32>, vector<1024x1xf32> -> vector<1024x1xf32>
    %iota3A_137 = tpu.iota {dimensions = array<i32: 0>} : vector<1024x1xi32>
    %broadcast_in_dim3A = arith.constant 0.000000e+00 : f32
    %broadcast_in_dim3A_138 = vector.broadcast %broadcast_in_dim3A : f32 to vector<1x1xf32>
    %slice3A_139 = vector.extract_strided_slice %dot_general3A_127 {offsets = [0, 0], sizes = [1023, 1], strides = [1, 1]} : vector<1024x1xf32> to vector<1023x1xf32>
    %concatenate3A_140 = tpu.concatenate %broadcast_in_dim3A_138, %slice3A_139 in 0 : vector<1x1xf32>, vector<1023x1xf32> -> vector<1024x1xf32>
    %jit3A_141 = arith.constant 256 : i32
    %eq3A_142 = arith.constant 0 : i32
    %eq3A_143 = arith.cmpi eq, %jit3A_141, %eq3A_142 : i32
    %jit3A_144 = arith.constant 1 : i32
    %select_n3A_145 = arith.select %eq3A_143, %jit3A_144, %jit3A_141 : i32
    %rem3A_146 = vector.broadcast %select_n3A_145 : i32 to vector<1024x1xi32>
    %rem3A_147 = arith.remsi %iota3A_137, %rem3A_146 : vector<1024x1xi32>
    %ne3A_148 = arith.constant 0 : i32
    %ne3A_149 = vector.broadcast %ne3A_148 : i32 to vector<1024x1xi32>
    %ne3A_150 = arith.cmpi ne, %rem3A_147, %ne3A_149 : vector<1024x1xi32>
    %lt3A = arith.constant 0 : i32
    %lt3A_151 = vector.broadcast %lt3A : i32 to vector<1024x1xi32>
    %lt3A_152 = arith.cmpi slt, %rem3A_147, %lt3A_151 : vector<1024x1xi32>
    %lt3A_153 = arith.constant 0 : i32
    %lt3A_154 = arith.cmpi slt, %select_n3A_145, %lt3A_153 : i32
    %ne3A_155 = vector.broadcast %lt3A_154 : i1 to vector<1024x1xi1>
    %ne3A_156 = vector.broadcast %ne3A_155 : vector<1024x1xi1> to vector<1024x1xi1>
    %ne3A_157 = arith.xori %lt3A_152, %ne3A_156 : vector<1024x1xi1>
    %and3A_158 = arith.andi %ne3A_157, %ne3A_150 : vector<1024x1xi1>
    %add3A_159 = vector.broadcast %select_n3A_145 : i32 to vector<1024x1xi32>
    %add3A_160 = arith.addi %rem3A_147, %add3A_159 : vector<1024x1xi32>
    %select_n3A_161 = arith.select %and3A_158, %add3A_160, %rem3A_147 : vector<1024x1xi1>, vector<1024x1xi32>
    %eq3A_162 = arith.constant 0 : i32
    %eq3A_163 = vector.broadcast %eq3A_162 : i32 to vector<1024x1xi32>
    %eq3A_164 = arith.cmpi eq, %select_n3A_161, %eq3A_163 : vector<1024x1xi32>
    %jit3A_165 = arith.constant 0.000000e+00 : f32
    %broadcast_in_dim3A_166 = vector.broadcast %jit3A_165 : f32 to vector<1024x1xf32>
    %select_n3A_167 = arith.select %eq3A_164, %broadcast_in_dim3A_166, %concatenate3A_140 : vector<1024x1xi1>, vector<1024x1xf32>
    %slice3A_168 = vector.extract_strided_slice %dot_general3A_136 {offsets = [1, 0], sizes = [1023, 1], strides = [1, 1]} : vector<1024x1xf32> to vector<1023x1xf32>
    %concatenate3A_169 = tpu.concatenate %slice3A_168, %broadcast_in_dim3A_138 in 0 : vector<1023x1xf32>, vector<1x1xf32> -> vector<1024x1xf32>
    %jit3A_170 = arith.constant 256 : i32
    %eq3A_171 = arith.constant 0 : i32
    %eq3A_172 = arith.cmpi eq, %jit3A_170, %eq3A_171 : i32
    %jit3A_173 = arith.constant 1 : i32
    %select_n3A_174 = arith.select %eq3A_172, %jit3A_173, %jit3A_170 : i32
    %rem3A_175 = vector.broadcast %select_n3A_174 : i32 to vector<1024x1xi32>
    %rem3A_176 = arith.remsi %iota3A_137, %rem3A_175 : vector<1024x1xi32>
    %ne3A_177 = arith.constant 0 : i32
    %ne3A_178 = vector.broadcast %ne3A_177 : i32 to vector<1024x1xi32>
    %ne3A_179 = arith.cmpi ne, %rem3A_176, %ne3A_178 : vector<1024x1xi32>
    %lt3A_180 = arith.constant 0 : i32
    %lt3A_181 = vector.broadcast %lt3A_180 : i32 to vector<1024x1xi32>
    %lt3A_182 = arith.cmpi slt, %rem3A_176, %lt3A_181 : vector<1024x1xi32>
    %lt3A_183 = arith.constant 0 : i32
    %lt3A_184 = arith.cmpi slt, %select_n3A_174, %lt3A_183 : i32
    %ne3A_185 = vector.broadcast %lt3A_184 : i1 to vector<1024x1xi1>
    %ne3A_186 = vector.broadcast %ne3A_185 : vector<1024x1xi1> to vector<1024x1xi1>
    %ne3A_187 = arith.xori %lt3A_182, %ne3A_186 : vector<1024x1xi1>
    %and3A_188 = arith.andi %ne3A_187, %ne3A_179 : vector<1024x1xi1>
    %add3A_189 = vector.broadcast %select_n3A_174 : i32 to vector<1024x1xi32>
    %add3A_190 = arith.addi %rem3A_176, %add3A_189 : vector<1024x1xi32>
    %select_n3A_191 = arith.select %and3A_188, %add3A_190, %rem3A_176 : vector<1024x1xi1>, vector<1024x1xi32>
    %eq3A_192 = arith.constant 255 : i32
    %eq3A_193 = vector.broadcast %eq3A_192 : i32 to vector<1024x1xi32>
    %eq3A_194 = arith.cmpi eq, %select_n3A_191, %eq3A_193 : vector<1024x1xi32>
    %jit3A_195 = arith.constant 0.000000e+00 : f32
    %broadcast_in_dim3A_196 = vector.broadcast %jit3A_195 : f32 to vector<1024x1xf32>
    %select_n3A_197 = arith.select %eq3A_194, %broadcast_in_dim3A_196, %concatenate3A_169 : vector<1024x1xi1>, vector<1024x1xf32>
    %broadcast_in_dim3A_198 = arith.constant 0.000000e+00 : f32
    %broadcast_in_dim3A_199 = vector.broadcast %broadcast_in_dim3A_198 : f32 to vector<1024x7xf32>
    %concatenate3A_200 = tpu.concatenate %select_n3A_167, %broadcast_in_dim3A_199 in 1 : vector<1024x1xf32>, vector<1024x7xf32> -> vector<1024x8xf32>
    %add3A_201 = arith.addf %dot_general3A_48, %concatenate3A_200 : vector<1024x8xf32>
    %concatenate3A_202 = tpu.concatenate %broadcast_in_dim3A_199, %select_n3A_197 in 1 : vector<1024x7xf32>, vector<1024x1xf32> -> vector<1024x8xf32>
    %add3A_203 = arith.addf %add3A_201, %concatenate3A_202 : vector<1024x8xf32>
    %get3A_204 = arith.constant 0 : index
    %get3A_205 = arith.constant 0 : index
    %get3A_206 = vector.load %arg1[%get3A_204, %get3A_205] : memref<1x1xf32, #tpu.memory_space<vmem>>, vector<1x1xf32>
    %get3A_207 = vector.extract %get3A_206[0, 0] : f32 from vector<1x1xf32>
    %add3A_208 = vector.broadcast %get3A_207 : f32 to vector<1024x8xf32>
    %add3A_209 = arith.addf %add3A_203, %add3A_208 : vector<1024x8xf32>
    %sub3A_210 = arith.subf %add3A_209, %add3A_209 : vector<1024x8xf32>
    %exp3A = math.exp %sub3A_210 : vector<1024x8xf32>
    %div3A_211 = arith.divf %exp3A, %exp3A : vector<1024x8xf32>
    %reduce_sum3A = arith.constant dense<0.000000e+00> : vector<1024xf32>
    %reduce_sum3A_212 = vector.multi_reduction <add>, %div3A_211, %reduce_sum3A [1] : vector<1024x8xf32> to vector<1024xf32>
    %broadcast_in_dim3A_213 = vector.shape_cast %reduce_sum3A_212 : vector<1024xf32> to vector<1024x1xf32>
    %iota3A_214 = tpu.iota {dimensions = array<i32: 1>} : vector<4x1024xi32>
    %jit3A_215 = arith.constant 256 : i32
    %div3A_216 = vector.broadcast %jit3A_215 : i32 to vector<4x1024xi32>
    %div3A_217 = arith.divsi %iota3A_214, %div3A_216 : vector<4x1024xi32>
    %sign3A_218 = arith.constant 0 : i32
    %sign3A_219 = vector.broadcast %sign3A_218 : i32 to vector<4x1024xi32>
    %sign3A_220 = arith.cmpi sgt, %iota3A_214, %sign3A_219 : vector<4x1024xi32>
    %sign3A_221 = arith.extui %sign3A_220 : vector<4x1024xi1> to vector<4x1024xi32>
    %sign3A_222 = arith.constant 0 : i32
    %sign3A_223 = vector.broadcast %sign3A_222 : i32 to vector<4x1024xi32>
    %sign3A_224 = arith.cmpi slt, %iota3A_214, %sign3A_223 : vector<4x1024xi32>
    %sign3A_225 = arith.extui %sign3A_224 : vector<4x1024xi1> to vector<4x1024xi32>
    %sign3A_226 = arith.subi %sign3A_221, %sign3A_225 : vector<4x1024xi32>
    %sign3A_227 = arith.constant 0 : i32
    %sign3A_228 = arith.cmpi sgt, %jit3A_215, %sign3A_227 : i32
    %sign3A_229 = arith.extui %sign3A_228 : i1 to i32
    %sign3A_230 = arith.constant 0 : i32
    %sign3A_231 = arith.cmpi slt, %jit3A_215, %sign3A_230 : i32
    %sign3A_232 = arith.extui %sign3A_231 : i1 to i32
    %sign3A_233 = arith.subi %sign3A_229, %sign3A_232 : i32
    %ne3A_234 = vector.broadcast %sign3A_233 : i32 to vector<4x1024xi32>
    %ne3A_235 = arith.cmpi ne, %sign3A_226, %ne3A_234 : vector<4x1024xi32>
    %rem3A_236 = vector.broadcast %jit3A_215 : i32 to vector<4x1024xi32>
    %rem3A_237 = arith.remsi %iota3A_214, %rem3A_236 : vector<4x1024xi32>
    %ne3A_238 = arith.constant 0 : i32
    %ne3A_239 = vector.broadcast %ne3A_238 : i32 to vector<4x1024xi32>
    %ne3A_240 = arith.cmpi ne, %rem3A_237, %ne3A_239 : vector<4x1024xi32>
    %and3A_241 = arith.andi %ne3A_235, %ne3A_240 : vector<4x1024xi1>
    %sub3A_242 = arith.constant 1 : i32
    %sub3A_243 = vector.broadcast %sub3A_242 : i32 to vector<4x1024xi32>
    %sub3A_244 = arith.subi %div3A_217, %sub3A_243 : vector<4x1024xi32>
    %select_n3A_245 = arith.select %and3A_241, %sub3A_244, %div3A_217 : vector<4x1024xi1>, vector<4x1024xi32>
    %iota3A_246 = tpu.iota {dimensions = array<i32: 0>} : vector<4x1024xi32>
    %eq3A_247 = arith.cmpi eq, %select_n3A_245, %iota3A_246 : vector<4x1024xi32>
    %jit3A_248 = arith.constant 256 : i32
    %eq3A_249 = arith.constant 0 : i32
    %eq3A_250 = arith.cmpi eq, %jit3A_248, %eq3A_249 : i32
    %jit3A_251 = arith.constant 1 : i32
    %select_n3A_252 = arith.select %eq3A_250, %jit3A_251, %jit3A_248 : i32
    %rem3A_253 = vector.broadcast %select_n3A_252 : i32 to vector<4x1024xi32>
    %rem3A_254 = arith.remsi %iota3A_214, %rem3A_253 : vector<4x1024xi32>
    %ne3A_255 = arith.constant 0 : i32
    %ne3A_256 = vector.broadcast %ne3A_255 : i32 to vector<4x1024xi32>
    %ne3A_257 = arith.cmpi ne, %rem3A_254, %ne3A_256 : vector<4x1024xi32>
    %lt3A_258 = arith.constant 0 : i32
    %lt3A_259 = vector.broadcast %lt3A_258 : i32 to vector<4x1024xi32>
    %lt3A_260 = arith.cmpi slt, %rem3A_254, %lt3A_259 : vector<4x1024xi32>
    %lt3A_261 = arith.constant 0 : i32
    %lt3A_262 = arith.cmpi slt, %select_n3A_252, %lt3A_261 : i32
    %ne3A_263 = vector.broadcast %lt3A_262 : i1 to vector<4x1024xi1>
    %ne3A_264 = vector.broadcast %ne3A_263 : vector<4x1024xi1> to vector<4x1024xi1>
    %ne3A_265 = arith.xori %lt3A_260, %ne3A_264 : vector<4x1024xi1>
    %and3A_266 = arith.andi %ne3A_265, %ne3A_257 : vector<4x1024xi1>
    %add3A_267 = vector.broadcast %select_n3A_252 : i32 to vector<4x1024xi32>
    %add3A_268 = arith.addi %rem3A_254, %add3A_267 : vector<4x1024xi32>
    %select_n3A_269 = arith.select %and3A_266, %add3A_268, %rem3A_254 : vector<4x1024xi1>, vector<4x1024xi32>
    %lt3A_270 = arith.constant 48 : i32
    %lt3A_271 = vector.broadcast %lt3A_270 : i32 to vector<4x1024xi32>
    %lt3A_272 = arith.cmpi slt, %select_n3A_269, %lt3A_271 : vector<4x1024xi32>
    %and3A_273 = arith.andi %eq3A_247, %lt3A_272 : vector<4x1024xi1>
    %convert_element_type3A_274 = arith.extui %and3A_273 : vector<4x1024xi1> to vector<4x1024xi32>
    %convert_element_type3A_275 = arith.sitofp %convert_element_type3A_274 : vector<4x1024xi32> to vector<4x1024xf32>
    %dot_general3A_276 = arith.constant dense<0.000000e+00> : vector<4x1xf32>
    %dot_general3A_277 = tpu.matmul %convert_element_type3A_275, %broadcast_in_dim3A_213, %dot_general3A_276 {dimension_numbers = #tpu.dot_dimension_numbers<[1], [0], [0], [1], [0, 0, 1, 1], [], []>, transpose_lhs_hint = false} : vector<4x1024xf32>, vector<1024x1xf32>, vector<4x1xf32> -> vector<4x1xf32>
    %swap3A = arith.constant 0 : index
    %swap3A_278 = arith.constant 0 : index
    %swap3A_279 = vector.load %arg6[%swap3A, %swap3A_278] : memref<4x1xf32, #tpu.memory_space<vmem>>, vector<4x1xf32>
    tpu.vector_store %arg6[%swap3A, %swap3A_278], %dot_general3A_277 {strides = array<i32>} : memref<4x1xf32, #tpu.memory_space<vmem>>, vector<4x1xf32>,
    %get3A_280 = arith.constant 0 : index
    %get3A_281 = arith.constant 0 : index
    %get3A_282 = vector.load %arg2[%get3A_280, %get3A_281] : memref<4x2048xi32, #tpu.memory_space<vmem>>, vector<4x384xi32>
    %swap3A_283 = arith.constant 0 : index
    %swap3A_284 = arith.constant 0 : index
    %swap3A_285 = vector.load %arg4[%swap3A_283, %swap3A_284] : memref<4x384xi32, #tpu.memory_space<vmem>>, vector<4x384xi32>
    tpu.vector_store %arg4[%swap3A_283, %swap3A_284], %get3A_282 {strides = array<i32>} : memref<4x384xi32, #tpu.memory_space<vmem>>, vector<4x384xi32>,
    %get3A_286 = arith.constant 0 : index
    %get3A_287 = arith.constant 0 : index
    %get3A_288 = vector.load %arg3[%get3A_286, %get3A_287] : memref<4x2048xi32, #tpu.memory_space<vmem>>, vector<4x384xi32>
    %swap3A_289 = arith.constant 0 : index
    %swap3A_290 = arith.constant 0 : index
    %swap3A_291 = vector.load %arg5[%swap3A_289, %swap3A_290] : memref<4x384xi32, #tpu.memory_space<vmem>>, vector<4x384xi32>
    tpu.vector_store %arg5[%swap3A_289, %swap3A_290], %get3A_288 {strides = array<i32>} : memref<4x384xi32, #tpu.memory_space<vmem>>, vector<4x384xi32>,
    return
  }
}

</mosaic_0001>

<sc_bundles>
// kernel: kernel.4.cloned.1.call-start
scs
__scs_entry_jumppad:
0x0: {  	(pc) =	sbr.rel $0x88, $3  }
0x1: {  	(tag) =	ssettag $0x0;
	lr =	simm.s32 $0x1  }
0x2: {  	[smem:$0x3F9C] =	sst lr;
	_ =	strace $0xD0000000  }
0x3: {  	_ = 	snop  }
0x4: {  	_ = 	snop  }
0x5: {  	_ = 	snop  }
0x6: {  	_ = 	snop  }
0x7: {  	_ = 	snop  }
__scs_overlays_trampoline_lowered:
0x8: {  	[smem:$0x3FAB] =	sst s0  }
0x9: {  	[smem:$0x3FAC] =	sst s1  }
0xa: {  	[smem:$0x3FAD] =	sst s2  }
0xb: {  	[smem:$0x3FAE] =	sst s3  }
0xc: {  	[smem:$0x3FAF] =	sst s4  }
0xd: {  	[smem:$0x3FB0] =	sst s5  }
0xe: {  	[smem:$0x3FB1] =	sst s6  }
0xf: {  	[smem:$0x3FB2] =	sst s7  }
0x10: {  	[smem:$0x3FB3] =	sst s8  }
0x11: {  	[smem:$0x3FB4] =	sst s9;
	s0 =	simm.s32 @!p0 $0x0  }
0x12: {  	s1 =	sld [smem:$0x3F9A];
	s0 =	simm.s32 @p0 $0x1  }
0x13: {  	[smem:$0x3FB5] =	sst s0;
	s0 =	simm.s32 @!p1 $0x0  }
0x14: {  	s2 =	sld [smem:$0x3F99];
	s0 =	simm.s32 @p1 $0x1  }
0x15: {  	[smem:$0x3FB6] =	sst s0;
	s0 =	simm.s32 @!p2 $0x0  }
0x16: {  	s3 =	sld [smem:$0x3FDB];
	s0 =	simm.s32 @p2 $0x1  }
0x17: {  	s4 =	simm.s32 $0x1BF5;
	[smem:$0x3FB8] =	sst s0  }
0x18: {  	s0 =	sld [smem:$0x3F9B];
	_ =	swait.ge [sflag:s4], $0x0  }
0x19: {  	s7 =	sld [smem:$0x3F9C]  }
0x1a: {  	s8 =	sadd.s32 $0xFFFFE003, lr  }
0x1b: {  	s9 =	sadd.s32 $0xFFFFFEF7, lr;
	s5 =	simm.s32 $0xFFFFFFFF;
	p2 =	slt.u32 s8, $0xFFFFF086  }
0x1c: {  	p1 =	slt.u32 s9, $0xF7A;
	s5 =	simm.s32 @!p2 $0x0  }
0x1d: {  	s5 =	simm.s32 @p1 $0x1;
	p0 =	seq.s32 s7, s2  }
0x1e: {  	s7 =	smul.u32 @!p0 $0xF7A, s2;
	p2 =	seq.s32 @!p0 s5, $0x0  }
0x1f: {  	s9 =	smul.u32 $0xF7A, s1;
	s8 =	simm.s32 @!p0 $0x1BF5;
	p2 =	por !p2, p0  }
0x20: {  	[sflag:s8] =	ssyncset.s32 @!p0 $0xFFFFF086;
	s6 =	sadd.s32 @!p0 s3, s7;
	s7 =	simm.s32 @!p0 $0x108  }
0x21: {  	s3 =	sadd.s32 s3, s9;
	s6 =	sadd.s32 @!p0 $0x88, s6;
	s7 =	simm.s32 @p2 $0x1082  }
0x22: {  	[simem:s7], [sflag:s8] =	dma.local @!p0 [hbm:s6], $0xF7A  }
0x23: {  	s9 =	sor.u32 $0xD0000000, s2;
	s6 =	simm.s32 $0x108;
	_ =	swait.ge @!p0 [sflag:s8], $0x0  }
0x24: {  	s3 =	sadd.s32 $0x88, s3;
	s6 =	simm.s32 @!p1 $0x1082;
	[sflag:s4] =	ssyncset.s32 $0xFFFFF086  }
0x25: {  	[simem:s6], [sflag:s4] =	dma.local [hbm:s3], $0xF7A  }
0x26: {  	[smem:$0x3F9C] =	sst s1;
	(tag) =	ssettag s2;
	_ =	strace s9  }
0x27: {  	s1 =	sld [smem:$0x3FAC]  }
0x28: {  	s2 =	sld [smem:$0x3FAD]  }
0x29: {  	s4 =	sld [smem:$0x3FAF]  }
0x2a: {  	p0 =	seq.s32 s5, $0x0;
	s5 =	sld [smem:$0x3FB0]  }
0x2b: {  	s6 =	sld [smem:$0x3FB1]  }
0x2c: {  	s7 =	sld [smem:$0x3FB2]  }
0x2d: {  	s3 =	simm.s32 $0x108;
	s8 =	sld [smem:$0x3FB3]  }
0x2e: {  	s3 =	simm.s32 @!p0 $0x1082;
	s9 =	sld [smem:$0x3FB4]  }
0x2f: {  	lr =	sadd.s32 s0, s3;
	s0 =	sld [smem:$0x3FAB]  }
0x30: {  	s3 =	sld [smem:$0x3FAE]  }
0x31: {  	[smem:$0x3FB7] =	sst s10  }
0x32: {  	s10 =	sld [smem:$0x3FB5];
	_ =	sdelay $0x3  }
0x33: {  	p0 =	seq.s32 s10, $0x1;
	s10 =	sld [smem:$0x3FB7];
	_ =	sdelay $0x3  }
0x34: {  	[smem:$0x3FB7] =	sst s10  }
0x35: {  	s10 =	sld [smem:$0x3FB6];
	_ =	sdelay $0x3  }
0x36: {  	p1 =	seq.s32 s10, $0x1;
	s10 =	sld [smem:$0x3FB7];
	_ =	sdelay $0x3  }
0x37: {  	[smem:$0x3FB7] =	sst s10  }
0x38: {  	s10 =	sld [smem:$0x3FB8]  }
0x39: {  	_ = 	snop;
	(pc) =	sbr.ind lr, $3  }
0x3a: {  	_ = 	snop  }
0x3b: {  	_ = 	snop  }
0x3c: {  	p2 =	seq.s32 s10, $0x1;
	s10 =	sld [smem:$0x3FB7]  }
0x3d: {  	_ =	shalt  }
0x3e: {  	_ =	shalt  }
0x3f: {  	_ =	shalt  }
0x40: {  	_ =	shalt  }
0x41: {  	_ =	shalt  }
0x42: {  	_ =	shalt  }
0x43: {  	_ =	shalt  }
0x44: {  	_ =	shalt  }
0x45: {  	_ =	shalt  }
0x46: {  	_ =	shalt  }
0x47: {  	_ =	shalt  }
0x48: {  	_ =	shalt  }
0x49: {  	_ =	shalt  }
0x4a: {  	_ =	shalt  }
0x4b: {  	_ =	shalt  }
0x4c: {  	_ =	shalt  }
0x4d: {  	_ =	shalt  }
0x4e: {  	_ =	shalt  }
0x4f: {  	_ =	shalt  }
0x50: {  	_ =	shalt  }
0x51: {  	_ =	shalt  }
0x52: {  	_ =	shalt  }
0x53: {  	_ =	shalt  }
0x54: {  	_ =	shalt  }
0x55: {  	_ =	shalt  }
0x56: {  	_ =	shalt  }
0x57: {  	_ =	shalt  }
0x58: {  	_ =	shalt  }
0x59: {  	_ =	shalt  }
0x5a: {  	_ =	shalt  }
0x5b: {  	_ =	shalt  }
0x5c: {  	_ =	shalt  }
0x5d: {  	_ =	shalt  }
0x5e: {  	_ =	shalt  }
0x5f: {  	_ =	shalt  }
0x60: {  	_ =	shalt  }
0x61: {  	_ =	shalt  }
0x62: {  	_ =	shalt  }
0x63: {  	_ =	shalt  }
0x64: {  	_ =	shalt  }
0x65: {  	_ =	shalt  }
0x66: {  	_ =	shalt  }
0x67: {  	_ =	shalt  }
0x68: {  	_ =	shalt  }
0x69: {  	_ =	shalt  }
0x6a: {  	_ =	shalt  }
0x6b: {  	_ =	shalt  }
0x6c: {  	_ =	shalt  }
0x6d: {  	_ =	shalt  }
0x6e: {  	_ =	shalt  }
0x6f: {  	_ =	shalt  }
0x70: {  	_ =	shalt  }
0x71: {  	_ =	shalt  }
0x72: {  	_ =	shalt  }
0x73: {  	_ =	shalt  }
0x74: {  	_ =	shalt  }
0x75: {  	_ =	shalt  }
0x76: {  	_ =	shalt  }
0x77: {  	_ =	shalt  }
0x78: {  	_ =	shalt  }
0x79: {  	_ =	shalt  }
0x7a: {  	_ =	shalt  }
0x7b: {  	_ =	shalt  }
0x7c: {  	_ =	shalt  }
0x7d: {  	_ =	shalt  }
0x7e: {  	_ =	shalt  }
0x7f: {  	_ =	shalt  }
0x80: {  	_ =	shalt  }
0x81: {  	_ =	shalt  }
0x82: {  	_ =	shalt  }
0x83: {  	_ =	shalt  }
0x84: {  	_ =	shalt  }
0x85: {  	_ =	shalt  }
0x86: {  	_ =	shalt  }
0x87: {  	_ =	shalt  }
.Lfunc_end0:
.L_simem_size_0:
called_computation_lowered:
.L_overlay_start_0:
0x88: {  	s2 =	sld [smem:$0x3FD9]  }
0x89: {  	s3 =	sld [smem:$0x3FFE];
	_ =	sdelay $0x1  }
0x8a: {  	s1 =	srdreg.scid  }
0x8b: {  	s0 =	sand.u32 $0x1, s1  }
0x8c: {  	s17 =	sshll.u32 s0, $0xA;
	s2 =	sadd.s32 s3, s2  }
0x8d: {  	s2 =	sadd.s32 s2, s17  }
0x8e: {  	[smem:$0x3FC3] =	sst s2  }
0x8f: {  	_ = 	snop  }
0x90: {  	s2 =	sld [smem:$0x3FC9]  }
0x91: {  	s18 =	sld [smem:$0x3FC7];
	(tm) =	ssettm $0x1  }
0x92: {  	s4 =	sld [smem:$0x3FFB];
	_ =	sdelay $0x3  }
0x93: {  	_ =	strace s4  }
0x94: {  	s4 =	sld [smem:$0x3FFC];
	_ =	sdelay $0x3  }
0x95: {  	_ =	strace s4  }
0x96: {  	s4 =	sld [smem:$0x3FFD];
	_ =	sdelay $0x3  }
0x97: {  	_ =	strace s4  }
0x98: {  	_ =	strace $0x8FFFFFFF  }
0x99: {  	s19 =	sld [smem:$0x3FDB];
	_ =	sdelay $0x1  }
0x9a: {  	s5 =	simm.s32 $_scs_section_size  }
0x9b: {  	s6 =	simm.s32 $_size__tile_overlayer_lowered;
	s7 =	simm.s32 $_tile_overlayer_lowered  }
0x9c: {  	s22 =	simm.s32 $0x1BFF;
	s21 =	sshll.u32 s7, $0x1;
	s4 =	sadd.s32 s5, s19  }
0x9d: {  	s8 =	simm.s32 $0x0;
	s20 =	sshll.u32 s6, $0x1;
	s6 =	sadd.s32 s21, s4  }
0x9e: {  	[timem:s8], [sflag:s22] =	dma.local [hbm:s6], s20  }
0x9f: {  	_ =	swait.ge [sflag:s22], s20  }
0xa0: {  	s5 =	ssub.s32 $0x0, s20;
	[sflag:s22] =	ssyncset.done $0x0  }
0xa1: {  	[sflag:s22] =	ssyncadd.s32 s5;
	_ =	sdelay $0x1  }
0xa2: {  	s23 =	simm.s32 $0x1B8B  }
0xa3: {  	_ =	swait.ge [sflag:s23], $0x1  }
0xa4: {  	[sflag:s23] =	ssyncset.done $0x0  }
0xa5: {  	s25 =	simm.s32 $0x1B8E;
	s24 =	sld [smem:$0x3FFE];
	[sflag:s23] =	ssyncadd.s32 $0xFFFFFFFF  }
0xa6: {  	s26 =	simm.s32 $execute0_lowered;
	[smem:$0x3FD2] =	sst s25  }
0xa7: {  	s6 =	sshll.u32 s26, $0x1;
	_ =	strace $0x80000046;
	[dreg:$0x1] =	wrdreg $0xFFFFFFFF  }
0xa8: {  	s28 =	simm.s32 $_size_execute0_lowered;
	s4 =	sadd.s32 s4, s6;
	[dreg:$0x0] =	wrdreg $0x0  }
0xa9: {  	s6 =	sshll.u32 s28, $0x1;
	[dreg:$0x2] =	wrdreg s4  }
0xaa: {  	[dreg:$0x3] =	wrdreg s6  }
0xab: {  	[dreg:$0x4] =	wrdreg $0xC0  }
0xac: {  	_ =	task [dreg:s8], $0x5FFFF  }
0xad: {  	[dreg:$0x1] =	wrdreg $0xFFFFFFFF  }
0xae: {  	[dreg:$0x0] =	wrdreg $0x60  }
0xaf: {  	[dreg:$0x2] =	wrdreg s2  }
0xb0: {  	[dreg:$0x3] =	wrdreg s24  }
0xb1: {  	[dreg:$0x4] =	wrdreg s18  }
0xb2: {  	[dreg:$0x5] =	wrdreg $0x9  }
0xb3: {  	_ =	task.clear_ibuf [dreg:s8], $0x6FFFF;
	_ =	strace $0x90000046  }
0xb4: {  	s29 =	simm.s32 $0x9;
	_ =	strace $0x80000048  }
0xb5: {  	_ =	swait.ge [sflag:s29], $0x1  }
0xb6: {  	[sflag:s29] =	ssyncadd.s32 $0xFFFFFFFF  }
0xb7: {  	_ =	strace $0x90000048  }
0xb8: {  	_ =	sfence  }
0xb9: {  	s30 =	sld [smem:$0x0];
	_ =	sdelay $0x2  }
0xba: {  	s31 =	sshll.u32 s1, $0xD;
	s1 =	sshrl.u32 s1, $0x2  }
0xbb: {  	s3 =	sand.u32 $0x4000, s31;
	s1 =	sadd.s32 s1, s30  }
0xbc: {  	s0 =	sor.u32 s3, s0;
	s1 =	sshll.u32 s1, $0x11  }
0xbd: {  	s0 =	sor.u32 s1, s0  }
0xbe: {  	s0 =	sadd.s32 $0x8F2B, s0  }
0xbf: {  	[sflag:s0] =	ssyncadd.remote.s32 $0x1  }
0xc0: {  	_ =	sfence.sel $0xFFFF  }
0xc1: {  	[dreg:$0x0] =	wrdreg $0xFFFFFFFF;
	(pc) =	sbr.abs _section_cstart, $3  }
0xc2: {  	[dreg:$0x1] =	wrdreg $0xFFFFFFFF  }
0xc3: {  	_ =	task.clear_ibuf [dreg:s8], $0x2FFFF;
	_ =	strace $0x9FFFFFFF  }
0xc4: {  	(tm) =	ssettm $0x7FFFFFFF  }
0xc5: {  	_ =	shalt  }
tec
execute0_lowered:
.L_overlay_start_1:
0x0: {  	(tag) =	ssettag $0x1  }
0x1: {  	s0 =	rddreg [dreg:$0x0]  }
0x2: {  	s1 =	rddreg [dreg:$0x1]  }
0x3: {  	s2 =	rddreg [dreg:$0x2]  }
0x4: {  	s3 =	srdreg.scid;
	s7 =	stileid.u32;
	s14 =	simm.s32 $0x3  }
0x5: {  	s28 =	simm.s32 $0x13900;
	s29 =	simm.s32 $0x14100;
	s30 =	simm.s32 $0x14900  }
0x6: {  	s31 =	simm.s32 $0x15100;
	s12 =	simm.s32 $0x16900;
	s13 =	simm.s32 $0x17100  }
0x7: {  	s10 =	simm.s32 $0x0;
	s4 =	sand.u32 $0x1, s3;
	s3 =	simm.s32 $0x0  }
0x8: {  	s5 =	sshll.u32 s7, $0x9;
	s20 =	sshrl.u32 s7, $0x2;
	s9 =	sadd.s32 $0xC00, s1  }
0x9: {  	s6 =	sshll.u32 s4, $0x8;
	[smem:$0x7FF] =	sst s3;
	s8 =	sshll.u32 s20, $0xD  }
0xa: {  	s4 =	ssub.s32 $0x2, s4;
	s5 =	sor.u32 s6, s5;
	_ =	strace $0x80000047  }
0xb: {  	[dreg:$0x4] =	wrdreg s9;
	s6 =	sshll.u32 s20, $0x7;
	s22 =	sshrl.u32 s4, $0x1  }
0xc: {  	s21 =	sshll.u32 s5, $0x2;
	s5 =	sshll.u32 s5, $0x1;
	s4 =	ssub.s32 s4, s22  }
0xd: {  	s7 =	ssub.s32 s21, s8;
	s1 =	sadd.s32 s5, s1;
	s26 =	smax.u32 s4, $0x1  }
0xe: {  	s4 =	simm.s32 $0x17900;
	s5 =	simm.s32 $0x1;
	s8 =	simm.s32 $0x2  }
0xf: {  	s6 =	sor.u32 s6, s7;
	s7 =	sadd.s32 $0x200, s2;
	s23 =	sadd.s32 $0xE00, s1  }
.Ltmp0:
0x10: {  	s24 =	sadd.s32 $0x4E00, s1;
	[dreg:$0x9] =	wrdreg s26;
	(pc) =	sbr.rel .LBB2_1-.Ltmp0, $4  }
0x11: {  	s25 =	sadd.s32 $0x8E00, s1;
	s26 =	simm.s32 $0x13100;
	[dreg:$0x6] =	wrdreg s23  }
0x12: {  	v2 =	vlaneseq.u32;
	s1 =	simm.s32 $0x16100;
	s6 =	sshrl.u32 s6, $0x3;
	[dreg:$0x7] =	wrdreg s24  }
0x13: {  	vm0 =	vmmov $0xffff;
	v1 =	vshrl.u32 v2, $0x3;
	[dreg:$0x8] =	wrdreg s25;
	s25 =	simm.s32 $0x12900;
	s0 =	sadd.s32 s0, s6  }
0x14: {  	v0 =	vand.u32 $0x7, v2;
	v2 =	vor.u32 $0x8, v2;
	v1 =	vmul.u32 $0x8, v1;
	s6 =	sadd.s32 $0x100, s2;
	[dreg:$0x5] =	wrdreg s0;
	s0 =	simm.s32 $0x15900  }
.LBB2_18:
0x15: {  	s9 =	rddreg [dreg:$0x6];
	s10 =	simm.s32 $0x18100;
	s14 =	simm.s32 $0x3  }
0x16: {  	[hbm4b:s9+s3] =	stream.linear.scatter [tilespmem:s10], [sflag:$0x3], $0x1000, $0x38;
	[tilespmem:$0x1BD00] =	vst v63  }
0x17: {  	_ =	swait.ge [sflag:s14], $0x1000  }
0x18: {  	[sflag:s14] =	ssyncset.done $0x0  }
0x19: {  	s20 =	simm.s32 $0x19100;
	s19 =	rddreg [dreg:$0x7];
	[sflag:s14] =	ssyncadd.s32 $0xFFFFF000  }
0x1a: {  	[hbm4b:s19+s3] =	stream.linear.scatter [tilespmem:s20], [sflag:$0x3], $0x1000, $0x38;
	[tilespmem:$0x1BD00] =	vst v63  }
0x1b: {  	_ =	swait.ge [sflag:s14], $0x1000  }
0x1c: {  	[sflag:s14] =	ssyncset.done $0x0  }
0x1d: {  	s22 =	simm.s32 $0x1A100;
	s21 =	rddreg [dreg:$0x8];
	[sflag:s14] =	ssyncadd.s32 $0xFFFFF000  }
0x1e: {  	[hbm4b:s21+s3] =	stream.linear.scatter [tilespmem:s22], [sflag:$0x3], $0x1000, $0x38;
	[tilespmem:$0x1BD00] =	vst v63  }
0x1f: {  	_ =	swait.ge [sflag:s14], $0x1000  }
0x20: {  	s23 =	rddreg [dreg:$0xa]  }
0x21: {  	s24 =	rddreg [dreg:$0x9];
	s10 =	sadd.s32 $0x1, s23  }
0x22: {  	p0 =	sne.s32 s10, s24  }
.Ltmp1:
0x23: {  	_ = 	snop;
	(pc) =	sbr.rel @!p0 .LBB2_19-.Ltmp1, $3  }
0x24: {  	_ =	sdelay $0x1  }
0x25: {  	[sflag:s14] =	ssyncset.done $0x0  }
0x26: {  	[sflag:s14] =	ssyncadd.s32 $0xFFFFF000  }
.LBB2_1:
0x27: {  	[dreg:$0xa] =	wrdreg s10  }
0x28: {  	s9 =	rddreg [dreg:$0x5];
	s21 =	simm.s32 $0x80;
	s11 =	simm.s32 $0x200  }
0x29: {  	[tilespmem:s3], [sflag:$0x3] =	stream.strided.gather [hbm4b:s9+s21], $0x100, s11, s21, $0x38;
	[tilespmem:$0x1BD00] =	vst v63  }
0x2a: {  	_ =	swait.ge [sflag:s14], $0x100  }
0x2b: {  	[sflag:s14] =	ssyncset.done $0x0  }
0x2c: {  	[sflag:s14] =	ssyncadd.s32 $0xFFFFFF00  }
0x2d: {  	v3 =	vld [tilespmem:$0x0];
	_ =	sdelay $0x4  }
0x2e: {  	v4 =	vshrl.u32 v3, $0x3  }
0x2f: {  	v4 =	vmul.u32 $0x30, v4  }
0x30: {  	v3 =	vand.u32 $0x7, v3  }
0x31: {  	v3 =	vor.u32 v3, v4  }
0x32: {  	v4 =	vperm.xlane v3, v0;
	_ =	sdelay $0x1  }
0x33: {  	v4 =	vadd.s32 v1, v4;
	_ =	sdelay $0x3  }
0x34: {  	s22 =	simm.s32 $0x100;
	v3 =	vperm.xlane v3, v2  }
0x35: {  	[tilespmem:s22], [sflag:$0x1] =	stream.indirect_vreg.gather [hbm4b:s2+s3], $0x80, v4, vm0, $0xb8;
	[tilespmem:$0x1BD00] =	vst v63  }
0x36: {  	s23 =	simm.s32 $0x900;
	v3 =	vadd.s32 v1, v3  }
0x37: {  	[tilespmem:s23], [sflag:$0x1] =	stream.indirect_vreg.gather [hbm4b:s6+s3], $0x80, v4, vm0, $0xb8;
	[tilespmem:$0x1BD00] =	vst v63  }
0x38: {  	s24 =	simm.s32 $0x1100  }
0x39: {  	[tilespmem:s24], [sflag:$0x1] =	stream.indirect_vreg.gather [hbm4b:s7+s3], $0x80, v4, vm0, $0xb8;
	[tilespmem:$0x1BD00] =	vst v63  }
0x3a: {  	s10 =	simm.s32 $0x1900  }
0x3b: {  	[tilespmem:s10], [sflag:$0x1] =	stream.indirect_vreg.gather [hbm4b:s2+s3], $0x80, v3, vm0, $0xb8;
	[tilespmem:$0x1BD00] =	vst v63  }
0x3c: {  	s11 =	simm.s32 $0x2100  }
0x3d: {  	[tilespmem:s11], [sflag:$0x1] =	stream.indirect_vreg.gather [hbm4b:s6+s3], $0x80, v3, vm0, $0xb8;
	[tilespmem:$0x1BD00] =	vst v63  }
0x3e: {  	s15 =	simm.s32 $0x2900  }
0x3f: {  	[tilespmem:s15], [sflag:$0x1] =	stream.indirect_vreg.gather [hbm4b:s7+s3], $0x80, v3, vm0, $0xb8;
	[tilespmem:$0x1BD00] =	vst v63  }
0x40: {  	v3 =	vld [tilespmem:$0x10];
	_ =	sdelay $0x4  }
0x41: {  	v57 =	vshrl.u32 v3, $0x3  }
0x42: {  	v4 =	vmul.u32 $0x30, v57  }
0x43: {  	v3 =	vand.u32 $0x7, v3  }
0x44: {  	v3 =	vor.u32 v3, v4  }
0x45: {  	v4 =	vperm.xlane v3, v0;
	_ =	sdelay $0x1  }
0x46: {  	v4 =	vadd.s32 v1, v4;
	_ =	sdelay $0x3  }
0x47: {  	s16 =	simm.s32 $0x3100;
	v3 =	vperm.xlane v3, v2  }
0x48: {  	[tilespmem:s16], [sflag:$0x1] =	stream.indirect_vreg.gather [hbm4b:s2+s3], $0x80, v4, vm0, $0xb8;
	[tilespmem:$0x1BD00] =	vst v63  }
0x49: {  	s17 =	simm.s32 $0x3900;
	v3 =	vadd.s32 v1, v3  }
0x4a: {  	[tilespmem:s17], [sflag:$0x1] =	stream.indirect_vreg.gather [hbm4b:s6+s3], $0x80, v4, vm0, $0xb8;
	[tilespmem:$0x1BD00] =	vst v63  }
0x4b: {  	s18 =	simm.s32 $0x4100  }
0x4c: {  	[tilespmem:s18], [sflag:$0x1] =	stream.indirect_vreg.gather [hbm4b:s7+s3], $0x80, v4, vm0, $0xb8;
	[tilespmem:$0x1BD00] =	vst v63  }
0x4d: {  	s19 =	simm.s32 $0x4900  }
0x4e: {  	[tilespmem:s19], [sflag:$0x1] =	stream.indirect_vreg.gather [hbm4b:s2+s3], $0x80, v3, vm0, $0xb8;
	[tilespmem:$0x1BD00] =	vst v63  }
0x4f: {  	s20 =	simm.s32 $0x5100  }
0x50: {  	[tilespmem:s20], [sflag:$0x1] =	stream.indirect_vreg.gather [hbm4b:s6+s3], $0x80, v3, vm0, $0xb8;
	[tilespmem:$0x1BD00] =	vst v63  }
0x51: {  	s21 =	simm.s32 $0x5900  }
0x52: {  	[tilespmem:s21], [sflag:$0x1] =	stream.indirect_vreg.gather [hbm4b:s7+s3], $0x80, v3, vm0, $0xb8;
	[tilespmem:$0x1BD00] =	vst v63  }
0x53: {  	v3 =	vld [tilespmem:$0x20];
	_ =	sdelay $0x4  }
0x54: {  	v58 =	vshrl.u32 v3, $0x3  }
0x55: {  	v4 =	vmul.u32 $0x30, v58  }
0x56: {  	v3 =	vand.u32 $0x7, v3  }
0x57: {  	v3 =	vor.u32 v3, v4  }
0x58: {  	v4 =	vperm.xlane v3, v0;
	_ =	sdelay $0x1  }
0x59: {  	v4 =	vadd.s32 v1, v4;
	_ =	sdelay $0x3  }
0x5a: {  	s22 =	simm.s32 $0x6100;
	v3 =	vperm.xlane v3, v2  }
0x5b: {  	[tilespmem:s22], [sflag:$0x1] =	stream.indirect_vreg.gather [hbm4b:s2+s3], $0x80, v4, vm0, $0xb8;
	[tilespmem:$0x1BD00] =	vst v63  }
0x5c: {  	s23 =	simm.s32 $0x6900;
	v3 =	vadd.s32 v1, v3  }
0x5d: {  	[tilespmem:s23], [sflag:$0x1] =	stream.indirect_vreg.gather [hbm4b:s6+s3], $0x80, v4, vm0, $0xb8;
	[tilespmem:$0x1BD00] =	vst v63  }
0x5e: {  	s24 =	simm.s32 $0x7100  }
0x5f: {  	[tilespmem:s24], [sflag:$0x1] =	stream.indirect_vreg.gather [hbm4b:s7+s3], $0x80, v4, vm0, $0xb8;
	[tilespmem:$0x1BD00] =	vst v63  }
0x60: {  	s10 =	simm.s32 $0x7900  }
0x61: {  	[tilespmem:s10], [sflag:$0x1] =	stream.indirect_vreg.gather [hbm4b:s2+s3], $0x80, v3, vm0, $0xb8;
	[tilespmem:$0x1BD00] =	vst v63  }
0x62: {  	s11 =	simm.s32 $0x8100  }
0x63: {  	[tilespmem:s11], [sflag:$0x1] =	stream.indirect_vreg.gather [hbm4b:s6+s3], $0x80, v3, vm0, $0xb8;
	[tilespmem:$0x1BD00] =	vst v63  }
0x64: {  	s15 =	simm.s32 $0x8900  }
0x65: {  	[tilespmem:s15], [sflag:$0x1] =	stream.indirect_vreg.gather [hbm4b:s7+s3], $0x80, v3, vm0, $0xb8;
	[tilespmem:$0x1BD00] =	vst v63  }
0x66: {  	v3 =	vld [tilespmem:$0x30];
	_ =	sdelay $0x4  }
0x67: {  	v59 =	vshrl.u32 v3, $0x3  }
0x68: {  	v4 =	vmul.u32 $0x30, v59  }
0x69: {  	v3 =	vand.u32 $0x7, v3  }
0x6a: {  	v3 =	vor.u32 v3, v4  }
0x6b: {  	v4 =	vperm.xlane v3, v0;
	_ =	sdelay $0x1  }
0x6c: {  	v4 =	vadd.s32 v1, v4;
	_ =	sdelay $0x3  }
0x6d: {  	s16 =	simm.s32 $0x9100;
	v3 =	vperm.xlane v3, v2  }
0x6e: {  	[tilespmem:s16], [sflag:$0x1] =	stream.indirect_vreg.gather [hbm4b:s2+s3], $0x80, v4, vm0, $0xb8;
	[tilespmem:$0x1BD00] =	vst v63  }
0x6f: {  	s17 =	simm.s32 $0x9900;
	v3 =	vadd.s32 v1, v3  }
0x70: {  	[tilespmem:s17], [sflag:$0x1] =	stream.indirect_vreg.gather [hbm4b:s6+s3], $0x80, v4, vm0, $0xb8;
	[tilespmem:$0x1BD00] =	vst v63  }
0x71: {  	s18 =	simm.s32 $0xA100  }
0x72: {  	[tilespmem:s18], [sflag:$0x1] =	stream.indirect_vreg.gather [hbm4b:s7+s3], $0x80, v4, vm0, $0xb8;
	[tilespmem:$0x1BD00] =	vst v63  }
0x73: {  	s19 =	simm.s32 $0xA900  }
0x74: {  	[tilespmem:s19], [sflag:$0x1] =	stream.indirect_vreg.gather [hbm4b:s2+s3], $0x80, v3, vm0, $0xb8;
	[tilespmem:$0x1BD00] =	vst v63  }
0x75: {  	s20 =	simm.s32 $0xB100  }
0x76: {  	[tilespmem:s20], [sflag:$0x1] =	stream.indirect_vreg.gather [hbm4b:s6+s3], $0x80, v3, vm0, $0xb8;
	[tilespmem:$0x1BD00] =	vst v63  }
0x77: {  	s21 =	simm.s32 $0xB900  }
0x78: {  	[tilespmem:s21], [sflag:$0x1] =	stream.indirect_vreg.gather [hbm4b:s7+s3], $0x80, v3, vm0, $0xb8;
	[tilespmem:$0x1BD00] =	vst v63  }
0x79: {  	v3 =	vld [tilespmem:$0x40];
	_ =	sdelay $0x4  }
0x7a: {  	v60 =	vshrl.u32 v3, $0x3  }
0x7b: {  	v4 =	vmul.u32 $0x30, v60  }
0x7c: {  	v3 =	vand.u32 $0x7, v3  }
0x7d: {  	v3 =	vor.u32 v3, v4  }
0x7e: {  	v4 =	vperm.xlane v3, v0;
	_ =	sdelay $0x1  }
0x7f: {  	v4 =	vadd.s32 v1, v4;
	_ =	sdelay $0x3  }
0x80: {  	s22 =	simm.s32 $0xC100;
	v3 =	vperm.xlane v3, v2  }
0x81: {  	[tilespmem:s22], [sflag:$0x2] =	stream.indirect_vreg.gather [hbm4b:s2+s3], $0x80, v4, vm0, $0xb8;
	[tilespmem:$0x1BD00] =	vst v63  }
0x82: {  	s23 =	simm.s32 $0xC900;
	v3 =	vadd.s32 v1, v3  }
0x83: {  	[tilespmem:s23], [sflag:$0x2] =	stream.indirect_vreg.gather [hbm4b:s6+s3], $0x80, v4, vm0, $0xb8;
	[tilespmem:$0x1BD00] =	vst v63  }
0x84: {  	s24 =	simm.s32 $0xD100  }
0x85: {  	[tilespmem:s24], [sflag:$0x2] =	stream.indirect_vreg.gather [hbm4b:s7+s3], $0x80, v4, vm0, $0xb8;
	[tilespmem:$0x1BD00] =	vst v63  }
0x86: {  	s10 =	simm.s32 $0xD900  }
0x87: {  	[tilespmem:s10], [sflag:$0x2] =	stream.indirect_vreg.gather [hbm4b:s2+s3], $0x80, v3, vm0, $0xb8;
	[tilespmem:$0x1BD00] =	vst v63  }
0x88: {  	s11 =	simm.s32 $0xE100  }
0x89: {  	[tilespmem:s11], [sflag:$0x2] =	stream.indirect_vreg.gather [hbm4b:s6+s3], $0x80, v3, vm0, $0xb8;
	[tilespmem:$0x1BD00] =	vst v63  }
0x8a: {  	s15 =	simm.s32 $0xE900  }
0x8b: {  	[tilespmem:s15], [sflag:$0x2] =	stream.indirect_vreg.gather [hbm4b:s7+s3], $0x80, v3, vm0, $0xb8;
	[tilespmem:$0x1BD00] =	vst v63  }
0x8c: {  	v3 =	vld [tilespmem:$0x50];
	_ =	sdelay $0x4  }
0x8d: {  	v61 =	vshrl.u32 v3, $0x3  }
0x8e: {  	v4 =	vmul.u32 $0x30, v61  }
0x8f: {  	v3 =	vand.u32 $0x7, v3  }
0x90: {  	v3 =	vor.u32 v3, v4  }
0x91: {  	v4 =	vperm.xlane v3, v0;
	_ =	sdelay $0x1  }
0x92: {  	v4 =	vadd.s32 v1, v4;
	_ =	sdelay $0x3  }
0x93: {  	s16 =	simm.s32 $0xF100;
	v3 =	vperm.xlane v3, v2  }
0x94: {  	[tilespmem:s16], [sflag:$0x2] =	stream.indirect_vreg.gather [hbm4b:s2+s3], $0x80, v4, vm0, $0xb8;
	[tilespmem:$0x1BD00] =	vst v63  }
0x95: {  	s17 =	simm.s32 $0xF900;
	v3 =	vadd.s32 v1, v3  }
0x96: {  	[tilespmem:s17], [sflag:$0x2] =	stream.indirect_vreg.gather [hbm4b:s6+s3], $0x80, v4, vm0, $0xb8;
	[tilespmem:$0x1BD00] =	vst v63  }
0x97: {  	s18 =	simm.s32 $0x10100  }
0x98: {  	[tilespmem:s18], [sflag:$0x2] =	stream.indirect_vreg.gather [hbm4b:s7+s3], $0x80, v4, vm0, $0xb8;
	[tilespmem:$0x1BD00] =	vst v63  }
0x99: {  	s19 =	simm.s32 $0x10900  }
0x9a: {  	[tilespmem:s19], [sflag:$0x2] =	stream.indirect_vreg.gather [hbm4b:s2+s3], $0x80, v3, vm0, $0xb8;
	[tilespmem:$0x1BD00] =	vst v63  }
0x9b: {  	s20 =	simm.s32 $0x11100  }
0x9c: {  	[tilespmem:s20], [sflag:$0x2] =	stream.indirect_vreg.gather [hbm4b:s6+s3], $0x80, v3, vm0, $0xb8;
	[tilespmem:$0x1BD00] =	vst v63  }
0x9d: {  	s21 =	simm.s32 $0x11900  }
0x9e: {  	[tilespmem:s21], [sflag:$0x2] =	stream.indirect_vreg.gather [hbm4b:s7+s3], $0x80, v3, vm0, $0xb8;
	[tilespmem:$0x1BD00] =	vst v63  }
0x9f: {  	v3 =	vld [tilespmem:$0x60];
	_ =	sdelay $0x4  }
0xa0: {  	v62 =	vshrl.u32 v3, $0x3  }
0xa1: {  	v4 =	vmul.u32 $0x30, v62  }
0xa2: {  	v3 =	vand.u32 $0x7, v3  }
0xa3: {  	v3 =	vor.u32 v3, v4  }
0xa4: {  	v4 =	vperm.xlane v3, v0;
	_ =	sdelay $0x1  }
0xa5: {  	v4 =	vadd.s32 v1, v4;
	_ =	sdelay $0x3  }
0xa6: {  	s22 =	simm.s32 $0x12100;
	v3 =	vperm.xlane v3, v2  }
0xa7: {  	[tilespmem:s22], [sflag:$0x2] =	stream.indirect_vreg.gather [hbm4b:s2+s3], $0x80, v4, vm0, $0xb8;
	[tilespmem:$0x1BD00] =	vst v63  }
0xa8: {  	v3 =	vadd.s32 v1, v3  }
0xa9: {  	[tilespmem:s25], [sflag:$0x2] =	stream.indirect_vreg.gather [hbm4b:s6+s3], $0x80, v4, vm0, $0xb8;
	[tilespmem:$0x1BD00] =	vst v63  }
0xaa: {  	_ = 	snop  }
0xab: {  	[tilespmem:s26], [sflag:$0x2] =	stream.indirect_vreg.gather [hbm4b:s7+s3], $0x80, v4, vm0, $0xb8;
	[tilespmem:$0x1BD00] =	vst v63  }
0xac: {  	_ = 	snop  }
0xad: {  	[tilespmem:s28], [sflag:$0x2] =	stream.indirect_vreg.gather [hbm4b:s2+s3], $0x80, v3, vm0, $0xb8;
	[tilespmem:$0x1BD00] =	vst v63  }
0xae: {  	_ = 	snop  }
0xaf: {  	[tilespmem:s29], [sflag:$0x2] =	stream.indirect_vreg.gather [hbm4b:s6+s3], $0x80, v3, vm0, $0xb8;
	[tilespmem:$0x1BD00] =	vst v63  }
0xb0: {  	_ = 	snop  }
0xb1: {  	[tilespmem:s30], [sflag:$0x2] =	stream.indirect_vreg.gather [hbm4b:s7+s3], $0x80, v3, vm0, $0xb8;
	[tilespmem:$0x1BD00] =	vst v63  }
0xb2: {  	v3 =	vld [tilespmem:$0x70];
	_ =	sdelay $0x4  }
0xb3: {  	v63 =	vshrl.u32 v3, $0x3  }
0xb4: {  	v4 =	vmul.u32 $0x30, v63  }
0xb5: {  	v3 =	vand.u32 $0x7, v3  }
0xb6: {  	v3 =	vor.u32 v3, v4  }
0xb7: {  	v4 =	vperm.xlane v3, v0;
	_ =	sdelay $0x1  }
0xb8: {  	v4 =	vadd.s32 v1, v4;
	_ =	sdelay $0x3  }
0xb9: {  	v3 =	vperm.xlane v3, v2  }
0xba: {  	[tilespmem:s31], [sflag:$0x2] =	stream.indirect_vreg.gather [hbm4b:s2+s3], $0x80, v4, vm0, $0xb8;
	[tilespmem:$0x1BD00] =	vst v63  }
0xbb: {  	v3 =	vadd.s32 v1, v3  }
0xbc: {  	[tilespmem:s0], [sflag:$0x2] =	stream.indirect_vreg.gather [hbm4b:s6+s3], $0x80, v4, vm0, $0xb8;
	[tilespmem:$0x1BD00] =	vst v63  }
0xbd: {  	_ = 	snop  }
0xbe: {  	[tilespmem:s1], [sflag:$0x2] =	stream.indirect_vreg.gather [hbm4b:s7+s3], $0x80, v4, vm0, $0xb8;
	[tilespmem:$0x1BD00] =	vst v63  }
0xbf: {  	_ = 	snop  }
0xc0: {  	[tilespmem:s12], [sflag:$0x2] =	stream.indirect_vreg.gather [hbm4b:s2+s3], $0x80, v3, vm0, $0xb8;
	[tilespmem:$0x1BD00] =	vst v63  }
0xc1: {  	_ = 	snop  }
0xc2: {  	[tilespmem:s13], [sflag:$0x2] =	stream.indirect_vreg.gather [hbm4b:s6+s3], $0x80, v3, vm0, $0xb8;
	[tilespmem:$0x1BD00] =	vst v63  }
0xc3: {  	_ = 	snop  }
0xc4: {  	[tilespmem:s4], [sflag:$0x2] =	stream.indirect_vreg.gather [hbm4b:s7+s3], $0x80, v3, vm0, $0xb8;
	[tilespmem:$0x1BD00] =	vst v63  }
0xc5: {  	s23 =	rddreg [dreg:$0x4];
	s24 =	simm.s32 $0x1B100  }
0xc6: {  	[tilespmem:s24], [sflag:$0x3] =	stream.linear.gather [hbm4b:s23+s3], $0xC00, $0x38;
	[tilespmem:$0x1BD00] =	vst v63  }
0xc7: {  	_ =	swait.ge [sflag:s14], $0xC00  }
0xc8: {  	[sflag:s14] =	ssyncset.done $0x0  }
0xc9: {  	p0 =	por $0x1, $0x1;
	s9 =	simm.s32 $0x0;
	[sflag:s14] =	ssyncadd.s32 $0xFFFFF400  }
.LBB2_2:
0xca: {  	_ =	swait.ge [sflag:s5], $0xC000;
	s9 =	sshra.s32 s9, $0x2  }
0xcb: {  	[sflag:s5] =	ssyncset.done $0x0;
	s9 =	sadd.s32 $0x18100, s9  }
0xcc: {  	s10 =	simm.s32 $0x0;
	s11 =	simm.s32 $0x0;
	[sflag:s5] =	ssyncadd.s32 $0xFFFF4000;
	v3 =	vmov s9  }
.LBB2_3:
0xcd: {  	s19 =	simm.s32 $0x0  }
0xce: {  	s14 =	smul.u32 $0x6000, s11;
	s16 =	sand.u32 $0x60, s10;
	s19 =	sand.u32 $0x3FFFFE00, s19  }
0xcf: {  	s18 =	sor.u32 $0x10, s16;
	s19 =	sadd.s32 $0x1B100, s19  }
0xd0: {  	s15 =	simm.s32 $0x0;
	s14 =	sshra.s32 s14, $0x2;
	s21 =	sor.u32 s18, s19  }
0xd1: {  	s15 =	sand.u32 $0x3FFFFC00, s15;
	s14 =	sor.u32 $0x100, s14;
	v14 =	vld [tilespmem:s21+$0x80]  }
0xd2: {  	s15 =	sadd.s32 s15, s14;
	v38 =	vld [tilespmem:s21+$0x0]  }
0xd3: {  	v21 =	vld [tilespmem:s21+$0x100];
	s17 =	sadd.s32 s16, s15  }
0xd4: {  	v8 =	vld [tilespmem:s17+$0x80]  }
0xd5: {  	s15 =	sadd.s32 s18, s15;
	v12 =	vld [tilespmem:s17+$0x180]  }
0xd6: {  	v11 =	vld [tilespmem:s15+$0x100]  }
0xd7: {  	v6 =	vld [tilespmem:s15+$0x80]  }
0xd8: {  	s16 =	sor.u32 s16, s19;
	v19 =	vld [tilespmem:s17+$0x0]  }
0xd9: {  	v9 =	vld [tilespmem:s16+$0x100]  }
0xda: {  	v18 =	vld [tilespmem:s17+$0x100]  }
0xdb: {  	v20 =	vld [tilespmem:s16+$0x0]  }
0xdc: {  	v33 =	vld [tilespmem:s15+$0x180]  }
0xdd: {  	s22 =	simm.s32 $0x100;
	v22 =	vld [tilespmem:s16+$0x80]  }
0xde: {  	s23 =	simm.s32 $0x20;
	s18 =	sand.u32 $0x3FFFFC00, s22;
	v23 =	vmul.f32 v19, v9;
	v28 =	vmul.f32 v12, v9  }
0xdf: {  	s24 =	sand.u32 $0x60, s23;
	s20 =	sadd.s32 s18, s14;
	v26 =	vld [tilespmem:s15+$0x0];
	v4 =	vmul.f32 v8, v9;
	v7 =	vmul.f32 v11, v14  }
0xe0: {  	s22 =	sor.u32 $0x10, s24;
	s21 =	sadd.s32 s24, s20;
	v15 =	vmul.f32 v18, v20;
	v17 =	vmul.f32 v19, v20  }
0xe1: {  	s17 =	sadd.s32 s22, s20;
	v5 =	vld [tilespmem:s21+$0x80];
	v30 =	vmul.f32 v11, v38;
	v32 =	vmul.f32 v33, v21  }
0xe2: {  	s23 =	simm.s32 $0x80;
	v10 =	vld [tilespmem:s17+$0x100];
	v34 =	vmul.f32 v12, v22;
	v35 =	vmul.f32 v6, v21  }
0xe3: {  	s19 =	sand.u32 $0x3FFFFE00, s23;
	v16 =	vld [tilespmem:s17+$0x80];
	v36 =	vmul.f32 v8, v20;
	v25 =	vmul.f32 v11, v21  }
0xe4: {  	v13 =	vimm.f32 $0.0e+00;
	s19 =	sadd.s32 $0x1B100, s19;
	v8 =	vmul.f32 v8, v22;
	v40 =	vmul.f32 v26, v21;
	v11 =	vld [tilespmem:s21+$0x0]  }
0xe5: {  	s24 =	sor.u32 s24, s19;
	v37 =	vmul.f32 v19, v22;
	v27 =	vmul.f32 v18, v22;
	v19 =	vld [tilespmem:s17+$0x180];
	v29 =	vadd.f32 v4, v13  }
0xe6: {  	s16 =	sor.u32 s22, s19;
	v22 =	vld [tilespmem:s24+$0x100];
	v31 =	vadd.f32 v15, v13;
	v15 =	vmul.f32 v18, v9;
	v17 =	vadd.f32 v17, v13  }
0xe7: {  	v21 =	vld [tilespmem:s16+$0x80];
	v39 =	vadd.f32 v23, v13;
	v41 =	vadd.f32 v28, v13;
	v28 =	vmul.f32 v26, v38  }
0xe8: {  	v4 =	vld [tilespmem:s21+$0x180];
	v23 =	vmul.f32 v26, v14;
	v36 =	vadd.f32 v36, v13;
	v34 =	vadd.f32 v34, v13  }
0xe9: {  	v9 =	vld [tilespmem:s17+$0x0];
	v26 =	vmul.f32 v12, v20;
	v24 =	vadd.f32 v15, v13;
	v18 =	vadd.f32 v30, v31  }
0xea: {  	v20 =	vld [tilespmem:s24+$0x80];
	v31 =	vadd.f32 v8, v13;
	v29 =	vadd.f32 v35, v29;
	v35 =	vmul.f32 v33, v14  }
0xeb: {  	v15 =	vld [tilespmem:s21+$0x100];
	v30 =	vadd.f32 v37, v13;
	v37 =	vmul.f32 v6, v38;
	v12 =	vadd.f32 v32, v41  }
0xec: {  	s15 =	simm.s32 $0x40;
	s19 =	simm.s32 $0x2;
	v8 =	vld [tilespmem:s24+$0x0];
	v32 =	vadd.f32 v26, v13;
	v26 =	vadd.f32 v40, v39;
	v33 =	vmul.f32 v33, v38  }
.LBB2_4:
0xed: {  	v36 =	vadd.f32 v37, v36;
	s17 =	smov.u32 s19  }
0xee: {  	s18 =	sshll.u32 s19, $0x7;
	s20 =	sshll.u32 s19, $0x8;
	v38 =	vld [tilespmem:s16+$0x0];
	v40 =	vmul.f32 v6, v14;
	v34 =	vadd.f32 v35, v34;
	v6 =	vmovc v16;
	v39 =	vmov v19;
	s17 =	sadd.s32 $0x1, s19  }
0xef: {  	v24 =	vadd.f32 v25, v24;
	s18 =	sand.u32 $0x3FFFFE00, s18;
	s20 =	sand.u32 $0x3FFFFC00, s20;
	v19 =	vmul.f32 v11, v22;
	v35 =	vmul.f32 v4, v22;
	v37 =	vld [tilespmem:s16+$0x100]  }
0xf0: {  	v13 =	vadd.f32 v27, v13;
	v16 =	vmul.f32 v5, v22;
	s16 =	sand.u32 $0x60, s15;
	s21 =	sadd.s32 $0x1B100, s18;
	s20 =	sadd.s32 s20, s14;
	v31 =	vadd.f32 v40, v31  }
0xf1: {  	v17 =	vadd.f32 v28, v17;
	v32 =	vadd.f32 v33, v32;
	s18 =	sor.u32 s16, s21;
	s22 =	sadd.s32 s16, s20;
	s23 =	sor.u32 $0x10, s16;
	v25 =	vmul.f32 v10, v21;
	v14 =	vmovc v21  }
0xf2: {  	p1 =	sne.s32 s19, $0x17;
	v13 =	vadd.f32 v7, v13;
	v29 =	vadd.f32 v16, v29;
	v16 =	vmul.f32 v15, v8;
	s16 =	sor.u32 s23, s21;
	s20 =	sadd.s32 s23, s20;
	v21 =	vld [tilespmem:s22+$0x80]  }
0xf3: {  	v30 =	vadd.f32 v23, v30;
	v27 =	vmul.f32 v11, v8;
	v28 =	vmul.f32 v10, v38;
	v7 =	vmovc v25;
	v33 =	vld [tilespmem:s22+$0x180]  }
0xf4: {  	v22 =	vmul.f32 v15, v22;
	v18 =	vadd.f32 v16, v18;
	v40 =	vld [tilespmem:s20+$0x100];
	v41 =	vmul.f32 v39, v37  }
0xf5: {  	v17 =	vadd.f32 v27, v17;
	v42 =	vmul.f32 v4, v20;
	v43 =	vmul.f32 v6, v37;
	v16 =	vld [tilespmem:s20+$0x80]  }
0xf6: {  	v45 =	vmul.f32 v5, v8;
	v24 =	vadd.f32 v22, v24;
	v25 =	vmul.f32 v10, v37;
	v44 =	vld [tilespmem:s20+$0x0]  }
0xf7: {  	v26 =	vadd.f32 v19, v26;
	v47 =	vmul.f32 v5, v20;
	v48 =	vmul.f32 v9, v37;
	v46 =	vld [tilespmem:s22+$0x100];
	v5 =	vmovc v21  }
0xf8: {  	v27 =	vmul.f32 v15, v20;
	v37 =	vmul.f32 v11, v20;
	v18 =	vadd.f32 v28, v18;
	v11 =	vld [tilespmem:s22+$0x0]  }
.Ltmp2:
0xf9: {  	v12 =	vadd.f32 v35, v12;
	v23 =	vmul.f32 v9, v14;
	v28 =	vmul.f32 v9, v38;
	v19 =	vld [tilespmem:s20+$0x180];
	v10 =	vmovc v40;
	(pc) =	sbr.rel @p1 .LBB2_4-.Ltmp2, $4  }
0xfa: {  	v31 =	vadd.f32 v47, v31;
	v29 =	vadd.f32 v43, v29;
	v40 =	vmul.f32 v4, v8;
	v4 =	vmovc v33;
	v22 =	vld [tilespmem:s18+$0x100]  }
0xfb: {  	v36 =	vadd.f32 v45, v36;
	v35 =	vmul.f32 v39, v14;
	v34 =	vadd.f32 v42, v34;
	v8 =	vld [tilespmem:s18+$0x0];
	v9 =	vmovc v44  }
0xfc: {  	v30 =	vadd.f32 v37, v30;
	v37 =	vmul.f32 v6, v38;
	v12 =	vadd.f32 v41, v12;
	v21 =	vld [tilespmem:s16+$0x80];
	v15 =	vmovc v46  }
0xfd: {  	s15 =	sadd.s32 $0x20, s15;
	s19 =	smov.u32 s17;
	v26 =	vadd.f32 v48, v26;
	v33 =	vmul.f32 v39, v38;
	v32 =	vadd.f32 v40, v32;
	v20 =	vld [tilespmem:s18+$0x80]  }
0xfe: {  	v36 =	vadd.f32 v37, v36  }
0xff: {  	v6 =	vmul.f32 v6, v14;
	v14 =	vadd.f32 v35, v34;
	v24 =	vadd.f32 v25, v24  }
0x100: {  	v13 =	vadd.f32 v27, v13;
	v17 =	vadd.f32 v28, v17;
	v53 =	vmul.f32 v11, v22  }
0x101: {  	v23 =	vadd.f32 v23, v30;
	v25 =	vmul.f32 v5, v22;
	v27 =	vmul.f32 v4, v22  }
0x102: {  	v52 =	vld [tilespmem:s16+$0x0];
	v22 =	vmul.f32 v15, v22;
	v6 =	vadd.f32 v6, v31;
	v31 =	vadd.f32 v33, v32  }
0x103: {  	v54 =	vld [tilespmem:s16+$0x100];
	v7 =	vadd.f32 v7, v13;
	v13 =	vmul.f32 v11, v8;
	v56 =	vmul.f32 v5, v8  }
0x104: {  	v28 =	vmul.f32 v10, v21;
	v25 =	vadd.f32 v25, v29;
	v29 =	vmul.f32 v15, v8  }
0x105: {  	v22 =	vadd.f32 v22, v24;
	v30 =	vmul.f32 v4, v20;
	v11 =	vmul.f32 v11, v20  }
0x106: {  	v24 =	vadd.f32 v53, v26;
	v5 =	vmul.f32 v5, v20;
	v15 =	vmul.f32 v15, v20  }
0x107: {  	v13 =	vadd.f32 v13, v17;
	v4 =	vmul.f32 v4, v8;
	v55 =	vmul.f32 v10, v52  }
0x108: {  	v18 =	vadd.f32 v29, v18;
	v29 =	vmul.f32 v19, v54;
	v26 =	vmul.f32 v9, v52  }
0x109: {  	v57 =	vmul.f32 v9, v54;
	v9 =	vmul.f32 v9, v21;
	v11 =	vadd.f32 v11, v23  }
0x10a: {  	s15 =	sshll.u32 s11, $0x7;
	v17 =	vmul.f32 v16, v54;
	v5 =	vadd.f32 v5, v6;
	v6 =	vadd.f32 v26, v13  }
0x10b: {  	s15 =	sand.u32 $0x3FFFFF80, s15;
	v20 =	vmul.f32 v16, v52;
	v13 =	vadd.f32 v56, v36;
	v9 =	vadd.f32 v9, v11  }
0x10c: {  	v16 =	vmul.f32 v16, v21;
	v11 =	vadd.f32 v57, v24;
	[tilespmem:v3+s15+$0x0 ss:$0x1] =	vst.idx.msk $0xffff, v6  }
0x10d: {  	v10 =	vmul.f32 v10, v54;
	v13 =	vadd.f32 v20, v13;
	[tilespmem:v3+s15+$0x1000 ss:$0x1] =	vst.idx.msk $0xffff, v9  }
0x10e: {  	v7 =	vadd.f32 v15, v7;
	v5 =	vadd.f32 v16, v5;
	[tilespmem:v3+s15+$0x2000 ss:$0x1] =	vst.idx.msk $0xffff, v11  }
0x10f: {  	v4 =	vadd.f32 v4, v31;
	v8 =	vadd.f32 v17, v25;
	[tilespmem:v3+s15+$0x10 ss:$0x1] =	vst.idx.msk $0xffff, v13  }
0x110: {  	v10 =	vadd.f32 v10, v22;
	v6 =	vadd.f32 v55, v18;
	[tilespmem:v3+s15+$0x1010 ss:$0x1] =	vst.idx.msk $0xffff, v5  }
0x111: {  	v7 =	vadd.f32 v28, v7;
	v5 =	vmul.f32 v19, v52;
	[tilespmem:v3+s15+$0x2010 ss:$0x1] =	vst.idx.msk $0xffff, v8  }
0x112: {  	v9 =	vadd.f32 v30, v14;
	v8 =	vmul.f32 v19, v21;
	[tilespmem:v3+s15+$0x20 ss:$0x1] =	vst.idx.msk $0xffff, v6  }
0x113: {  	v6 =	vadd.f32 v27, v12;
	[tilespmem:v3+s15+$0x1020 ss:$0x1] =	vst.idx.msk $0xffff, v7;
	v4 =	vadd.f32 v5, v4  }
0x114: {  	s21 =	simm.s32 $0x0;
	[tilespmem:v3+s15+$0x2020 ss:$0x1] =	vst.idx.msk $0xffff, v10;
	v5 =	vadd.f32 v8, v9  }
0x115: {  	s17 =	simm.s32 $0x0;
	s16 =	sand.u32 $0x3FFFFC00, s21;
	v6 =	vadd.f32 v29, v6;
	[tilespmem:v3+s15+$0x30 ss:$0x1] =	vst.idx.msk $0xffff, v4  }
0x116: {  	s17 =	sand.u32 $0x60, s17;
	s16 =	sadd.s32 s16, s14;
	[tilespmem:v3+s15+$0x1030 ss:$0x1] =	vst.idx.msk $0xffff, v5  }
0x117: {  	s18 =	sadd.s32 s17, s16;
	[tilespmem:v3+s15+$0x2030 ss:$0x1] =	vst.idx.msk $0xffff, v6  }
0x118: {  	s19 =	sor.u32 $0x10, s17;
	v9 =	vld [tilespmem:s18+$0x280]  }
0x119: {  	s16 =	sadd.s32 s19, s16;
	v12 =	vld [tilespmem:s18+$0x380]  }
0x11a: {  	s20 =	simm.s32 $0x0;
	v11 =	vld [tilespmem:s16+$0x300]  }
0x11b: {  	s20 =	sand.u32 $0x3FFFFE00, s20;
	v17 =	vld [tilespmem:s18+$0x300]  }
0x11c: {  	s20 =	sadd.s32 $0x1B100, s20;
	v19 =	vld [tilespmem:s18+$0x200]  }
0x11d: {  	s17 =	sor.u32 s17, s20;
	v58 =	vld [tilespmem:s16+$0x380]  }
0x11e: {  	v10 =	vld [tilespmem:s17+$0x100]  }
0x11f: {  	s22 =	sor.u32 s19, s20;
	v20 =	vld [tilespmem:s17+$0x0]  }
0x120: {  	v15 =	vld [tilespmem:s22+$0x80]  }
0x121: {  	v38 =	vld [tilespmem:s22+$0x0]  }
0x122: {  	v13 =	vld [tilespmem:s22+$0x100]  }
0x123: {  	s23 =	simm.s32 $0x100;
	v21 =	vld [tilespmem:s17+$0x80]  }
0x124: {  	s24 =	simm.s32 $0x20;
	s19 =	sand.u32 $0x3FFFFC00, s23;
	v5 =	vld [tilespmem:s16+$0x280];
	v22 =	vmul.f32 v19, v10;
	v26 =	vmul.f32 v12, v10  }
0x125: {  	s21 =	sadd.s32 s19, s14;
	s17 =	sand.u32 $0x60, s24;
	v4 =	vmul.f32 v9, v10;
	v8 =	vmul.f32 v11, v15  }
0x126: {  	v23 =	vld [tilespmem:s16+$0x200];
	s22 =	sadd.s32 s17, s21;
	s23 =	sor.u32 $0x10, s17;
	v16 =	vmul.f32 v17, v20;
	v18 =	vmul.f32 v19, v20  }
0x127: {  	v7 =	vld [tilespmem:s22+$0x280];
	s18 =	sadd.s32 s23, s21;
	v28 =	vmul.f32 v11, v38;
	v24 =	vmul.f32 v17, v10  }
0x128: {  	v6 =	vld [tilespmem:s18+$0x300];
	v59 =	vmul.f32 v58, v13;
	v60 =	vmul.f32 v12, v21  }
0x129: {  	s24 =	simm.s32 $0x80;
	v61 =	vmul.f32 v5, v13;
	v10 =	vld [tilespmem:s18+$0x200];
	v62 =	vmul.f32 v9, v20  }
0x12a: {  	v14 =	vimm.f32 $0.0e+00;
	s20 =	sand.u32 $0x3FFFFE00, s24;
	v25 =	vmul.f32 v11, v13;
	v11 =	vld [tilespmem:s22+$0x300];
	v9 =	vmul.f32 v9, v21  }
0x12b: {  	s20 =	sadd.s32 $0x1B100, s20;
	v40 =	vmul.f32 v23, v13;
	v13 =	vld [tilespmem:s22+$0x200];
	v63 =	vmul.f32 v19, v21;
	v29 =	vadd.f32 v4, v14  }
0x12c: {  	s17 =	sor.u32 s17, s20;
	v27 =	vmul.f32 v17, v21;
	v21 =	vld [tilespmem:s18+$0x380];
	v30 =	vadd.f32 v16, v14;
	v18 =	vadd.f32 v18, v14  }
0x12d: {  	v17 =	vld [tilespmem:s17+$0x100];
	v41 =	vmul.f32 v12, v20;
	v24 =	vadd.f32 v24, v14;
	v39 =	vadd.f32 v22, v14  }
0x12e: {  	v36 =	vmul.f32 v58, v15;
	v20 =	vld [tilespmem:s17+$0x80];
	v26 =	vadd.f32 v26, v14;
	v31 =	vadd.f32 v9, v14  }
0x12f: {  	v37 =	vmul.f32 v5, v38;
	v16 =	vld [tilespmem:s18+$0x280];
	v35 =	vadd.f32 v62, v14;
	v34 =	vadd.f32 v60, v14  }
0x130: {  	v33 =	vmul.f32 v58, v38;
	v4 =	vld [tilespmem:s22+$0x380];
	v32 =	vadd.f32 v41, v14;
	v19 =	vadd.f32 v28, v30  }
0x131: {  	s16 =	sor.u32 s23, s20;
	v9 =	vld [tilespmem:s17+$0x0];
	v28 =	vmul.f32 v23, v38;
	v29 =	vadd.f32 v61, v29;
	v30 =	vadd.f32 v63, v14  }
0x132: {  	s15 =	sadd.s32 s15, s9;
	v22 =	vld [tilespmem:s16+$0x80];
	s18 =	simm.s32 $0x2;
	s17 =	simm.s32 $0x40;
	v23 =	vmul.f32 v23, v15;
	v12 =	vadd.f32 v59, v26;
	v26 =	vadd.f32 v40, v39  }
.LBB2_6:
0x133: {  	v35 =	vadd.f32 v37, v35;
	s20 =	smov.u32 s18  }
0x134: {  	s19 =	sshll.u32 s18, $0x7;
	s21 =	sshll.u32 s18, $0x8;
	v38 =	vld [tilespmem:s16+$0x0];
	v40 =	vmul.f32 v5, v15;
	v34 =	vadd.f32 v36, v34;
	v5 =	vmovc v16;
	v39 =	vmov v21;
	s20 =	sadd.s32 $0x1, s18  }
0x135: {  	v24 =	vadd.f32 v25, v24;
	s19 =	sand.u32 $0x3FFFFE00, s19;
	s21 =	sand.u32 $0x3FFFFC00, s21;
	v21 =	vmul.f32 v13, v17;
	v36 =	vmul.f32 v4, v17;
	v37 =	vld [tilespmem:s16+$0x100]  }
0x136: {  	v14 =	vadd.f32 v27, v14;
	v16 =	vmul.f32 v7, v17;
	s16 =	sand.u32 $0x60, s17;
	s22 =	sadd.s32 $0x1B100, s19;
	s21 =	sadd.s32 s21, s14;
	v31 =	vadd.f32 v40, v31  }
0x137: {  	v18 =	vadd.f32 v28, v18;
	v32 =	vadd.f32 v33, v32;
	s19 =	sor.u32 s16, s22;
	s23 =	sadd.s32 s16, s21;
	s24 =	sor.u32 $0x10, s16;
	v25 =	vmul.f32 v6, v22;
	v15 =	vmovc v22  }
0x138: {  	p1 =	sne.s32 s18, $0x17;
	v14 =	vadd.f32 v8, v14;
	v29 =	vadd.f32 v16, v29;
	v16 =	vmul.f32 v11, v9;
	s16 =	sor.u32 s24, s22;
	s21 =	sadd.s32 s24, s21;
	v22 =	vld [tilespmem:s23+$0x280]  }
0x139: {  	v30 =	vadd.f32 v23, v30;
	v27 =	vmul.f32 v13, v9;
	v28 =	vmul.f32 v6, v38;
	v8 =	vmovc v25;
	v33 =	vld [tilespmem:s23+$0x380]  }
0x13a: {  	v17 =	vmul.f32 v11, v17;
	v19 =	vadd.f32 v16, v19;
	v40 =	vld [tilespmem:s21+$0x300];
	v41 =	vmul.f32 v39, v37  }
0x13b: {  	v18 =	vadd.f32 v27, v18;
	v42 =	vmul.f32 v4, v20;
	v43 =	vmul.f32 v5, v37;
	v16 =	vld [tilespmem:s21+$0x280]  }
0x13c: {  	v45 =	vmul.f32 v7, v9;
	v24 =	vadd.f32 v17, v24;
	v25 =	vmul.f32 v6, v37;
	v44 =	vld [tilespmem:s21+$0x200]  }
0x13d: {  	v26 =	vadd.f32 v21, v26;
	v47 =	vmul.f32 v7, v20;
	v48 =	vmul.f32 v10, v37;
	v46 =	vld [tilespmem:s23+$0x300];
	v7 =	vmovc v22  }
0x13e: {  	v27 =	vmul.f32 v11, v20;
	v37 =	vmul.f32 v13, v20;
	v19 =	vadd.f32 v28, v19;
	v13 =	vld [tilespmem:s23+$0x200]  }
.Ltmp3:
0x13f: {  	v23 =	vmul.f32 v10, v15;
	v20 =	vadd.f32 v36, v12;
	v28 =	vmul.f32 v10, v38;
	v21 =	vld [tilespmem:s21+$0x380];
	v6 =	vmovc v40;
	(pc) =	sbr.rel @p1 .LBB2_6-.Ltmp3, $4  }
0x140: {  	v31 =	vadd.f32 v47, v31;
	v29 =	vadd.f32 v43, v29;
	v40 =	vmul.f32 v4, v9;
	v4 =	vmovc v33;
	v17 =	vld [tilespmem:s19+$0x100]  }
0x141: {  	v35 =	vadd.f32 v45, v35;
	v34 =	vadd.f32 v42, v34;
	v36 =	vmul.f32 v39, v15;
	v9 =	vld [tilespmem:s19+$0x0];
	v10 =	vmovc v44  }
0x142: {  	v30 =	vadd.f32 v37, v30;
	v37 =	vmul.f32 v5, v38;
	v12 =	vadd.f32 v41, v20;
	v22 =	vld [tilespmem:s16+$0x80];
	v11 =	vmovc v46  }
0x143: {  	s17 =	sadd.s32 $0x20, s17;
	s18 =	smov.u32 s20;
	v26 =	vadd.f32 v48, v26;
	v33 =	vmul.f32 v39, v38;
	v32 =	vadd.f32 v40, v32;
	v20 =	vld [tilespmem:s19+$0x80]  }
0x144: {  	v35 =	vadd.f32 v37, v35  }
0x145: {  	v59 =	vadd.f32 v36, v34;
	v24 =	vadd.f32 v25, v24  }
0x146: {  	v5 =	vmul.f32 v5, v15;
	v14 =	vadd.f32 v27, v14;
	v18 =	vadd.f32 v28, v18  }
0x147: {  	v38 =	vld [tilespmem:s16+$0x0];
	v23 =	vadd.f32 v23, v30;
	v60 =	vmul.f32 v13, v17;
	v36 =	vmul.f32 v4, v17  }
0x148: {  	v63 =	vld [tilespmem:s16+$0x100];
	v61 =	vmul.f32 v7, v17;
	v37 =	vadd.f32 v33, v32;
	v53 =	vmul.f32 v11, v17  }
0x149: {  	v5 =	vadd.f32 v5, v31;
	v39 =	vmul.f32 v11, v9;
	v40 =	vmul.f32 v13, v9  }
0x14a: {  	v8 =	vadd.f32 v8, v14;
	v43 =	vmul.f32 v7, v9;
	v62 =	vmul.f32 v6, v22  }
0x14b: {  	v25 =	vadd.f32 v61, v29;
	v26 =	vadd.f32 v60, v26;
	v45 =	vmul.f32 v10, v22  }
0x14c: {  	v56 =	vadd.f32 v53, v24;
	v14 =	vadd.f32 v40, v18;
	v44 =	vmul.f32 v10, v38  }
0x14d: {  	v19 =	vadd.f32 v39, v19;
	v42 =	vmul.f32 v13, v20;
	v47 =	vmul.f32 v10, v63  }
0x14e: {  	v18 =	vadd.f32 v43, v35;
	v48 =	vmul.f32 v16, v38;
	v14 =	vadd.f32 v44, v14  }
0x14f: {  	v46 =	vmul.f32 v7, v20;
	v51 =	vmul.f32 v16, v63;
	v49 =	vadd.f32 v47, v26  }
0x150: {  	v52 =	vmul.f32 v11, v20;
	v41 =	vmul.f32 v6, v38;
	v18 =	vadd.f32 v48, v18;
	[tilespmem:s15+$0x40] =	vst v14  }
0x151: {  	v57 =	vmul.f32 v6, v63;
	v13 =	vadd.f32 v42, v23;
	v55 =	vadd.f32 v51, v25;
	[tilespmem:s15+$0x2040] =	vst v49  }
0x152: {  	v50 =	vmul.f32 v16, v22;
	v5 =	vadd.f32 v46, v5;
	v58 =	vadd.f32 v41, v19;
	[tilespmem:s15+$0x50] =	vst v18  }
0x153: {  	v54 =	vmul.f32 v4, v20;
	v8 =	vadd.f32 v52, v8;
	v6 =	vadd.f32 v57, v56;
	[tilespmem:s15+$0x2050] =	vst v55  }
0x154: {  	v4 =	vmul.f32 v4, v9;
	v13 =	vadd.f32 v45, v13;
	v5 =	vadd.f32 v50, v5;
	[tilespmem:s15+$0x60] =	vst v58  }
0x155: {  	s11 =	sadd.s32 $0x1, s11;
	v61 =	vmul.f32 v21, v63;
	v8 =	vadd.f32 v62, v8;
	v62 =	vadd.f32 v36, v12;
	[tilespmem:s15+$0x2060] =	vst v6  }
0x156: {  	p1 =	sne.s32 s11, $0x8;
	v4 =	vadd.f32 v4, v37;
	[tilespmem:s15+$0x1050] =	vst v5;
	v5 =	vmul.f32 v21, v38  }
.Ltmp4:
0x157: {  	v60 =	vmul.f32 v21, v22;
	v59 =	vadd.f32 v54, v59;
	[tilespmem:s15+$0x1040] =	vst v13;
	v63 =	vadd.f32 v61, v62;
	(pc) =	sbr.rel @p1 .LBB2_3-.Ltmp4, $4  }
0x158: {  	[tilespmem:s15+$0x1060] =	vst v8;
	v4 =	vadd.f32 v5, v4  }
0x159: {  	v5 =	vadd.f32 v60, v59;
	[tilespmem:s15+$0x2070] =	vst v63  }
0x15a: {  	[tilespmem:s15+$0x70] =	vst v4  }
0x15b: {  	[tilespmem:s15+$0x1070] =	vst v5  }
.Ltmp5:
0x15c: {  	(pc) =	sbr.rel @!p0 .LBB2_10-.Ltmp5, $1  }
0x15d: {  	_ =	sdelay $0x3  }
0x15e: {  	v4 =	vld [tilespmem:$0x80];
	_ =	sdelay $0x4  }
0x15f: {  	v5 =	vshrl.u32 v4, $0x3  }
0x160: {  	v5 =	vmul.u32 $0x30, v5  }
0x161: {  	v4 =	vand.u32 $0x7, v4  }
0x162: {  	v4 =	vor.u32 v4, v5  }
0x163: {  	v5 =	vperm.xlane v4, v0;
	_ =	sdelay $0x1  }
0x164: {  	v5 =	vadd.s32 v1, v5;
	_ =	sdelay $0x3  }
0x165: {  	s10 =	simm.s32 $0x100;
	v4 =	vperm.xlane v4, v2  }
0x166: {  	[tilespmem:s10], [sflag:$0x1] =	stream.indirect_vreg.gather [hbm4b:s2+s3], $0x80, v5, vm0, $0xb8;
	[tilespmem:$0x1BD00] =	vst v63  }
0x167: {  	s14 =	simm.s32 $0x900;
	v4 =	vadd.s32 v1, v4  }
0x168: {  	[tilespmem:s14], [sflag:$0x1] =	stream.indirect_vreg.gather [hbm4b:s6+s3], $0x80, v5, vm0, $0xb8;
	[tilespmem:$0x1BD00] =	vst v63  }
0x169: {  	s15 =	simm.s32 $0x1100  }
0x16a: {  	[tilespmem:s15], [sflag:$0x1] =	stream.indirect_vreg.gather [hbm4b:s7+s3], $0x80, v5, vm0, $0xb8;
	[tilespmem:$0x1BD00] =	vst v63  }
0x16b: {  	s16 =	simm.s32 $0x1900  }
0x16c: {  	[tilespmem:s16], [sflag:$0x1] =	stream.indirect_vreg.gather [hbm4b:s2+s3], $0x80, v4, vm0, $0xb8;
	[tilespmem:$0x1BD00] =	vst v63  }
0x16d: {  	s17 =	simm.s32 $0x2100  }
0x16e: {  	[tilespmem:s17], [sflag:$0x1] =	stream.indirect_vreg.gather [hbm4b:s6+s3], $0x80, v4, vm0, $0xb8;
	[tilespmem:$0x1BD00] =	vst v63  }
0x16f: {  	s18 =	simm.s32 $0x2900  }
0x170: {  	[tilespmem:s18], [sflag:$0x1] =	stream.indirect_vreg.gather [hbm4b:s7+s3], $0x80, v4, vm0, $0xb8;
	[tilespmem:$0x1BD00] =	vst v63  }
0x171: {  	v4 =	vld [tilespmem:$0x90];
	_ =	sdelay $0x4  }
0x172: {  	v5 =	vshrl.u32 v4, $0x3  }
0x173: {  	v5 =	vmul.u32 $0x30, v5  }
0x174: {  	v4 =	vand.u32 $0x7, v4  }
0x175: {  	v4 =	vor.u32 v4, v5  }
0x176: {  	v5 =	vperm.xlane v4, v0;
	_ =	sdelay $0x1  }
0x177: {  	v5 =	vadd.s32 v1, v5;
	_ =	sdelay $0x3  }
0x178: {  	s19 =	simm.s32 $0x3100;
	v4 =	vperm.xlane v4, v2  }
0x179: {  	[tilespmem:s19], [sflag:$0x1] =	stream.indirect_vreg.gather [hbm4b:s2+s3], $0x80, v5, vm0, $0xb8;
	[tilespmem:$0x1BD00] =	vst v63  }
0x17a: {  	s20 =	simm.s32 $0x3900;
	v4 =	vadd.s32 v1, v4  }
0x17b: {  	[tilespmem:s20], [sflag:$0x1] =	stream.indirect_vreg.gather [hbm4b:s6+s3], $0x80, v5, vm0, $0xb8;
	[tilespmem:$0x1BD00] =	vst v63  }
0x17c: {  	s21 =	simm.s32 $0x4100  }
0x17d: {  	[tilespmem:s21], [sflag:$0x1] =	stream.indirect_vreg.gather [hbm4b:s7+s3], $0x80, v5, vm0, $0xb8;
	[tilespmem:$0x1BD00] =	vst v63  }
0x17e: {  	s22 =	simm.s32 $0x4900  }
0x17f: {  	[tilespmem:s22], [sflag:$0x1] =	stream.indirect_vreg.gather [hbm4b:s2+s3], $0x80, v4, vm0, $0xb8;
	[tilespmem:$0x1BD00] =	vst v63  }
0x180: {  	s23 =	simm.s32 $0x5100  }
0x181: {  	[tilespmem:s23], [sflag:$0x1] =	stream.indirect_vreg.gather [hbm4b:s6+s3], $0x80, v4, vm0, $0xb8;
	[tilespmem:$0x1BD00] =	vst v63  }
0x182: {  	s24 =	simm.s32 $0x5900  }
0x183: {  	[tilespmem:s24], [sflag:$0x1] =	stream.indirect_vreg.gather [hbm4b:s7+s3], $0x80, v4, vm0, $0xb8;
	[tilespmem:$0x1BD00] =	vst v63  }
0x184: {  	v4 =	vld [tilespmem:$0xA0];
	_ =	sdelay $0x4  }
0x185: {  	v5 =	vshrl.u32 v4, $0x3  }
0x186: {  	v5 =	vmul.u32 $0x30, v5  }
0x187: {  	v4 =	vand.u32 $0x7, v4  }
0x188: {  	v4 =	vor.u32 v4, v5  }
0x189: {  	v5 =	vperm.xlane v4, v0;
	_ =	sdelay $0x1  }
0x18a: {  	v5 =	vadd.s32 v1, v5;
	_ =	sdelay $0x3  }
0x18b: {  	s11 =	simm.s32 $0x6100;
	v4 =	vperm.xlane v4, v2  }
0x18c: {  	[tilespmem:s11], [sflag:$0x1] =	stream.indirect_vreg.gather [hbm4b:s2+s3], $0x80, v5, vm0, $0xb8;
	[tilespmem:$0x1BD00] =	vst v63  }
0x18d: {  	s14 =	simm.s32 $0x6900;
	v4 =	vadd.s32 v1, v4  }
0x18e: {  	[tilespmem:s14], [sflag:$0x1] =	stream.indirect_vreg.gather [hbm4b:s6+s3], $0x80, v5, vm0, $0xb8;
	[tilespmem:$0x1BD00] =	vst v63  }
0x18f: {  	s15 =	simm.s32 $0x7100  }
0x190: {  	[tilespmem:s15], [sflag:$0x1] =	stream.indirect_vreg.gather [hbm4b:s7+s3], $0x80, v5, vm0, $0xb8;
	[tilespmem:$0x1BD00] =	vst v63  }
0x191: {  	s16 =	simm.s32 $0x7900  }
0x192: {  	[tilespmem:s16], [sflag:$0x1] =	stream.indirect_vreg.gather [hbm4b:s2+s3], $0x80, v4, vm0, $0xb8;
	[tilespmem:$0x1BD00] =	vst v63  }
0x193: {  	s17 =	simm.s32 $0x8100  }
0x194: {  	[tilespmem:s17], [sflag:$0x1] =	stream.indirect_vreg.gather [hbm4b:s6+s3], $0x80, v4, vm0, $0xb8;
	[tilespmem:$0x1BD00] =	vst v63  }
0x195: {  	s18 =	simm.s32 $0x8900  }
0x196: {  	[tilespmem:s18], [sflag:$0x1] =	stream.indirect_vreg.gather [hbm4b:s7+s3], $0x80, v4, vm0, $0xb8;
	[tilespmem:$0x1BD00] =	vst v63  }
0x197: {  	v4 =	vld [tilespmem:$0xB0];
	_ =	sdelay $0x4  }
0x198: {  	v5 =	vshrl.u32 v4, $0x3  }
0x199: {  	v5 =	vmul.u32 $0x30, v5  }
0x19a: {  	v4 =	vand.u32 $0x7, v4  }
0x19b: {  	v4 =	vor.u32 v4, v5  }
0x19c: {  	v5 =	vperm.xlane v4, v0;
	_ =	sdelay $0x1  }
0x19d: {  	v5 =	vadd.s32 v1, v5;
	_ =	sdelay $0x3  }
0x19e: {  	s19 =	simm.s32 $0x9100;
	v4 =	vperm.xlane v4, v2  }
0x19f: {  	[tilespmem:s19], [sflag:$0x1] =	stream.indirect_vreg.gather [hbm4b:s2+s3], $0x80, v5, vm0, $0xb8;
	[tilespmem:$0x1BD00] =	vst v63  }
0x1a0: {  	s20 =	simm.s32 $0x9900;
	v4 =	vadd.s32 v1, v4  }
0x1a1: {  	[tilespmem:s20], [sflag:$0x1] =	stream.indirect_vreg.gather [hbm4b:s6+s3], $0x80, v5, vm0, $0xb8;
	[tilespmem:$0x1BD00] =	vst v63  }
0x1a2: {  	s21 =	simm.s32 $0xA100  }
0x1a3: {  	[tilespmem:s21], [sflag:$0x1] =	stream.indirect_vreg.gather [hbm4b:s7+s3], $0x80, v5, vm0, $0xb8;
	[tilespmem:$0x1BD00] =	vst v63  }
0x1a4: {  	s22 =	simm.s32 $0xA900  }
0x1a5: {  	[tilespmem:s22], [sflag:$0x1] =	stream.indirect_vreg.gather [hbm4b:s2+s3], $0x80, v4, vm0, $0xb8;
	[tilespmem:$0x1BD00] =	vst v63  }
0x1a6: {  	s23 =	simm.s32 $0xB100  }
0x1a7: {  	[tilespmem:s23], [sflag:$0x1] =	stream.indirect_vreg.gather [hbm4b:s6+s3], $0x80, v4, vm0, $0xb8;
	[tilespmem:$0x1BD00] =	vst v63  }
0x1a8: {  	s24 =	simm.s32 $0xB900  }
0x1a9: {  	[tilespmem:s24], [sflag:$0x1] =	stream.indirect_vreg.gather [hbm4b:s7+s3], $0x80, v4, vm0, $0xb8;
	[tilespmem:$0x1BD00] =	vst v63  }
.LBB2_10:
0x1aa: {  	_ =	swait.ge [sflag:s8], $0xC000  }
0x1ab: {  	[sflag:s8] =	ssyncset.done $0x0  }
0x1ac: {  	s10 =	simm.s32 $0x0;
	s11 =	simm.s32 $0x0;
	[sflag:s8] =	ssyncadd.s32 $0xFFFF4000  }
.LBB2_11:
0x1ad: {  	s19 =	simm.s32 $0x0  }
0x1ae: {  	s14 =	smul.u32 $0x6000, s11;
	s16 =	sand.u32 $0x60, s10;
	s19 =	sand.u32 $0x3FFFFE00, s19  }
0x1af: {  	s18 =	sor.u32 $0x10, s16;
	s19 =	sadd.s32 $0x1B100, s19  }
0x1b0: {  	s15 =	simm.s32 $0x0;
	s14 =	sshra.s32 s14, $0x2;
	s21 =	sor.u32 s18, s19  }
0x1b1: {  	s15 =	sand.u32 $0x3FFFFC00, s15;
	s14 =	sadd.s32 $0xC100, s14;
	v14 =	vld [tilespmem:s21+$0x80]  }
0x1b2: {  	s15 =	sadd.s32 s15, s14;
	v38 =	vld [tilespmem:s21+$0x0]  }
0x1b3: {  	v21 =	vld [tilespmem:s21+$0x100];
	s17 =	sadd.s32 s16, s15  }
0x1b4: {  	v8 =	vld [tilespmem:s17+$0x80]  }
0x1b5: {  	s15 =	sadd.s32 s18, s15;
	v12 =	vld [tilespmem:s17+$0x180]  }
0x1b6: {  	v11 =	vld [tilespmem:s15+$0x100]  }
0x1b7: {  	v6 =	vld [tilespmem:s15+$0x80]  }
0x1b8: {  	s16 =	sor.u32 s16, s19;
	v19 =	vld [tilespmem:s17+$0x0]  }
0x1b9: {  	v9 =	vld [tilespmem:s16+$0x100]  }
0x1ba: {  	v18 =	vld [tilespmem:s17+$0x100]  }
0x1bb: {  	v20 =	vld [tilespmem:s16+$0x0]  }
0x1bc: {  	v33 =	vld [tilespmem:s15+$0x180]  }
0x1bd: {  	s22 =	simm.s32 $0x100;
	v22 =	vld [tilespmem:s16+$0x80]  }
0x1be: {  	s23 =	simm.s32 $0x20;
	s18 =	sand.u32 $0x3FFFFC00, s22;
	v23 =	vmul.f32 v19, v9;
	v28 =	vmul.f32 v12, v9  }
0x1bf: {  	s24 =	sand.u32 $0x60, s23;
	s20 =	sadd.s32 s18, s14;
	v26 =	vld [tilespmem:s15+$0x0];
	v4 =	vmul.f32 v8, v9;
	v7 =	vmul.f32 v11, v14  }
0x1c0: {  	s22 =	sor.u32 $0x10, s24;
	s21 =	sadd.s32 s24, s20;
	v15 =	vmul.f32 v18, v20;
	v17 =	vmul.f32 v19, v20  }
0x1c1: {  	s17 =	sadd.s32 s22, s20;
	v5 =	vld [tilespmem:s21+$0x80];
	v30 =	vmul.f32 v11, v38;
	v32 =	vmul.f32 v33, v21  }
0x1c2: {  	s23 =	simm.s32 $0x80;
	v10 =	vld [tilespmem:s17+$0x100];
	v34 =	vmul.f32 v12, v22;
	v35 =	vmul.f32 v6, v21  }
0x1c3: {  	s19 =	sand.u32 $0x3FFFFE00, s23;
	v16 =	vld [tilespmem:s17+$0x80];
	v36 =	vmul.f32 v8, v20;
	v25 =	vmul.f32 v11, v21  }
0x1c4: {  	v13 =	vimm.f32 $0.0e+00;
	s19 =	sadd.s32 $0x1B100, s19;
	v8 =	vmul.f32 v8, v22;
	v40 =	vmul.f32 v26, v21;
	v11 =	vld [tilespmem:s21+$0x0]  }
0x1c5: {  	s24 =	sor.u32 s24, s19;
	v37 =	vmul.f32 v19, v22;
	v27 =	vmul.f32 v18, v22;
	v19 =	vld [tilespmem:s17+$0x180];
	v29 =	vadd.f32 v4, v13  }
0x1c6: {  	s16 =	sor.u32 s22, s19;
	v22 =	vld [tilespmem:s24+$0x100];
	v31 =	vadd.f32 v15, v13;
	v15 =	vmul.f32 v18, v9;
	v17 =	vadd.f32 v17, v13  }
0x1c7: {  	v21 =	vld [tilespmem:s16+$0x80];
	v39 =	vadd.f32 v23, v13;
	v41 =	vadd.f32 v28, v13;
	v28 =	vmul.f32 v26, v38  }
0x1c8: {  	v4 =	vld [tilespmem:s21+$0x180];
	v23 =	vmul.f32 v26, v14;
	v36 =	vadd.f32 v36, v13;
	v34 =	vadd.f32 v34, v13  }
0x1c9: {  	v9 =	vld [tilespmem:s17+$0x0];
	v26 =	vmul.f32 v12, v20;
	v24 =	vadd.f32 v15, v13;
	v18 =	vadd.f32 v30, v31  }
0x1ca: {  	v20 =	vld [tilespmem:s24+$0x80];
	v31 =	vadd.f32 v8, v13;
	v29 =	vadd.f32 v35, v29;
	v35 =	vmul.f32 v33, v14  }
0x1cb: {  	v15 =	vld [tilespmem:s21+$0x100];
	v30 =	vadd.f32 v37, v13;
	v37 =	vmul.f32 v6, v38;
	v12 =	vadd.f32 v32, v41  }
0x1cc: {  	s15 =	simm.s32 $0x40;
	s19 =	simm.s32 $0x2;
	v8 =	vld [tilespmem:s24+$0x0];
	v32 =	vadd.f32 v26, v13;
	v26 =	vadd.f32 v40, v39;
	v33 =	vmul.f32 v33, v38  }
.LBB2_12:
0x1cd: {  	v36 =	vadd.f32 v37, v36;
	s17 =	smov.u32 s19  }
0x1ce: {  	s18 =	sshll.u32 s19, $0x7;
	s20 =	sshll.u32 s19, $0x8;
	v38 =	vld [tilespmem:s16+$0x0];
	v40 =	vmul.f32 v6, v14;
	v34 =	vadd.f32 v35, v34;
	v6 =	vmovc v16;
	v39 =	vmov v19;
	s17 =	sadd.s32 $0x1, s19  }
0x1cf: {  	v24 =	vadd.f32 v25, v24;
	s18 =	sand.u32 $0x3FFFFE00, s18;
	s20 =	sand.u32 $0x3FFFFC00, s20;
	v19 =	vmul.f32 v11, v22;
	v35 =	vmul.f32 v4, v22;
	v37 =	vld [tilespmem:s16+$0x100]  }
0x1d0: {  	v13 =	vadd.f32 v27, v13;
	v16 =	vmul.f32 v5, v22;
	s16 =	sand.u32 $0x60, s15;
	s21 =	sadd.s32 $0x1B100, s18;
	s20 =	sadd.s32 s20, s14;
	v31 =	vadd.f32 v40, v31  }
0x1d1: {  	v17 =	vadd.f32 v28, v17;
	v32 =	vadd.f32 v33, v32;
	s18 =	sor.u32 s16, s21;
	s22 =	sadd.s32 s16, s20;
	s23 =	sor.u32 $0x10, s16;
	v25 =	vmul.f32 v10, v21;
	v14 =	vmovc v21  }
0x1d2: {  	p1 =	sne.s32 s19, $0x17;
	v13 =	vadd.f32 v7, v13;
	v29 =	vadd.f32 v16, v29;
	v16 =	vmul.f32 v15, v8;
	s16 =	sor.u32 s23, s21;
	s20 =	sadd.s32 s23, s20;
	v21 =	vld [tilespmem:s22+$0x80]  }
0x1d3: {  	v30 =	vadd.f32 v23, v30;
	v27 =	vmul.f32 v11, v8;
	v28 =	vmul.f32 v10, v38;
	v7 =	vmovc v25;
	v33 =	vld [tilespmem:s22+$0x180]  }
0x1d4: {  	v22 =	vmul.f32 v15, v22;
	v18 =	vadd.f32 v16, v18;
	v40 =	vld [tilespmem:s20+$0x100];
	v41 =	vmul.f32 v39, v37  }
0x1d5: {  	v17 =	vadd.f32 v27, v17;
	v42 =	vmul.f32 v4, v20;
	v43 =	vmul.f32 v6, v37;
	v16 =	vld [tilespmem:s20+$0x80]  }
0x1d6: {  	v45 =	vmul.f32 v5, v8;
	v24 =	vadd.f32 v22, v24;
	v25 =	vmul.f32 v10, v37;
	v44 =	vld [tilespmem:s20+$0x0]  }
0x1d7: {  	v26 =	vadd.f32 v19, v26;
	v47 =	vmul.f32 v5, v20;
	v48 =	vmul.f32 v9, v37;
	v46 =	vld [tilespmem:s22+$0x100];
	v5 =	vmovc v21  }
0x1d8: {  	v27 =	vmul.f32 v15, v20;
	v37 =	vmul.f32 v11, v20;
	v18 =	vadd.f32 v28, v18;
	v11 =	vld [tilespmem:s22+$0x0]  }
.Ltmp6:
0x1d9: {  	v12 =	vadd.f32 v35, v12;
	v23 =	vmul.f32 v9, v14;
	v28 =	vmul.f32 v9, v38;
	v19 =	vld [tilespmem:s20+$0x180];
	v10 =	vmovc v40;
	(pc) =	sbr.rel @p1 .LBB2_12-.Ltmp6, $4  }
0x1da: {  	v31 =	vadd.f32 v47, v31;
	v29 =	vadd.f32 v43, v29;
	v40 =	vmul.f32 v4, v8;
	v4 =	vmovc v33;
	v22 =	vld [tilespmem:s18+$0x100]  }
0x1db: {  	v36 =	vadd.f32 v45, v36;
	v35 =	vmul.f32 v39, v14;
	v34 =	vadd.f32 v42, v34;
	v8 =	vld [tilespmem:s18+$0x0];
	v9 =	vmovc v44  }
0x1dc: {  	v30 =	vadd.f32 v37, v30;
	v37 =	vmul.f32 v6, v38;
	v12 =	vadd.f32 v41, v12;
	v21 =	vld [tilespmem:s16+$0x80];
	v15 =	vmovc v46  }
0x1dd: {  	s15 =	sadd.s32 $0x20, s15;
	s19 =	smov.u32 s17;
	v26 =	vadd.f32 v48, v26;
	v33 =	vmul.f32 v39, v38;
	v32 =	vadd.f32 v40, v32;
	v20 =	vld [tilespmem:s18+$0x80]  }
0x1de: {  	v36 =	vadd.f32 v37, v36  }
0x1df: {  	v6 =	vmul.f32 v6, v14;
	v14 =	vadd.f32 v35, v34;
	v24 =	vadd.f32 v25, v24  }
0x1e0: {  	v13 =	vadd.f32 v27, v13;
	v17 =	vadd.f32 v28, v17;
	v53 =	vmul.f32 v11, v22  }
0x1e1: {  	v23 =	vadd.f32 v23, v30;
	v25 =	vmul.f32 v5, v22;
	v27 =	vmul.f32 v4, v22  }
0x1e2: {  	v52 =	vld [tilespmem:s16+$0x0];
	v22 =	vmul.f32 v15, v22;
	v6 =	vadd.f32 v6, v31;
	v31 =	vadd.f32 v33, v32  }
0x1e3: {  	v54 =	vld [tilespmem:s16+$0x100];
	v7 =	vadd.f32 v7, v13;
	v13 =	vmul.f32 v11, v8;
	v56 =	vmul.f32 v5, v8  }
0x1e4: {  	v28 =	vmul.f32 v10, v21;
	v25 =	vadd.f32 v25, v29;
	v29 =	vmul.f32 v15, v8  }
0x1e5: {  	v22 =	vadd.f32 v22, v24;
	v30 =	vmul.f32 v4, v20;
	v11 =	vmul.f32 v11, v20  }
0x1e6: {  	v24 =	vadd.f32 v53, v26;
	v5 =	vmul.f32 v5, v20;
	v15 =	vmul.f32 v15, v20  }
0x1e7: {  	v13 =	vadd.f32 v13, v17;
	v4 =	vmul.f32 v4, v8;
	v55 =	vmul.f32 v10, v52  }
0x1e8: {  	v18 =	vadd.f32 v29, v18;
	v29 =	vmul.f32 v19, v54;
	v26 =	vmul.f32 v9, v52  }
0x1e9: {  	v57 =	vmul.f32 v9, v54;
	v9 =	vmul.f32 v9, v21;
	v11 =	vadd.f32 v11, v23  }
0x1ea: {  	s15 =	sshll.u32 s11, $0x7;
	v17 =	vmul.f32 v16, v54;
	v5 =	vadd.f32 v5, v6;
	v6 =	vadd.f32 v26, v13  }
0x1eb: {  	s15 =	sand.u32 $0x3FFFFF80, s15;
	v20 =	vmul.f32 v16, v52;
	v13 =	vadd.f32 v56, v36;
	v9 =	vadd.f32 v9, v11  }
0x1ec: {  	v16 =	vmul.f32 v16, v21;
	v11 =	vadd.f32 v57, v24;
	[tilespmem:v3+s15+$0x400 ss:$0x1] =	vst.idx.msk $0xffff, v6  }
0x1ed: {  	v10 =	vmul.f32 v10, v54;
	v13 =	vadd.f32 v20, v13;
	[tilespmem:v3+s15+$0x1400 ss:$0x1] =	vst.idx.msk $0xffff, v9  }
0x1ee: {  	v7 =	vadd.f32 v15, v7;
	v5 =	vadd.f32 v16, v5;
	[tilespmem:v3+s15+$0x2400 ss:$0x1] =	vst.idx.msk $0xffff, v11  }
0x1ef: {  	v4 =	vadd.f32 v4, v31;
	v8 =	vadd.f32 v17, v25;
	[tilespmem:v3+s15+$0x410 ss:$0x1] =	vst.idx.msk $0xffff, v13  }
0x1f0: {  	v10 =	vadd.f32 v10, v22;
	v6 =	vadd.f32 v55, v18;
	[tilespmem:v3+s15+$0x1410 ss:$0x1] =	vst.idx.msk $0xffff, v5  }
0x1f1: {  	v7 =	vadd.f32 v28, v7;
	v5 =	vmul.f32 v19, v52;
	[tilespmem:v3+s15+$0x2410 ss:$0x1] =	vst.idx.msk $0xffff, v8  }
0x1f2: {  	v9 =	vadd.f32 v30, v14;
	v8 =	vmul.f32 v19, v21;
	[tilespmem:v3+s15+$0x420 ss:$0x1] =	vst.idx.msk $0xffff, v6  }
0x1f3: {  	v6 =	vadd.f32 v27, v12;
	[tilespmem:v3+s15+$0x1420 ss:$0x1] =	vst.idx.msk $0xffff, v7;
	v4 =	vadd.f32 v5, v4  }
0x1f4: {  	s21 =	simm.s32 $0x0;
	[tilespmem:v3+s15+$0x2420 ss:$0x1] =	vst.idx.msk $0xffff, v10;
	v5 =	vadd.f32 v8, v9  }
0x1f5: {  	s17 =	simm.s32 $0x0;
	s16 =	sand.u32 $0x3FFFFC00, s21;
	v6 =	vadd.f32 v29, v6;
	[tilespmem:v3+s15+$0x430 ss:$0x1] =	vst.idx.msk $0xffff, v4  }
0x1f6: {  	s17 =	sand.u32 $0x60, s17;
	s16 =	sadd.s32 s16, s14;
	[tilespmem:v3+s15+$0x1430 ss:$0x1] =	vst.idx.msk $0xffff, v5  }
0x1f7: {  	s18 =	sadd.s32 s17, s16;
	[tilespmem:v3+s15+$0x2430 ss:$0x1] =	vst.idx.msk $0xffff, v6  }
0x1f8: {  	s19 =	sor.u32 $0x10, s17;
	v9 =	vld [tilespmem:s18+$0x280]  }
0x1f9: {  	s16 =	sadd.s32 s19, s16;
	v12 =	vld [tilespmem:s18+$0x380]  }
0x1fa: {  	s20 =	simm.s32 $0x0;
	v11 =	vld [tilespmem:s16+$0x300]  }
0x1fb: {  	s20 =	sand.u32 $0x3FFFFE00, s20;
	v17 =	vld [tilespmem:s18+$0x300]  }
0x1fc: {  	s20 =	sadd.s32 $0x1B100, s20;
	v19 =	vld [tilespmem:s18+$0x200]  }
0x1fd: {  	s17 =	sor.u32 s17, s20;
	v58 =	vld [tilespmem:s16+$0x380]  }
0x1fe: {  	v10 =	vld [tilespmem:s17+$0x100]  }
0x1ff: {  	s22 =	sor.u32 s19, s20;
	v20 =	vld [tilespmem:s17+$0x0]  }
0x200: {  	v15 =	vld [tilespmem:s22+$0x80]  }
0x201: {  	v38 =	vld [tilespmem:s22+$0x0]  }
0x202: {  	v13 =	vld [tilespmem:s22+$0x100]  }
0x203: {  	s23 =	simm.s32 $0x100;
	v21 =	vld [tilespmem:s17+$0x80]  }
0x204: {  	s24 =	simm.s32 $0x20;
	s19 =	sand.u32 $0x3FFFFC00, s23;
	v5 =	vld [tilespmem:s16+$0x280];
	v22 =	vmul.f32 v19, v10;
	v26 =	vmul.f32 v12, v10  }
0x205: {  	s21 =	sadd.s32 s19, s14;
	s17 =	sand.u32 $0x60, s24;
	v4 =	vmul.f32 v9, v10;
	v8 =	vmul.f32 v11, v15  }
0x206: {  	v23 =	vld [tilespmem:s16+$0x200];
	s22 =	sadd.s32 s17, s21;
	s23 =	sor.u32 $0x10, s17;
	v16 =	vmul.f32 v17, v20;
	v18 =	vmul.f32 v19, v20  }
0x207: {  	v7 =	vld [tilespmem:s22+$0x280];
	s18 =	sadd.s32 s23, s21;
	v28 =	vmul.f32 v11, v38;
	v24 =	vmul.f32 v17, v10  }
0x208: {  	v6 =	vld [tilespmem:s18+$0x300];
	v59 =	vmul.f32 v58, v13;
	v60 =	vmul.f32 v12, v21  }
0x209: {  	s24 =	simm.s32 $0x80;
	v61 =	vmul.f32 v5, v13;
	v10 =	vld [tilespmem:s18+$0x200];
	v62 =	vmul.f32 v9, v20  }
0x20a: {  	v14 =	vimm.f32 $0.0e+00;
	s20 =	sand.u32 $0x3FFFFE00, s24;
	v25 =	vmul.f32 v11, v13;
	v11 =	vld [tilespmem:s22+$0x300];
	v9 =	vmul.f32 v9, v21  }
0x20b: {  	s20 =	sadd.s32 $0x1B100, s20;
	v40 =	vmul.f32 v23, v13;
	v13 =	vld [tilespmem:s22+$0x200];
	v63 =	vmul.f32 v19, v21;
	v29 =	vadd.f32 v4, v14  }
0x20c: {  	s17 =	sor.u32 s17, s20;
	v27 =	vmul.f32 v17, v21;
	v21 =	vld [tilespmem:s18+$0x380];
	v30 =	vadd.f32 v16, v14;
	v18 =	vadd.f32 v18, v14  }
0x20d: {  	v17 =	vld [tilespmem:s17+$0x100];
	v41 =	vmul.f32 v12, v20;
	v24 =	vadd.f32 v24, v14;
	v39 =	vadd.f32 v22, v14  }
0x20e: {  	v36 =	vmul.f32 v58, v15;
	v20 =	vld [tilespmem:s17+$0x80];
	v26 =	vadd.f32 v26, v14;
	v31 =	vadd.f32 v9, v14  }
0x20f: {  	v37 =	vmul.f32 v5, v38;
	v16 =	vld [tilespmem:s18+$0x280];
	v35 =	vadd.f32 v62, v14;
	v34 =	vadd.f32 v60, v14  }
0x210: {  	v33 =	vmul.f32 v58, v38;
	v4 =	vld [tilespmem:s22+$0x380];
	v32 =	vadd.f32 v41, v14;
	v19 =	vadd.f32 v28, v30  }
0x211: {  	s16 =	sor.u32 s23, s20;
	v9 =	vld [tilespmem:s17+$0x0];
	v28 =	vmul.f32 v23, v38;
	v29 =	vadd.f32 v61, v29;
	v30 =	vadd.f32 v63, v14  }
0x212: {  	s15 =	sadd.s32 s15, s9;
	s20 =	simm.s32 $0x2;
	v22 =	vld [tilespmem:s16+$0x80];
	s17 =	simm.s32 $0x40;
	v23 =	vmul.f32 v23, v15;
	v12 =	vadd.f32 v59, v26;
	v26 =	vadd.f32 v40, v39  }
.LBB2_14:
0x213: {  	v35 =	vadd.f32 v37, v35;
	s18 =	smov.u32 s20  }
0x214: {  	s19 =	sshll.u32 s20, $0x7;
	s21 =	sshll.u32 s20, $0x8;
	v38 =	vld [tilespmem:s16+$0x0];
	v40 =	vmul.f32 v5, v15;
	v34 =	vadd.f32 v36, v34;
	v5 =	vmovc v16;
	v39 =	vmov v21;
	s18 =	sadd.s32 $0x1, s20  }
0x215: {  	v24 =	vadd.f32 v25, v24;
	s19 =	sand.u32 $0x3FFFFE00, s19;
	s21 =	sand.u32 $0x3FFFFC00, s21;
	v21 =	vmul.f32 v13, v17;
	v36 =	vmul.f32 v4, v17;
	v37 =	vld [tilespmem:s16+$0x100]  }
0x216: {  	v14 =	vadd.f32 v27, v14;
	v16 =	vmul.f32 v7, v17;
	s16 =	sand.u32 $0x60, s17;
	s22 =	sadd.s32 $0x1B100, s19;
	s21 =	sadd.s32 s21, s14;
	v31 =	vadd.f32 v40, v31  }
0x217: {  	v18 =	vadd.f32 v28, v18;
	v32 =	vadd.f32 v33, v32;
	s19 =	sor.u32 s16, s22;
	s23 =	sadd.s32 s16, s21;
	s24 =	sor.u32 $0x10, s16;
	v25 =	vmul.f32 v6, v22;
	v15 =	vmovc v22  }
0x218: {  	p1 =	sne.s32 s20, $0x17;
	v14 =	vadd.f32 v8, v14;
	v29 =	vadd.f32 v16, v29;
	v16 =	vmul.f32 v11, v9;
	s16 =	sor.u32 s24, s22;
	s21 =	sadd.s32 s24, s21;
	v22 =	vld [tilespmem:s23+$0x280]  }
0x219: {  	v30 =	vadd.f32 v23, v30;
	v27 =	vmul.f32 v13, v9;
	v28 =	vmul.f32 v6, v38;
	v8 =	vmovc v25;
	v33 =	vld [tilespmem:s23+$0x380]  }
0x21a: {  	v17 =	vmul.f32 v11, v17;
	v19 =	vadd.f32 v16, v19;
	v40 =	vld [tilespmem:s21+$0x300];
	v41 =	vmul.f32 v39, v37  }
0x21b: {  	v18 =	vadd.f32 v27, v18;
	v42 =	vmul.f32 v4, v20;
	v43 =	vmul.f32 v5, v37;
	v16 =	vld [tilespmem:s21+$0x280]  }
0x21c: {  	v45 =	vmul.f32 v7, v9;
	v24 =	vadd.f32 v17, v24;
	v25 =	vmul.f32 v6, v37;
	v44 =	vld [tilespmem:s21+$0x200]  }
0x21d: {  	v26 =	vadd.f32 v21, v26;
	v47 =	vmul.f32 v7, v20;
	v48 =	vmul.f32 v10, v37;
	v46 =	vld [tilespmem:s23+$0x300];
	v7 =	vmovc v22  }
0x21e: {  	v27 =	vmul.f32 v11, v20;
	v37 =	vmul.f32 v13, v20;
	v19 =	vadd.f32 v28, v19;
	v13 =	vld [tilespmem:s23+$0x200]  }
.Ltmp7:
0x21f: {  	v23 =	vmul.f32 v10, v15;
	v20 =	vadd.f32 v36, v12;
	v28 =	vmul.f32 v10, v38;
	v21 =	vld [tilespmem:s21+$0x380];
	v6 =	vmovc v40;
	(pc) =	sbr.rel @p1 .LBB2_14-.Ltmp7, $4  }
0x220: {  	v31 =	vadd.f32 v47, v31;
	v29 =	vadd.f32 v43, v29;
	v40 =	vmul.f32 v4, v9;
	v4 =	vmovc v33;
	v17 =	vld [tilespmem:s19+$0x100]  }
0x221: {  	v35 =	vadd.f32 v45, v35;
	v34 =	vadd.f32 v42, v34;
	v36 =	vmul.f32 v39, v15;
	v9 =	vld [tilespmem:s19+$0x0];
	v10 =	vmovc v44  }
0x222: {  	v30 =	vadd.f32 v37, v30;
	v37 =	vmul.f32 v5, v38;
	v12 =	vadd.f32 v41, v20;
	v22 =	vld [tilespmem:s16+$0x80];
	v11 =	vmovc v46  }
0x223: {  	s17 =	sadd.s32 $0x20, s17;
	s20 =	smov.u32 s18;
	v26 =	vadd.f32 v48, v26;
	v33 =	vmul.f32 v39, v38;
	v32 =	vadd.f32 v40, v32;
	v20 =	vld [tilespmem:s19+$0x80]  }
0x224: {  	v35 =	vadd.f32 v37, v35  }
0x225: {  	v59 =	vadd.f32 v36, v34;
	v24 =	vadd.f32 v25, v24  }
0x226: {  	v5 =	vmul.f32 v5, v15;
	v14 =	vadd.f32 v27, v14;
	v18 =	vadd.f32 v28, v18  }
0x227: {  	v38 =	vld [tilespmem:s16+$0x0];
	v23 =	vadd.f32 v23, v30;
	v60 =	vmul.f32 v13, v17;
	v36 =	vmul.f32 v4, v17  }
0x228: {  	v63 =	vld [tilespmem:s16+$0x100];
	v61 =	vmul.f32 v7, v17;
	v37 =	vadd.f32 v33, v32;
	v53 =	vmul.f32 v11, v17  }
0x229: {  	v5 =	vadd.f32 v5, v31;
	v39 =	vmul.f32 v11, v9;
	v40 =	vmul.f32 v13, v9  }
0x22a: {  	v8 =	vadd.f32 v8, v14;
	v43 =	vmul.f32 v7, v9;
	v62 =	vmul.f32 v6, v22  }
0x22b: {  	v25 =	vadd.f32 v61, v29;
	v26 =	vadd.f32 v60, v26;
	v45 =	vmul.f32 v10, v22  }
0x22c: {  	v56 =	vadd.f32 v53, v24;
	v14 =	vadd.f32 v40, v18;
	v44 =	vmul.f32 v10, v38  }
0x22d: {  	v19 =	vadd.f32 v39, v19;
	v42 =	vmul.f32 v13, v20;
	v47 =	vmul.f32 v10, v63  }
0x22e: {  	v18 =	vadd.f32 v43, v35;
	v48 =	vmul.f32 v16, v38;
	v14 =	vadd.f32 v44, v14  }
0x22f: {  	v46 =	vmul.f32 v7, v20;
	v51 =	vmul.f32 v16, v63;
	v49 =	vadd.f32 v47, v26  }
0x230: {  	v52 =	vmul.f32 v11, v20;
	v41 =	vmul.f32 v6, v38;
	v18 =	vadd.f32 v48, v18;
	[tilespmem:s15+$0x440] =	vst v14  }
0x231: {  	v57 =	vmul.f32 v6, v63;
	v13 =	vadd.f32 v42, v23;
	v55 =	vadd.f32 v51, v25;
	[tilespmem:s15+$0x2440] =	vst v49  }
0x232: {  	v50 =	vmul.f32 v16, v22;
	v5 =	vadd.f32 v46, v5;
	v58 =	vadd.f32 v41, v19;
	[tilespmem:s15+$0x450] =	vst v18  }
0x233: {  	v54 =	vmul.f32 v4, v20;
	v8 =	vadd.f32 v52, v8;
	v6 =	vadd.f32 v57, v56;
	[tilespmem:s15+$0x2450] =	vst v55  }
0x234: {  	v4 =	vmul.f32 v4, v9;
	v13 =	vadd.f32 v45, v13;
	v5 =	vadd.f32 v50, v5;
	[tilespmem:s15+$0x460] =	vst v58  }
0x235: {  	s11 =	sadd.s32 $0x1, s11;
	v61 =	vmul.f32 v21, v63;
	v8 =	vadd.f32 v62, v8;
	v62 =	vadd.f32 v36, v12;
	[tilespmem:s15+$0x2460] =	vst v6  }
0x236: {  	p1 =	sne.s32 s11, $0x8;
	v4 =	vadd.f32 v4, v37;
	[tilespmem:s15+$0x1450] =	vst v5;
	v5 =	vmul.f32 v21, v38  }
.Ltmp8:
0x237: {  	v60 =	vmul.f32 v21, v22;
	v59 =	vadd.f32 v54, v59;
	[tilespmem:s15+$0x1440] =	vst v13;
	v63 =	vadd.f32 v61, v62;
	(pc) =	sbr.rel @p1 .LBB2_11-.Ltmp8, $4  }
0x238: {  	[tilespmem:s15+$0x1460] =	vst v8;
	v4 =	vadd.f32 v5, v4  }
0x239: {  	v5 =	vadd.f32 v60, v59;
	[tilespmem:s15+$0x2470] =	vst v63  }
0x23a: {  	[tilespmem:s15+$0x470] =	vst v4  }
0x23b: {  	[tilespmem:s15+$0x1470] =	vst v5  }
.Ltmp9:
0x23c: {  	(pc) =	sbr.rel @!p0 .LBB2_18-.Ltmp9, $1  }
0x23d: {  	_ =	sdelay $0x3  }
0x23e: {  	v3 =	vld [tilespmem:$0xC0];
	_ =	sdelay $0x4  }
0x23f: {  	v4 =	vshrl.u32 v3, $0x3  }
0x240: {  	v4 =	vmul.u32 $0x30, v4  }
0x241: {  	v3 =	vand.u32 $0x7, v3  }
0x242: {  	v3 =	vor.u32 v3, v4  }
0x243: {  	v4 =	vperm.xlane v3, v0;
	_ =	sdelay $0x1  }
0x244: {  	v4 =	vadd.s32 v1, v4;
	_ =	sdelay $0x3  }
0x245: {  	s9 =	simm.s32 $0xC100;
	v3 =	vperm.xlane v3, v2  }
0x246: {  	[tilespmem:s9], [sflag:$0x2] =	stream.indirect_vreg.gather [hbm4b:s2+s3], $0x80, v4, vm0, $0xb8;
	[tilespmem:$0x1BD00] =	vst v63  }
0x247: {  	s11 =	simm.s32 $0xC900;
	v3 =	vadd.s32 v1, v3  }
0x248: {  	[tilespmem:s11], [sflag:$0x2] =	stream.indirect_vreg.gather [hbm4b:s6+s3], $0x80, v4, vm0, $0xb8;
	[tilespmem:$0x1BD00] =	vst v63  }
0x249: {  	s14 =	simm.s32 $0xD100  }
0x24a: {  	[tilespmem:s14], [sflag:$0x2] =	stream.indirect_vreg.gather [hbm4b:s7+s3], $0x80, v4, vm0, $0xb8;
	[tilespmem:$0x1BD00] =	vst v63  }
0x24b: {  	s15 =	simm.s32 $0xD900  }
0x24c: {  	[tilespmem:s15], [sflag:$0x2] =	stream.indirect_vreg.gather [hbm4b:s2+s3], $0x80, v3, vm0, $0xb8;
	[tilespmem:$0x1BD00] =	vst v63  }
0x24d: {  	s16 =	simm.s32 $0xE100  }
0x24e: {  	[tilespmem:s16], [sflag:$0x2] =	stream.indirect_vreg.gather [hbm4b:s6+s3], $0x80, v3, vm0, $0xb8;
	[tilespmem:$0x1BD00] =	vst v63  }
0x24f: {  	s17 =	simm.s32 $0xE900  }
0x250: {  	[tilespmem:s17], [sflag:$0x2] =	stream.indirect_vreg.gather [hbm4b:s7+s3], $0x80, v3, vm0, $0xb8;
	[tilespmem:$0x1BD00] =	vst v63  }
0x251: {  	v3 =	vld [tilespmem:$0xD0];
	_ =	sdelay $0x4  }
0x252: {  	v61 =	vshrl.u32 v3, $0x3  }
0x253: {  	v4 =	vmul.u32 $0x30, v61  }
0x254: {  	v3 =	vand.u32 $0x7, v3  }
0x255: {  	v3 =	vor.u32 v3, v4  }
0x256: {  	v4 =	vperm.xlane v3, v0;
	_ =	sdelay $0x1  }
0x257: {  	v4 =	vadd.s32 v1, v4;
	_ =	sdelay $0x3  }
0x258: {  	s18 =	simm.s32 $0xF100;
	v3 =	vperm.xlane v3, v2  }
0x259: {  	[tilespmem:s18], [sflag:$0x2] =	stream.indirect_vreg.gather [hbm4b:s2+s3], $0x80, v4, vm0, $0xb8;
	[tilespmem:$0x1BD00] =	vst v63  }
0x25a: {  	s19 =	simm.s32 $0xF900;
	v3 =	vadd.s32 v1, v3  }
0x25b: {  	[tilespmem:s19], [sflag:$0x2] =	stream.indirect_vreg.gather [hbm4b:s6+s3], $0x80, v4, vm0, $0xb8;
	[tilespmem:$0x1BD00] =	vst v63  }
0x25c: {  	s20 =	simm.s32 $0x10100  }
0x25d: {  	[tilespmem:s20], [sflag:$0x2] =	stream.indirect_vreg.gather [hbm4b:s7+s3], $0x80, v4, vm0, $0xb8;
	[tilespmem:$0x1BD00] =	vst v63  }
0x25e: {  	s21 =	simm.s32 $0x10900  }
0x25f: {  	[tilespmem:s21], [sflag:$0x2] =	stream.indirect_vreg.gather [hbm4b:s2+s3], $0x80, v3, vm0, $0xb8;
	[tilespmem:$0x1BD00] =	vst v63  }
0x260: {  	s22 =	simm.s32 $0x11100  }
0x261: {  	[tilespmem:s22], [sflag:$0x2] =	stream.indirect_vreg.gather [hbm4b:s6+s3], $0x80, v3, vm0, $0xb8;
	[tilespmem:$0x1BD00] =	vst v63  }
0x262: {  	s23 =	simm.s32 $0x11900  }
0x263: {  	[tilespmem:s23], [sflag:$0x2] =	stream.indirect_vreg.gather [hbm4b:s7+s3], $0x80, v3, vm0, $0xb8;
	[tilespmem:$0x1BD00] =	vst v63  }
0x264: {  	v3 =	vld [tilespmem:$0xE0];
	_ =	sdelay $0x4  }
0x265: {  	v62 =	vshrl.u32 v3, $0x3  }
0x266: {  	v4 =	vmul.u32 $0x30, v62  }
0x267: {  	v3 =	vand.u32 $0x7, v3  }
0x268: {  	v3 =	vor.u32 v3, v4  }
0x269: {  	v4 =	vperm.xlane v3, v0;
	_ =	sdelay $0x1  }
0x26a: {  	v4 =	vadd.s32 v1, v4;
	_ =	sdelay $0x3  }
0x26b: {  	s24 =	simm.s32 $0x12100;
	v3 =	vperm.xlane v3, v2  }
0x26c: {  	[tilespmem:s24], [sflag:$0x2] =	stream.indirect_vreg.gather [hbm4b:s2+s3], $0x80, v4, vm0, $0xb8;
	[tilespmem:$0x1BD00] =	vst v63  }
0x26d: {  	v3 =	vadd.s32 v1, v3  }
0x26e: {  	[tilespmem:s25], [sflag:$0x2] =	stream.indirect_vreg.gather [hbm4b:s6+s3], $0x80, v4, vm0, $0xb8;
	[tilespmem:$0x1BD00] =	vst v63  }
0x26f: {  	_ = 	snop  }
0x270: {  	[tilespmem:s26], [sflag:$0x2] =	stream.indirect_vreg.gather [hbm4b:s7+s3], $0x80, v4, vm0, $0xb8;
	[tilespmem:$0x1BD00] =	vst v63  }
0x271: {  	_ = 	snop  }
0x272: {  	[tilespmem:s28], [sflag:$0x2] =	stream.indirect_vreg.gather [hbm4b:s2+s3], $0x80, v3, vm0, $0xb8;
	[tilespmem:$0x1BD00] =	vst v63  }
0x273: {  	_ = 	snop  }
0x274: {  	[tilespmem:s29], [sflag:$0x2] =	stream.indirect_vreg.gather [hbm4b:s6+s3], $0x80, v3, vm0, $0xb8;
	[tilespmem:$0x1BD00] =	vst v63  }
0x275: {  	_ = 	snop  }
0x276: {  	[tilespmem:s30], [sflag:$0x2] =	stream.indirect_vreg.gather [hbm4b:s7+s3], $0x80, v3, vm0, $0xb8;
	[tilespmem:$0x1BD00] =	vst v63  }
0x277: {  	v3 =	vld [tilespmem:$0xF0];
	_ =	sdelay $0x4  }
0x278: {  	v63 =	vshrl.u32 v3, $0x3  }
0x279: {  	v4 =	vmul.u32 $0x30, v63  }
0x27a: {  	v3 =	vand.u32 $0x7, v3  }
0x27b: {  	v3 =	vor.u32 v3, v4  }
0x27c: {  	v4 =	vperm.xlane v3, v0;
	_ =	sdelay $0x1  }
0x27d: {  	v4 =	vadd.s32 v1, v4;
	_ =	sdelay $0x3  }
0x27e: {  	v3 =	vperm.xlane v3, v2  }
0x27f: {  	[tilespmem:s31], [sflag:$0x2] =	stream.indirect_vreg.gather [hbm4b:s2+s3], $0x80, v4, vm0, $0xb8;
	[tilespmem:$0x1BD00] =	vst v63  }
0x280: {  	v3 =	vadd.s32 v1, v3  }
0x281: {  	[tilespmem:s0], [sflag:$0x2] =	stream.indirect_vreg.gather [hbm4b:s6+s3], $0x80, v4, vm0, $0xb8;
	[tilespmem:$0x1BD00] =	vst v63  }
0x282: {  	_ = 	snop  }
0x283: {  	[tilespmem:s1], [sflag:$0x2] =	stream.indirect_vreg.gather [hbm4b:s7+s3], $0x80, v4, vm0, $0xb8;
	[tilespmem:$0x1BD00] =	vst v63  }
0x284: {  	_ = 	snop  }
0x285: {  	[tilespmem:s12], [sflag:$0x2] =	stream.indirect_vreg.gather [hbm4b:s2+s3], $0x80, v3, vm0, $0xb8;
	[tilespmem:$0x1BD00] =	vst v63  }
.Ltmp10:
0x286: {  	_ = 	snop;
	(pc) =	sbr.rel .LBB2_2-.Ltmp10, $4  }
0x287: {  	_ = 	snop  }
0x288: {  	[tilespmem:s13], [sflag:$0x2] =	stream.indirect_vreg.gather [hbm4b:s6+s3], $0x80, v3, vm0, $0xb8;
	[tilespmem:$0x1BD00] =	vst v63  }
0x289: {  	p0 =	por $0x0, $0x0;
	s9 =	simm.s32 $0x2000  }
0x28a: {  	[tilespmem:s4], [sflag:$0x2] =	stream.indirect_vreg.gather [hbm4b:s7+s3], $0x80, v3, vm0, $0xb8;
	[tilespmem:$0x1BD00] =	vst v63  }
.LBB2_19:
0x28b: {  	_ =	sfence.sel $0x180000  }
0x28c: {  	[bflag:$0x0] =	sbarrier.arrive $0xFFFF  }
0x28d: {  	_ =	strace $0x90000047  }
0x28e: {  	s0 =	stileid.u32;
	[bflag:$0x2] =	sbarrier.arrive $0xFFFF  }
0x28f: {  	p0 =	sne.s32 s0, $0x0;
	s0 =	rddreg [dreg:$0x3]  }
0x290: {  	s0 =	sadd.s32 @!p0 $0x100000, s0  }
0x291: {  	[sflag:s0] =	ssyncadd.tile.s32 @!p0 $0x1;
	_ =	shalt  }
.Lfunc_end2:
_tile_overlayer_lowered:
.L_overlay_start_2:
0x292: {  	(tag) =	ssettag $0x2  }
0x293: {  	s0 =	rddreg [dreg:$0x0];
	s2 =	stileid.u32  }
0x294: {  	s1 =	rddreg [dreg:$0x1];
	p0 =	sne.s32 s2, $0x0  }
0x295: {  	s3 =	rddreg [dreg:$0x2];
	[bflag:$0x3] =	sbarrier.arrive $0xFFFF;
	s2 =	simm.s32 @!p0 $0x1C03  }
0x296: {  	[timem:s3], [sflag:s2] =	dma.local @!p0 [hbm:s0], s1  }
0x297: {  	s0 =	simm.s32 @!p0 $0x3  }
0x298: {  	_ =	swait.ge @!p0 [sflag:s0], s1  }
0x299: {  	s1 =	ssub.s32 @!p0 $0x0, s1;
	[sflag:s0] =	ssyncset.done @!p0 $0x0  }
0x29a: {  	[sflag:s0] =	ssyncadd.s32 @!p0 s1  }
0x29b: {  	[bflag:$0x3] =	sbarrier.arrive $0xFFFF  }
0x29c: {  	_ =	shalt  }

</sc_bundles>
